<compile_context>
chip_gen: v7x
topology: tpu7x:2x2x1
jax: 0.10.2.dev20260603
libtpu: 0.0.44.dev20260713+nightly
codegen_flags: <defaults>
</compile_context>

<pallas_src>
import functools

import jax
import jax.numpy as jnp
from jax import lax
from jax.experimental import pallas as pl
from jax.experimental.pallas import tpu as pltpu
from jax.experimental.pallas import tpu_sc as plsc

B = 16384
L = 20
N = B * L
RAD_D = 32
POS_D = 128
OUT_D = RAD_D + POS_D
POS_V = 512

NC = 2
NS = 16
NW = NC * NS
BG = B // 128
Q = BG // NW
D2G = OUT_D // 8
T_STEPS = L * Q


def _renorm_rows(x):
    ss = jnp.sum(x * x, axis=-1, keepdims=True)
    norm = jnp.sqrt(ss)
    scale = jnp.minimum(1.0, 1.0 / jnp.maximum(norm, 1e-7))
    return x * scale


def _rad_scale_kernel_t(tab_ref, out_ref):
    x = tab_ref[...]
    ss = jnp.sum(x * x, axis=0, keepdims=True)
    norm = jnp.sqrt(ss)
    out_ref[...] = jnp.minimum(1.0, 1.0 / jnp.maximum(norm, 1e-7))


def _rad_scales(table_t):
    blk = 4096
    r = table_t.shape[1]
    return pl.pallas_call(
        _rad_scale_kernel_t,
        grid=(pl.cdiv(r, blk),),
        in_specs=[pl.BlockSpec((RAD_D, blk), lambda i: (0, i))],
        out_specs=pl.BlockSpec((1, blk), lambda i: (0, i)),
        out_shape=jax.ShapeDtypeStruct((1, r), jnp.float32),
    )(table_t)


def _pos_renorm_t_kernel(tab_ref, out_ref):
    y = _renorm_rows(tab_ref[...])
    out_ref[...] = y[:POS_V, :].T


def _prescale_pos_t(table):
    return pl.pallas_call(
        _pos_renorm_t_kernel,
        out_shape=jax.ShapeDtypeStruct((POS_D, POS_V), table.dtype),
    )(table)


def _sc_gather_t(rad_tab, rad_scales, pos_tab_t, ridx3, pidx3):
    mesh = plsc.VectorSubcoreMesh(core_axis_name="c", subcore_axis_name="s")

    @functools.partial(
        pl.kernel,
        out_type=jax.ShapeDtypeStruct((L, D2G, BG, 8, 128), jnp.float32),
        mesh=mesh,
        compiler_params=pltpu.CompilerParams(
            use_tc_tiling_on_sc=False, needs_layout_passes=False),
        scratch_types=[
            pltpu.VMEM((POS_D, POS_V), jnp.float32),
            pltpu.VMEM((2, Q, 128), jnp.int32),
            pltpu.VMEM((2, Q, 128), jnp.int32),
            pltpu.VMEM((2, 128, RAD_D), jnp.float32),
            pltpu.VMEM((2, 128), jnp.float32),
            pltpu.VMEM((2, D2G, 8, 128), jnp.float32),
            pltpu.SemaphoreType.DMA,
            pltpu.SemaphoreType.DMA,
            pltpu.SemaphoreType.DMA,
            pltpu.SemaphoreType.DMA,
        ],
    )
    def k(rad_tab_hbm, rscale_hbm, pos_t_hbm, ridx_hbm, pidx_hbm, out5_hbm,
          pos_v, ridx_v, pidx_v, radrows_v, rscales_v, outb_v,
          gsem, ssem, wsem, isem):
        wid = lax.axis_index("s") * NC + lax.axis_index("c")
        g0 = wid * Q

        pltpu.sync_copy(pos_t_hbm, pos_v)
        pltpu.sync_copy(ridx_hbm.at[0, pl.ds(g0, Q)], ridx_v.at[0])
        pltpu.sync_copy(pidx_hbm.at[0, pl.ds(g0, Q)], pidx_v.at[0])

        lane_ids = [lax.iota(jnp.int32, 16) + (16 * g) for g in range(8)]
        d2_sp = [jnp.full((16,), d2, jnp.int32) for d2 in range(RAD_D)]

        def issue_idx(d1n):
            sl = d1n % 2
            pltpu.async_copy(ridx_hbm.at[d1n, pl.ds(g0, Q)], ridx_v.at[sl], isem)
            pltpu.async_copy(pidx_hbm.at[d1n, pl.ds(g0, Q)], pidx_v.at[sl], isem)

        def drain_idx():
            pltpu.make_async_copy(
                ridx_hbm.at[0, pl.ds(g0, Q)], ridx_v.at[0], isem).wait()
            pltpu.make_async_copy(
                pidx_hbm.at[0, pl.ds(g0, Q)], pidx_v.at[0], isem).wait()

        def issue_rad(t, slot):
            d1 = t // Q
            q = t % Q
            pltpu.async_copy(
                rad_tab_hbm.at[ridx_v.at[d1 % 2, q]], radrows_v.at[slot], gsem)
            pltpu.async_copy(
                rscale_hbm.at[ridx_v.at[d1 % 2, q]], rscales_v.at[slot], ssem)

        def drain_rad(slot):
            pltpu.make_async_copy(
                rad_tab_hbm.at[pl.ds(0, 128)], radrows_v.at[slot], gsem).wait()
            pltpu.make_async_copy(
                rscale_hbm.at[pl.ds(0, 128)], rscales_v.at[slot], ssem).wait()

        def drain_write(slot):
            pltpu.make_async_copy(
                outb_v.at[slot], out5_hbm.at[0, :, 0], wsem).wait()

        issue_rad(0, 0)

        def step(t, carry):
            d1 = t // Q
            q = t % Q
            slot = t % 2

            @pl.when(jnp.logical_and(q == 0, d1 + 1 < L))
            def _():
                issue_idx(d1 + 1)

            @pl.when(t + 1 < T_STEPS)
            def _():
                @pl.when(q == Q - 1)
                def _():
                    drain_idx()
                issue_rad(t + 1, 1 - slot)

            drain_rad(slot)

            @pl.when(t >= 2)
            def _():
                drain_write(slot)

            idx_g = [pidx_v[d1 % 2, q, pl.ds(16 * g, 16)] for g in range(8)]
            rad2d = radrows_v.at[slot]
            outb = outb_v.at[slot]

            @plsc.parallel_loop(0, POS_D, unroll=2)
            def pos_row(d2):
                sp = jnp.full((16,), d2, jnp.int32)
                row = RAD_D + d2
                for g in range(8):
                    outb[row // 8, row % 8, pl.ds(16 * g, 16)] = plsc.load_gather(
                        pos_v, [sp, idx_g[g]])

            scales_g = [rscales_v[slot, pl.ds(16 * g, 16)] for g in range(8)]

            @plsc.parallel_loop(0, RAD_D, unroll=4)
            def rad_row(d2):
                sp = jnp.full((16,), d2, jnp.int32)
                for g in range(8):
                    outb[d2 // 8, d2 % 8, pl.ds(16 * g, 16)] = scales_g[g] * \
                        plsc.load_gather(rad2d, [lane_ids[g], sp])

            pltpu.async_copy(outb, out5_hbm.at[d1, :, g0 + q], wsem)
            return carry

        lax.fori_loop(0, T_STEPS, step, 0, unroll=False)

        drain_write(0)
        drain_write(1)

    return k(rad_tab, rad_scales, pos_tab_t, ridx3, pidx3)


def kernel(radical_indices, position_labels, rademb_table, posemb_table):
    rad_tab = rademb_table.astype(jnp.float32)
    rad_sc = _rad_scales(rademb_table.T).reshape(rademb_table.shape[0])
    pos_tab_t = _prescale_pos_t(posemb_table)
    ridx3 = radical_indices.T.reshape(L, BG, 128).astype(jnp.int32)
    pidx3 = position_labels.T.reshape(L, BG, 128).astype(jnp.int32)
    out5 = _sc_gather_t(rad_tab, rad_sc, pos_tab_t, ridx3, pidx3)
    return out5.transpose(2, 4, 0, 1, 3).reshape(B, L, OUT_D)

# --- scband reference (transcript-rebuilt; emitter-appended) ---
"""Pipeline reference for scband-clustering-label-radicallist-encoder-3590592660107 (READ-ONLY COPY).

The authoritative reference and input builder live on the scoring server;
editing this copy changes nothing except your own understanding.
"""

import jax, jax.numpy as jnp
import numpy as np

NUM_RADICALS = 100000
EMBEDDING_DIM = 160
RADEMB_DIM = EMBEDDING_DIM - 128  # 32
POSEMB_DIM = 128
RADEMB_PAD = NUM_RADICALS          # 100000
POSEMB_PAD = 512
BATCH = 16384
LEN_RAD = 20


def setup_inputs(seed: int = 0) -> dict:
    key = jax.random.key(seed)
    k1, k2, k3, k4 = jax.random.split(key, 4)
    radical_indices = jax.random.randint(k1, (BATCH, LEN_RAD), 0, NUM_RADICALS, dtype=jnp.int64 if jax.config.jax_enable_x64 else jnp.int32)
    position_labels = jax.random.randint(k2, (BATCH, LEN_RAD), 0, 512, dtype=jnp.int64 if jax.config.jax_enable_x64 else jnp.int32)
    rademb_table = jax.random.normal(k3, (NUM_RADICALS + 1, RADEMB_DIM), dtype=jnp.float32)
    # padding_idx row is zero (as in nn.Embedding padding_idx init)
    rademb_table = rademb_table.at[RADEMB_PAD].set(0.0)
    posemb_table = jax.random.normal(k4, (512 + 1, POSEMB_DIM), dtype=jnp.float32)
    return {
        "radical_indices": radical_indices,
        "position_labels": position_labels,
        "rademb_table": rademb_table,
        "posemb_table": posemb_table,
    }


def _embed_max_norm(table, idx, max_norm=1.0, eps=1e-7):
    # nn.Embedding(max_norm=1): looked-up rows are renormalized so their L2 norm <= max_norm
    emb = jnp.take(table, idx, axis=0)
    norms = jnp.linalg.norm(emb, axis=-1, keepdims=True)
    scale = jnp.minimum(1.0, max_norm / jnp.maximum(norms, eps))
    return emb * scale


def reference(radical_indices, position_labels, rademb_table, posemb_table):
    batch_rademb = _embed_max_norm(rademb_table, radical_indices, 1.0)  # [B, L, 32]
    batch_posemb = _embed_max_norm(posemb_table, position_labels, 1.0)  # [B, L, 128]
    batch_embedding = jnp.concatenate((batch_rademb, batch_posemb), axis=2)  # [B, L, 160]
    return batch_embedding

if __name__ == "__main__":
    import jax
    _d = setup_inputs()
    print(jax.jit(kernel)(*tuple(_d.values())))

</pallas_src>

<mosaic_0001>
#map = affine_map<(d0, d1) -> (0, 0)>
#map1 = affine_map<(d0, d1) -> (0)>
#map2 = affine_map<(d0, d1) -> (0, 0, 0)>
#map3 = affine_map<(d0, d1) -> (0, 0, 0, 0, 0)>
module attributes {stable_mosaic.version = 14 : i64} {
  func.func @k(%arg0: i32, %arg1: i32, %arg2: memref<100001x32xf32, #tpu.memory_space<hbm>>, %arg3: memref<100001xf32, #tpu.memory_space<hbm>>, %arg4: memref<128x512xf32, #tpu.memory_space<hbm>>, %arg5: memref<20x128x128xi32, #tpu.memory_space<hbm>>, %arg6: memref<20x128x128xi32, #tpu.memory_space<hbm>>, %arg7: memref<20x20x128x8x128xf32, #tpu.memory_space<hbm>>, %arg8: memref<128x512xf32, #tpu.memory_space<vmem>>, %arg9: memref<2x4x128xi32, #tpu.memory_space<vmem>>, %arg10: memref<2x4x128xi32, #tpu.memory_space<vmem>>, %arg11: memref<2x128x32xf32, #tpu.memory_space<vmem>>, %arg12: memref<2x128xf32, #tpu.memory_space<vmem>>, %arg13: memref<2x20x8x128xf32, #tpu.memory_space<vmem>>, %arg14: memref<!tpu.dma_semaphore, #tpu.memory_space<semaphore_mem>>, %arg15: memref<!tpu.dma_semaphore, #tpu.memory_space<semaphore_mem>>, %arg16: memref<!tpu.dma_semaphore, #tpu.memory_space<semaphore_mem>>, %arg17: memref<!tpu.dma_semaphore, #tpu.memory_space<semaphore_mem>>) attributes {dimension_semantics = [#tpu.dimension_semantics<core_parallel>, #tpu.dimension_semantics<subcore_parallel>], iteration_bounds = array<i64: 2, 16>, scalar_prefetch = 0 : i64, scratch_operands = 10 : i64, tpu.core_type = #tpu.core_type<sc_vector_subcore>, window_params = [{transform_indices = #map}, {transform_indices = #map1}, {transform_indices = #map}, {transform_indices = #map2}, {transform_indices = #map2}, {transform_indices = #map3}]} {
    %mul3A = arith.constant 2 : i32
    %mul3A_0 = arith.muli %arg1, %mul3A : i32
    %add3A = arith.addi %mul3A_0, %arg0 : i32
    %mul3A_1 = arith.constant 4 : i32
    %mul3A_2 = arith.muli %add3A, %mul3A_1 : i32
    "tpu.region"() ({
      %run_scoped3A_173 = tpu.sem_alloc : memref<!tpu.dma_semaphore, #tpu.memory_space<semaphore_mem>>
      tpu.enqueue_dma source(%arg4 : memref<128x512xf32, #tpu.memory_space<hbm>>) target(%arg8 : memref<128x512xf32, #tpu.memory_space<vmem>>) target_semaphore(%run_scoped3A_173 : memref<!tpu.dma_semaphore, #tpu.memory_space<semaphore_mem>>)
      tpu.wait_dma2 semaphore(%run_scoped3A_173 : memref<!tpu.dma_semaphore, #tpu.memory_space<semaphore_mem>>) src(%arg4 : memref<128x512xf32, #tpu.memory_space<hbm>>) dst(%arg8 : memref<128x512xf32, #tpu.memory_space<vmem>>)
      tpu.yield
    }) : () -> ()
    %run_scoped3A = arith.constant 0 : i32
    %run_scoped3A_3 = arith.constant 0 : i32
    "tpu.region"() ({
      %run_scoped3A_173 = tpu.sem_alloc : memref<!tpu.dma_semaphore, #tpu.memory_space<semaphore_mem>>
      %dma_start3A_174 = arith.constant 0 : i32
      %dma_start3A_175 = arith.constant 0 : i32
      %dma_start3A_176 = tpu.memref_slice %arg9[%run_scoped3A_3, %dma_start3A_174, %dma_start3A_175] : memref<2x4x128xi32, #tpu.memory_space<vmem>> -> memref<1x4x128xi32, #tpu.memory_space<vmem>>
      %dma_start3A_177 = tpu.memref_squeeze %dma_start3A_176 : memref<1x4x128xi32, #tpu.memory_space<vmem>> -> memref<4x128xi32, #tpu.memory_space<vmem>>
      %dma_start3A_178 = arith.constant 0 : i32
      %dma_start3A_179 = tpu.memref_slice %arg5[%run_scoped3A, %mul3A_2, %dma_start3A_178] : memref<20x128x128xi32, #tpu.memory_space<hbm>> -> memref<1x4x128xi32, #tpu.memory_space<hbm>>
      %dma_start3A_180 = tpu.memref_squeeze %dma_start3A_179 : memref<1x4x128xi32, #tpu.memory_space<hbm>> -> memref<4x128xi32, #tpu.memory_space<hbm>>
      %dma_start3A_181 = arith.constant 0 : i32
      %dma_start3A_182 = arith.constant 0 : i32
      %dma_start3A_183 = tpu.memref_slice %arg9[%run_scoped3A_3, %dma_start3A_181, %dma_start3A_182] : memref<2x4x128xi32, #tpu.memory_space<vmem>> -> memref<1x4x128xi32, #tpu.memory_space<vmem>>
      %dma_start3A_184 = tpu.memref_squeeze %dma_start3A_183 : memref<1x4x128xi32, #tpu.memory_space<vmem>> -> memref<4x128xi32, #tpu.memory_space<vmem>>
      %dma_start3A_185 = arith.constant 0 : i32
      %dma_start3A_186 = tpu.memref_slice %arg5[%run_scoped3A, %mul3A_2, %dma_start3A_185] : memref<20x128x128xi32, #tpu.memory_space<hbm>> -> memref<1x4x128xi32, #tpu.memory_space<hbm>>
      %dma_start3A_187 = tpu.memref_squeeze %dma_start3A_186 : memref<1x4x128xi32, #tpu.memory_space<hbm>> -> memref<4x128xi32, #tpu.memory_space<hbm>>
      tpu.enqueue_dma source(%dma_start3A_187 : memref<4x128xi32, #tpu.memory_space<hbm>>) target(%dma_start3A_184 : memref<4x128xi32, #tpu.memory_space<vmem>>) target_semaphore(%run_scoped3A_173 : memref<!tpu.dma_semaphore, #tpu.memory_space<semaphore_mem>>)
      %dma_wait3A_188 = arith.constant 0 : i32
      %dma_wait3A_189 = arith.constant 0 : i32
      %dma_wait3A_190 = tpu.memref_slice %arg9[%run_scoped3A_3, %dma_wait3A_188, %dma_wait3A_189] : memref<2x4x128xi32, #tpu.memory_space<vmem>> -> memref<1x4x128xi32, #tpu.memory_space<vmem>>
      %dma_wait3A_191 = tpu.memref_squeeze %dma_wait3A_190 : memref<1x4x128xi32, #tpu.memory_space<vmem>> -> memref<4x128xi32, #tpu.memory_space<vmem>>
      %dma_wait3A_192 = arith.constant 0 : i32
      %dma_wait3A_193 = tpu.memref_slice %arg5[%run_scoped3A, %mul3A_2, %dma_wait3A_192] : memref<20x128x128xi32, #tpu.memory_space<hbm>> -> memref<1x4x128xi32, #tpu.memory_space<hbm>>
      %dma_wait3A_194 = tpu.memref_squeeze %dma_wait3A_193 : memref<1x4x128xi32, #tpu.memory_space<hbm>> -> memref<4x128xi32, #tpu.memory_space<hbm>>
      %dma_wait3A_195 = arith.constant 0 : i32
      %dma_wait3A_196 = arith.constant 0 : i32
      %dma_wait3A_197 = tpu.memref_slice %arg9[%run_scoped3A_3, %dma_wait3A_195, %dma_wait3A_196] : memref<2x4x128xi32, #tpu.memory_space<vmem>> -> memref<1x4x128xi32, #tpu.memory_space<vmem>>
      %dma_wait3A_198 = tpu.memref_squeeze %dma_wait3A_197 : memref<1x4x128xi32, #tpu.memory_space<vmem>> -> memref<4x128xi32, #tpu.memory_space<vmem>>
      %dma_wait3A_199 = arith.constant 0 : i32
      %dma_wait3A_200 = tpu.memref_slice %arg5[%run_scoped3A, %mul3A_2, %dma_wait3A_199] : memref<20x128x128xi32, #tpu.memory_space<hbm>> -> memref<1x4x128xi32, #tpu.memory_space<hbm>>
      %dma_wait3A_201 = tpu.memref_squeeze %dma_wait3A_200 : memref<1x4x128xi32, #tpu.memory_space<hbm>> -> memref<4x128xi32, #tpu.memory_space<hbm>>
      tpu.wait_dma2 semaphore(%run_scoped3A_173 : memref<!tpu.dma_semaphore, #tpu.memory_space<semaphore_mem>>) src(%dma_wait3A_201 : memref<4x128xi32, #tpu.memory_space<hbm>>) dst(%dma_wait3A_198 : memref<4x128xi32, #tpu.memory_space<vmem>>)
      tpu.yield
    }) : () -> ()
    %run_scoped3A_4 = arith.constant 0 : i32
    %run_scoped3A_5 = arith.constant 0 : i32
    "tpu.region"() ({
      %run_scoped3A_173 = tpu.sem_alloc : memref<!tpu.dma_semaphore, #tpu.memory_space<semaphore_mem>>
      %dma_start3A_174 = arith.constant 0 : i32
      %dma_start3A_175 = arith.constant 0 : i32
      %dma_start3A_176 = tpu.memref_slice %arg10[%run_scoped3A_5, %dma_start3A_174, %dma_start3A_175] : memref<2x4x128xi32, #tpu.memory_space<vmem>> -> memref<1x4x128xi32, #tpu.memory_space<vmem>>
      %dma_start3A_177 = tpu.memref_squeeze %dma_start3A_176 : memref<1x4x128xi32, #tpu.memory_space<vmem>> -> memref<4x128xi32, #tpu.memory_space<vmem>>
      %dma_start3A_178 = arith.constant 0 : i32
      %dma_start3A_179 = tpu.memref_slice %arg6[%run_scoped3A_4, %mul3A_2, %dma_start3A_178] : memref<20x128x128xi32, #tpu.memory_space<hbm>> -> memref<1x4x128xi32, #tpu.memory_space<hbm>>
      %dma_start3A_180 = tpu.memref_squeeze %dma_start3A_179 : memref<1x4x128xi32, #tpu.memory_space<hbm>> -> memref<4x128xi32, #tpu.memory_space<hbm>>
      %dma_start3A_181 = arith.constant 0 : i32
      %dma_start3A_182 = arith.constant 0 : i32
      %dma_start3A_183 = tpu.memref_slice %arg10[%run_scoped3A_5, %dma_start3A_181, %dma_start3A_182] : memref<2x4x128xi32, #tpu.memory_space<vmem>> -> memref<1x4x128xi32, #tpu.memory_space<vmem>>
      %dma_start3A_184 = tpu.memref_squeeze %dma_start3A_183 : memref<1x4x128xi32, #tpu.memory_space<vmem>> -> memref<4x128xi32, #tpu.memory_space<vmem>>
      %dma_start3A_185 = arith.constant 0 : i32
      %dma_start3A_186 = tpu.memref_slice %arg6[%run_scoped3A_4, %mul3A_2, %dma_start3A_185] : memref<20x128x128xi32, #tpu.memory_space<hbm>> -> memref<1x4x128xi32, #tpu.memory_space<hbm>>
      %dma_start3A_187 = tpu.memref_squeeze %dma_start3A_186 : memref<1x4x128xi32, #tpu.memory_space<hbm>> -> memref<4x128xi32, #tpu.memory_space<hbm>>
      tpu.enqueue_dma source(%dma_start3A_187 : memref<4x128xi32, #tpu.memory_space<hbm>>) target(%dma_start3A_184 : memref<4x128xi32, #tpu.memory_space<vmem>>) target_semaphore(%run_scoped3A_173 : memref<!tpu.dma_semaphore, #tpu.memory_space<semaphore_mem>>)
      %dma_wait3A_188 = arith.constant 0 : i32
      %dma_wait3A_189 = arith.constant 0 : i32
      %dma_wait3A_190 = tpu.memref_slice %arg10[%run_scoped3A_5, %dma_wait3A_188, %dma_wait3A_189] : memref<2x4x128xi32, #tpu.memory_space<vmem>> -> memref<1x4x128xi32, #tpu.memory_space<vmem>>
      %dma_wait3A_191 = tpu.memref_squeeze %dma_wait3A_190 : memref<1x4x128xi32, #tpu.memory_space<vmem>> -> memref<4x128xi32, #tpu.memory_space<vmem>>
      %dma_wait3A_192 = arith.constant 0 : i32
      %dma_wait3A_193 = tpu.memref_slice %arg6[%run_scoped3A_4, %mul3A_2, %dma_wait3A_192] : memref<20x128x128xi32, #tpu.memory_space<hbm>> -> memref<1x4x128xi32, #tpu.memory_space<hbm>>
      %dma_wait3A_194 = tpu.memref_squeeze %dma_wait3A_193 : memref<1x4x128xi32, #tpu.memory_space<hbm>> -> memref<4x128xi32, #tpu.memory_space<hbm>>
      %dma_wait3A_195 = arith.constant 0 : i32
      %dma_wait3A_196 = arith.constant 0 : i32
      %dma_wait3A_197 = tpu.memref_slice %arg10[%run_scoped3A_5, %dma_wait3A_195, %dma_wait3A_196] : memref<2x4x128xi32, #tpu.memory_space<vmem>> -> memref<1x4x128xi32, #tpu.memory_space<vmem>>
      %dma_wait3A_198 = tpu.memref_squeeze %dma_wait3A_197 : memref<1x4x128xi32, #tpu.memory_space<vmem>> -> memref<4x128xi32, #tpu.memory_space<vmem>>
      %dma_wait3A_199 = arith.constant 0 : i32
      %dma_wait3A_200 = tpu.memref_slice %arg6[%run_scoped3A_4, %mul3A_2, %dma_wait3A_199] : memref<20x128x128xi32, #tpu.memory_space<hbm>> -> memref<1x4x128xi32, #tpu.memory_space<hbm>>
      %dma_wait3A_201 = tpu.memref_squeeze %dma_wait3A_200 : memref<1x4x128xi32, #tpu.memory_space<hbm>> -> memref<4x128xi32, #tpu.memory_space<hbm>>
      tpu.wait_dma2 semaphore(%run_scoped3A_173 : memref<!tpu.dma_semaphore, #tpu.memory_space<semaphore_mem>>) src(%dma_wait3A_201 : memref<4x128xi32, #tpu.memory_space<hbm>>) dst(%dma_wait3A_198 : memref<4x128xi32, #tpu.memory_space<vmem>>)
      tpu.yield
    }) : () -> ()
    %iota3A = tpu.iota {dimensions = array<i32: 0>} : vector<16xi32>
    %add3A_6 = arith.constant 0 : i32
    %add3A_7 = vector.broadcast %add3A_6 : i32 to vector<16xi32>
    %add3A_8 = arith.addi %iota3A, %add3A_7 : vector<16xi32>
    %iota3A_9 = tpu.iota {dimensions = array<i32: 0>} : vector<16xi32>
    %add3A_10 = arith.constant 16 : i32
    %add3A_11 = vector.broadcast %add3A_10 : i32 to vector<16xi32>
    %add3A_12 = arith.addi %iota3A_9, %add3A_11 : vector<16xi32>
    %iota3A_13 = tpu.iota {dimensions = array<i32: 0>} : vector<16xi32>
    %add3A_14 = arith.constant 32 : i32
    %add3A_15 = vector.broadcast %add3A_14 : i32 to vector<16xi32>
    %add3A_16 = arith.addi %iota3A_13, %add3A_15 : vector<16xi32>
    %iota3A_17 = tpu.iota {dimensions = array<i32: 0>} : vector<16xi32>
    %add3A_18 = arith.constant 48 : i32
    %add3A_19 = vector.broadcast %add3A_18 : i32 to vector<16xi32>
    %add3A_20 = arith.addi %iota3A_17, %add3A_19 : vector<16xi32>
    %iota3A_21 = tpu.iota {dimensions = array<i32: 0>} : vector<16xi32>
    %add3A_22 = arith.constant 64 : i32
    %add3A_23 = vector.broadcast %add3A_22 : i32 to vector<16xi32>
    %add3A_24 = arith.addi %iota3A_21, %add3A_23 : vector<16xi32>
    %iota3A_25 = tpu.iota {dimensions = array<i32: 0>} : vector<16xi32>
    %add3A_26 = arith.constant 80 : i32
    %add3A_27 = vector.broadcast %add3A_26 : i32 to vector<16xi32>
    %add3A_28 = arith.addi %iota3A_25, %add3A_27 : vector<16xi32>
    %iota3A_29 = tpu.iota {dimensions = array<i32: 0>} : vector<16xi32>
    %add3A_30 = arith.constant 96 : i32
    %add3A_31 = vector.broadcast %add3A_30 : i32 to vector<16xi32>
    %add3A_32 = arith.addi %iota3A_29, %add3A_31 : vector<16xi32>
    %iota3A_33 = tpu.iota {dimensions = array<i32: 0>} : vector<16xi32>
    %add3A_34 = arith.constant 112 : i32
    %add3A_35 = vector.broadcast %add3A_34 : i32 to vector<16xi32>
    %add3A_36 = arith.addi %iota3A_33, %add3A_35 : vector<16xi32>
    %broadcast_in_dim3A = arith.constant 0 : i32
    %broadcast_in_dim3A_37 = vector.broadcast %broadcast_in_dim3A : i32 to vector<16xi32>
    %broadcast_in_dim3A_38 = arith.constant 1 : i32
    %broadcast_in_dim3A_39 = vector.broadcast %broadcast_in_dim3A_38 : i32 to vector<16xi32>
    %broadcast_in_dim3A_40 = arith.constant 2 : i32
    %broadcast_in_dim3A_41 = vector.broadcast %broadcast_in_dim3A_40 : i32 to vector<16xi32>
    %broadcast_in_dim3A_42 = arith.constant 3 : i32
    %broadcast_in_dim3A_43 = vector.broadcast %broadcast_in_dim3A_42 : i32 to vector<16xi32>
    %broadcast_in_dim3A_44 = arith.constant 4 : i32
    %broadcast_in_dim3A_45 = vector.broadcast %broadcast_in_dim3A_44 : i32 to vector<16xi32>
    %broadcast_in_dim3A_46 = arith.constant 5 : i32
    %broadcast_in_dim3A_47 = vector.broadcast %broadcast_in_dim3A_46 : i32 to vector<16xi32>
    %broadcast_in_dim3A_48 = arith.constant 6 : i32
    %broadcast_in_dim3A_49 = vector.broadcast %broadcast_in_dim3A_48 : i32 to vector<16xi32>
    %broadcast_in_dim3A_50 = arith.constant 7 : i32
    %broadcast_in_dim3A_51 = vector.broadcast %broadcast_in_dim3A_50 : i32 to vector<16xi32>
    %broadcast_in_dim3A_52 = arith.constant 8 : i32
    %broadcast_in_dim3A_53 = vector.broadcast %broadcast_in_dim3A_52 : i32 to vector<16xi32>
    %broadcast_in_dim3A_54 = arith.constant 9 : i32
    %broadcast_in_dim3A_55 = vector.broadcast %broadcast_in_dim3A_54 : i32 to vector<16xi32>
    %broadcast_in_dim3A_56 = arith.constant 10 : i32
    %broadcast_in_dim3A_57 = vector.broadcast %broadcast_in_dim3A_56 : i32 to vector<16xi32>
    %broadcast_in_dim3A_58 = arith.constant 11 : i32
    %broadcast_in_dim3A_59 = vector.broadcast %broadcast_in_dim3A_58 : i32 to vector<16xi32>
    %broadcast_in_dim3A_60 = arith.constant 12 : i32
    %broadcast_in_dim3A_61 = vector.broadcast %broadcast_in_dim3A_60 : i32 to vector<16xi32>
    %broadcast_in_dim3A_62 = arith.constant 13 : i32
    %broadcast_in_dim3A_63 = vector.broadcast %broadcast_in_dim3A_62 : i32 to vector<16xi32>
    %broadcast_in_dim3A_64 = arith.constant 14 : i32
    %broadcast_in_dim3A_65 = vector.broadcast %broadcast_in_dim3A_64 : i32 to vector<16xi32>
    %broadcast_in_dim3A_66 = arith.constant 15 : i32
    %broadcast_in_dim3A_67 = vector.broadcast %broadcast_in_dim3A_66 : i32 to vector<16xi32>
    %broadcast_in_dim3A_68 = arith.constant 16 : i32
    %broadcast_in_dim3A_69 = vector.broadcast %broadcast_in_dim3A_68 : i32 to vector<16xi32>
    %broadcast_in_dim3A_70 = arith.constant 17 : i32
    %broadcast_in_dim3A_71 = vector.broadcast %broadcast_in_dim3A_70 : i32 to vector<16xi32>
    %broadcast_in_dim3A_72 = arith.constant 18 : i32
    %broadcast_in_dim3A_73 = vector.broadcast %broadcast_in_dim3A_72 : i32 to vector<16xi32>
    %broadcast_in_dim3A_74 = arith.constant 19 : i32
    %broadcast_in_dim3A_75 = vector.broadcast %broadcast_in_dim3A_74 : i32 to vector<16xi32>
    %broadcast_in_dim3A_76 = arith.constant 20 : i32
    %broadcast_in_dim3A_77 = vector.broadcast %broadcast_in_dim3A_76 : i32 to vector<16xi32>
    %broadcast_in_dim3A_78 = arith.constant 21 : i32
    %broadcast_in_dim3A_79 = vector.broadcast %broadcast_in_dim3A_78 : i32 to vector<16xi32>
    %broadcast_in_dim3A_80 = arith.constant 22 : i32
    %broadcast_in_dim3A_81 = vector.broadcast %broadcast_in_dim3A_80 : i32 to vector<16xi32>
    %broadcast_in_dim3A_82 = arith.constant 23 : i32
    %broadcast_in_dim3A_83 = vector.broadcast %broadcast_in_dim3A_82 : i32 to vector<16xi32>
    %broadcast_in_dim3A_84 = arith.constant 24 : i32
    %broadcast_in_dim3A_85 = vector.broadcast %broadcast_in_dim3A_84 : i32 to vector<16xi32>
    %broadcast_in_dim3A_86 = arith.constant 25 : i32
    %broadcast_in_dim3A_87 = vector.broadcast %broadcast_in_dim3A_86 : i32 to vector<16xi32>
    %broadcast_in_dim3A_88 = arith.constant 26 : i32
    %broadcast_in_dim3A_89 = vector.broadcast %broadcast_in_dim3A_88 : i32 to vector<16xi32>
    %broadcast_in_dim3A_90 = arith.constant 27 : i32
    %broadcast_in_dim3A_91 = vector.broadcast %broadcast_in_dim3A_90 : i32 to vector<16xi32>
    %broadcast_in_dim3A_92 = arith.constant 28 : i32
    %broadcast_in_dim3A_93 = vector.broadcast %broadcast_in_dim3A_92 : i32 to vector<16xi32>
    %broadcast_in_dim3A_94 = arith.constant 29 : i32
    %broadcast_in_dim3A_95 = vector.broadcast %broadcast_in_dim3A_94 : i32 to vector<16xi32>
    %broadcast_in_dim3A_96 = arith.constant 30 : i32
    %broadcast_in_dim3A_97 = vector.broadcast %broadcast_in_dim3A_96 : i32 to vector<16xi32>
    %broadcast_in_dim3A_98 = arith.constant 31 : i32
    %broadcast_in_dim3A_99 = vector.broadcast %broadcast_in_dim3A_98 : i32 to vector<16xi32>
    %dma_start3A = arith.constant 0 : i32
    %dma_start3A_100 = arith.constant 0 : i32
    %dma_start3A_101 = arith.constant 0 : i32
    %dma_start3A_102 = arith.constant 0 : i32
    %dma_start3A_103 = arith.constant 0 : i32
    %dma_start3A_104 = tpu.memref_slice %arg11[%dma_start3A_101, %dma_start3A_102, %dma_start3A_103] : memref<2x128x32xf32, #tpu.memory_space<vmem>> -> memref<1x128x32xf32, #tpu.memory_space<vmem>>
    %dma_start3A_105 = tpu.memref_squeeze %dma_start3A_104 : memref<1x128x32xf32, #tpu.memory_space<vmem>> -> memref<128x32xf32, #tpu.memory_space<vmem>>
    %dma_start3A_106 = arith.constant 0 : i32
    %dma_start3A_107 = tpu.memref_slice %arg9[%dma_start3A, %dma_start3A_100, %dma_start3A_106] : memref<2x4x128xi32, #tpu.memory_space<vmem>> -> memref<1x1x128xi32, #tpu.memory_space<vmem>>
    %dma_start3A_108 = tpu.memref_squeeze %dma_start3A_107 : memref<1x1x128xi32, #tpu.memory_space<vmem>> -> memref<128xi32, #tpu.memory_space<vmem>>
    %dma_start3A_109 = arith.constant 0 : i32
    %dma_start3A_110 = arith.constant 0 : i32
    %dma_start3A_111 = tpu.memref_slice %arg2[%dma_start3A_109, %dma_start3A_110] : memref<100001x32xf32, #tpu.memory_space<hbm>> -> memref<100001x32xf32, #tpu.memory_space<hbm>>
    tpu.enqueue_indirect_dma source(%dma_start3A_111 : memref<100001x32xf32, #tpu.memory_space<hbm>>) target(%dma_start3A_105 : memref<128x32xf32, #tpu.memory_space<vmem>>) offsets(%dma_start3A_108 : memref<128xi32, #tpu.memory_space<vmem>>) semaphore(%arg14 : memref<!tpu.dma_semaphore, #tpu.memory_space<semaphore_mem>>)
    %dma_start3A_112 = arith.constant 0 : i32
    %dma_start3A_113 = arith.constant 0 : i32
    %dma_start3A_114 = arith.constant 0 : i32
    %dma_start3A_115 = arith.constant 0 : i32
    %dma_start3A_116 = tpu.memref_slice %arg12[%dma_start3A_114, %dma_start3A_115] : memref<2x128xf32, #tpu.memory_space<vmem>> -> memref<1x128xf32, #tpu.memory_space<vmem>>
    %dma_start3A_117 = tpu.memref_squeeze %dma_start3A_116 : memref<1x128xf32, #tpu.memory_space<vmem>> -> memref<128xf32, #tpu.memory_space<vmem>>
    %dma_start3A_118 = arith.constant 0 : i32
    %dma_start3A_119 = tpu.memref_slice %arg9[%dma_start3A_112, %dma_start3A_113, %dma_start3A_118] : memref<2x4x128xi32, #tpu.memory_space<vmem>> -> memref<1x1x128xi32, #tpu.memory_space<vmem>>
    %dma_start3A_120 = tpu.memref_squeeze %dma_start3A_119 : memref<1x1x128xi32, #tpu.memory_space<vmem>> -> memref<128xi32, #tpu.memory_space<vmem>>
    %dma_start3A_121 = arith.constant 0 : i32
    %dma_start3A_122 = tpu.memref_slice %arg3[%dma_start3A_121] : memref<100001xf32, #tpu.memory_space<hbm>> -> memref<100001xf32, #tpu.memory_space<hbm>>
    tpu.enqueue_indirect_dma source(%dma_start3A_122 : memref<100001xf32, #tpu.memory_space<hbm>>) target(%dma_start3A_117 : memref<128xf32, #tpu.memory_space<vmem>>) offsets(%dma_start3A_120 : memref<128xi32, #tpu.memory_space<vmem>>) semaphore(%arg15 : memref<!tpu.dma_semaphore, #tpu.memory_space<semaphore_mem>>)
    %scan3A = arith.constant 0 : i32
    %scan3A_123 = arith.constant 0 : i32
    %scan3A_124 = arith.constant 80 : i32
    %scan3A_125 = arith.addi %scan3A_123, %scan3A_124 : i32
    %scan3A_126 = arith.constant 1 : i32
    scf.for %scan3A_173 = %scan3A_123 to %scan3A_125 step %scan3A_126  : i32 {
      %jit3A = arith.constant 4 : i32
      %div3A = arith.divsi %scan3A_173, %jit3A : i32
      %sign3A = arith.constant 0 : i32
      %sign3A_174 = arith.cmpi sgt, %scan3A_173, %sign3A : i32
      %sign3A_175 = arith.extui %sign3A_174 : i1 to i32
      %sign3A_176 = arith.constant 0 : i32
      %sign3A_177 = arith.cmpi slt, %scan3A_173, %sign3A_176 : i32
      %sign3A_178 = arith.extui %sign3A_177 : i1 to i32
      %sign3A_179 = arith.subi %sign3A_175, %sign3A_178 : i32
      %sign3A_180 = arith.constant 0 : i32
      %sign3A_181 = arith.cmpi sgt, %jit3A, %sign3A_180 : i32
      %sign3A_182 = arith.extui %sign3A_181 : i1 to i32
      %sign3A_183 = arith.constant 0 : i32
      %sign3A_184 = arith.cmpi slt, %jit3A, %sign3A_183 : i32
      %sign3A_185 = arith.extui %sign3A_184 : i1 to i32
      %sign3A_186 = arith.subi %sign3A_182, %sign3A_185 : i32
      %ne3A = arith.cmpi ne, %sign3A_179, %sign3A_186 : i32
      %rem3A = arith.remsi %scan3A_173, %jit3A : i32
      %ne3A_187 = arith.constant 0 : i32
      %ne3A_188 = arith.cmpi ne, %rem3A, %ne3A_187 : i32
      %and3A = arith.andi %ne3A, %ne3A_188 : i1
      %sub3A = arith.constant 1 : i32
      %sub3A_189 = arith.subi %div3A, %sub3A : i32
      %select_n3A = arith.select %and3A, %sub3A_189, %div3A : i32
      %jit3A_190 = arith.constant 4 : i32
      %eq3A = arith.constant 0 : i32
      %eq3A_191 = arith.cmpi eq, %jit3A_190, %eq3A : i32
      %jit3A_192 = arith.constant 1 : i32
      %select_n3A_193 = arith.select %eq3A_191, %jit3A_192, %jit3A_190 : i32
      %rem3A_194 = arith.remsi %scan3A_173, %select_n3A_193 : i32
      %ne3A_195 = arith.constant 0 : i32
      %ne3A_196 = arith.cmpi ne, %rem3A_194, %ne3A_195 : i32
      %lt3A = arith.constant 0 : i32
      %lt3A_197 = arith.cmpi slt, %rem3A_194, %lt3A : i32
      %lt3A_198 = arith.constant 0 : i32
      %lt3A_199 = arith.cmpi slt, %select_n3A_193, %lt3A_198 : i32
      %ne3A_200 = arith.xori %lt3A_197, %lt3A_199 : i1
      %and3A_201 = arith.andi %ne3A_200, %ne3A_196 : i1
      %add3A_202 = arith.addi %rem3A_194, %select_n3A_193 : i32
      %select_n3A_203 = arith.select %and3A_201, %add3A_202, %rem3A_194 : i32
      %jit3A_204 = arith.constant 2 : i32
      %eq3A_205 = arith.constant 0 : i32
      %eq3A_206 = arith.cmpi eq, %jit3A_204, %eq3A_205 : i32
      %jit3A_207 = arith.constant 1 : i32
      %select_n3A_208 = arith.select %eq3A_206, %jit3A_207, %jit3A_204 : i32
      %rem3A_209 = arith.remsi %scan3A_173, %select_n3A_208 : i32
      %ne3A_210 = arith.constant 0 : i32
      %ne3A_211 = arith.cmpi ne, %rem3A_209, %ne3A_210 : i32
      %lt3A_212 = arith.constant 0 : i32
      %lt3A_213 = arith.cmpi slt, %rem3A_209, %lt3A_212 : i32
      %lt3A_214 = arith.constant 0 : i32
      %lt3A_215 = arith.cmpi slt, %select_n3A_208, %lt3A_214 : i32
      %ne3A_216 = arith.xori %lt3A_213, %lt3A_215 : i1
      %and3A_217 = arith.andi %ne3A_216, %ne3A_211 : i1
      %add3A_218 = arith.addi %rem3A_209, %select_n3A_208 : i32
      %select_n3A_219 = arith.select %and3A_217, %add3A_218, %rem3A_209 : i32
      %eq3A_220 = arith.constant 0 : i32
      %eq3A_221 = arith.cmpi eq, %select_n3A_203, %eq3A_220 : i32
      %add3A_222 = arith.constant 1 : i32
      %add3A_223 = arith.addi %select_n3A, %add3A_222 : i32
      %lt3A_224 = arith.constant 20 : i32
      %lt3A_225 = arith.cmpi slt, %add3A_223, %lt3A_224 : i32
      %and3A_226 = arith.andi %eq3A_221, %lt3A_225 : i1
      %convert_element_type3A = arith.extui %and3A_226 : i1 to i32
      %cond3A = arith.constant 0 : i32
      %cond3A_227 = arith.cmpi ne, %convert_element_type3A, %cond3A : i32
      scf.if %cond3A_227 {
        %add3A_472 = arith.constant 1 : i32
        %add3A_473 = arith.addi %select_n3A, %add3A_472 : i32
        %jit3A_474 = arith.constant 2 : i32
        %eq3A_475 = arith.constant 0 : i32
        %eq3A_476 = arith.cmpi eq, %jit3A_474, %eq3A_475 : i32
        %jit3A_477 = arith.constant 1 : i32
        %select_n3A_478 = arith.select %eq3A_476, %jit3A_477, %jit3A_474 : i32
        %rem3A_479 = arith.remsi %add3A_473, %select_n3A_478 : i32
        %ne3A_480 = arith.constant 0 : i32
        %ne3A_481 = arith.cmpi ne, %rem3A_479, %ne3A_480 : i32
        %lt3A_482 = arith.constant 0 : i32
        %lt3A_483 = arith.cmpi slt, %rem3A_479, %lt3A_482 : i32
        %lt3A_484 = arith.constant 0 : i32
        %lt3A_485 = arith.cmpi slt, %select_n3A_478, %lt3A_484 : i32
        %ne3A_486 = arith.xori %lt3A_483, %lt3A_485 : i1
        %and3A_487 = arith.andi %ne3A_486, %ne3A_481 : i1
        %add3A_488 = arith.addi %rem3A_479, %select_n3A_478 : i32
        %select_n3A_489 = arith.select %and3A_487, %add3A_488, %rem3A_479 : i32
        %dma_start3A_490 = arith.constant 0 : i32
        %dma_start3A_491 = arith.constant 0 : i32
        %dma_start3A_492 = tpu.memref_slice %arg9[%select_n3A_489, %dma_start3A_490, %dma_start3A_491] : memref<2x4x128xi32, #tpu.memory_space<vmem>> -> memref<1x4x128xi32, #tpu.memory_space<vmem>>
        %dma_start3A_493 = tpu.memref_squeeze %dma_start3A_492 : memref<1x4x128xi32, #tpu.memory_space<vmem>> -> memref<4x128xi32, #tpu.memory_space<vmem>>
        %dma_start3A_494 = arith.constant 0 : i32
        %dma_start3A_495 = tpu.memref_slice %arg5[%add3A_473, %mul3A_2, %dma_start3A_494] : memref<20x128x128xi32, #tpu.memory_space<hbm>> -> memref<1x4x128xi32, #tpu.memory_space<hbm>>
        %dma_start3A_496 = tpu.memref_squeeze %dma_start3A_495 : memref<1x4x128xi32, #tpu.memory_space<hbm>> -> memref<4x128xi32, #tpu.memory_space<hbm>>
        %dma_start3A_497 = arith.constant 0 : i32
        %dma_start3A_498 = arith.constant 0 : i32
        %dma_start3A_499 = tpu.memref_slice %arg9[%select_n3A_489, %dma_start3A_497, %dma_start3A_498] : memref<2x4x128xi32, #tpu.memory_space<vmem>> -> memref<1x4x128xi32, #tpu.memory_space<vmem>>
        %dma_start3A_500 = tpu.memref_squeeze %dma_start3A_499 : memref<1x4x128xi32, #tpu.memory_space<vmem>> -> memref<4x128xi32, #tpu.memory_space<vmem>>
        %dma_start3A_501 = arith.constant 0 : i32
        %dma_start3A_502 = tpu.memref_slice %arg5[%add3A_473, %mul3A_2, %dma_start3A_501] : memref<20x128x128xi32, #tpu.memory_space<hbm>> -> memref<1x4x128xi32, #tpu.memory_space<hbm>>
        %dma_start3A_503 = tpu.memref_squeeze %dma_start3A_502 : memref<1x4x128xi32, #tpu.memory_space<hbm>> -> memref<4x128xi32, #tpu.memory_space<hbm>>
        tpu.enqueue_dma source(%dma_start3A_503 : memref<4x128xi32, #tpu.memory_space<hbm>>) target(%dma_start3A_500 : memref<4x128xi32, #tpu.memory_space<vmem>>) target_semaphore(%arg17 : memref<!tpu.dma_semaphore, #tpu.memory_space<semaphore_mem>>)
        %dma_start3A_504 = arith.constant 0 : i32
        %dma_start3A_505 = arith.constant 0 : i32
        %dma_start3A_506 = tpu.memref_slice %arg10[%select_n3A_489, %dma_start3A_504, %dma_start3A_505] : memref<2x4x128xi32, #tpu.memory_space<vmem>> -> memref<1x4x128xi32, #tpu.memory_space<vmem>>
        %dma_start3A_507 = tpu.memref_squeeze %dma_start3A_506 : memref<1x4x128xi32, #tpu.memory_space<vmem>> -> memref<4x128xi32, #tpu.memory_space<vmem>>
        %dma_start3A_508 = arith.constant 0 : i32
        %dma_start3A_509 = tpu.memref_slice %arg6[%add3A_473, %mul3A_2, %dma_start3A_508] : memref<20x128x128xi32, #tpu.memory_space<hbm>> -> memref<1x4x128xi32, #tpu.memory_space<hbm>>
        %dma_start3A_510 = tpu.memref_squeeze %dma_start3A_509 : memref<1x4x128xi32, #tpu.memory_space<hbm>> -> memref<4x128xi32, #tpu.memory_space<hbm>>
        %dma_start3A_511 = arith.constant 0 : i32
        %dma_start3A_512 = arith.constant 0 : i32
        %dma_start3A_513 = tpu.memref_slice %arg10[%select_n3A_489, %dma_start3A_511, %dma_start3A_512] : memref<2x4x128xi32, #tpu.memory_space<vmem>> -> memref<1x4x128xi32, #tpu.memory_space<vmem>>
        %dma_start3A_514 = tpu.memref_squeeze %dma_start3A_513 : memref<1x4x128xi32, #tpu.memory_space<vmem>> -> memref<4x128xi32, #tpu.memory_space<vmem>>
        %dma_start3A_515 = arith.constant 0 : i32
        %dma_start3A_516 = tpu.memref_slice %arg6[%add3A_473, %mul3A_2, %dma_start3A_515] : memref<20x128x128xi32, #tpu.memory_space<hbm>> -> memref<1x4x128xi32, #tpu.memory_space<hbm>>
        %dma_start3A_517 = tpu.memref_squeeze %dma_start3A_516 : memref<1x4x128xi32, #tpu.memory_space<hbm>> -> memref<4x128xi32, #tpu.memory_space<hbm>>
        tpu.enqueue_dma source(%dma_start3A_517 : memref<4x128xi32, #tpu.memory_space<hbm>>) target(%dma_start3A_514 : memref<4x128xi32, #tpu.memory_space<vmem>>) target_semaphore(%arg17 : memref<!tpu.dma_semaphore, #tpu.memory_space<semaphore_mem>>)
      } else {
      }
      %add3A_228 = arith.constant 1 : i32
      %add3A_229 = arith.addi %scan3A_173, %add3A_228 : i32
      %lt3A_230 = arith.constant 80 : i32
      %lt3A_231 = arith.cmpi slt, %add3A_229, %lt3A_230 : i32
      %convert_element_type3A_232 = arith.extui %lt3A_231 : i1 to i32
      %cond3A_233 = arith.constant 0 : i32
      %cond3A_234 = arith.cmpi ne, %convert_element_type3A_232, %cond3A_233 : i32
      scf.if %cond3A_234 {
        %eq3A_472 = arith.constant 3 : i32
        %eq3A_473 = arith.cmpi eq, %select_n3A_203, %eq3A_472 : i32
        %convert_element_type3A_474 = arith.extui %eq3A_473 : i1 to i32
        %cond3A_475 = arith.constant 0 : i32
        %cond3A_476 = arith.cmpi ne, %convert_element_type3A_474, %cond3A_475 : i32
        scf.if %cond3A_476 {
          %dma_wait3A_571 = arith.constant 0 : i32
          %dma_wait3A_572 = arith.constant 0 : i32
          %dma_wait3A_573 = arith.constant 0 : i32
          %dma_wait3A_574 = arith.constant 0 : i32
          %dma_wait3A_575 = tpu.memref_slice %arg9[%dma_wait3A_572, %dma_wait3A_573, %dma_wait3A_574] : memref<2x4x128xi32, #tpu.memory_space<vmem>> -> memref<1x4x128xi32, #tpu.memory_space<vmem>>
          %dma_wait3A_576 = tpu.memref_squeeze %dma_wait3A_575 : memref<1x4x128xi32, #tpu.memory_space<vmem>> -> memref<4x128xi32, #tpu.memory_space<vmem>>
          %dma_wait3A_577 = arith.constant 0 : i32
          %dma_wait3A_578 = tpu.memref_slice %arg5[%dma_wait3A_571, %mul3A_2, %dma_wait3A_577] : memref<20x128x128xi32, #tpu.memory_space<hbm>> -> memref<1x4x128xi32, #tpu.memory_space<hbm>>
          %dma_wait3A_579 = tpu.memref_squeeze %dma_wait3A_578 : memref<1x4x128xi32, #tpu.memory_space<hbm>> -> memref<4x128xi32, #tpu.memory_space<hbm>>
          %dma_wait3A_580 = arith.constant 0 : i32
          %dma_wait3A_581 = arith.constant 0 : i32
          %dma_wait3A_582 = tpu.memref_slice %arg9[%dma_wait3A_572, %dma_wait3A_580, %dma_wait3A_581] : memref<2x4x128xi32, #tpu.memory_space<vmem>> -> memref<1x4x128xi32, #tpu.memory_space<vmem>>
          %dma_wait3A_583 = tpu.memref_squeeze %dma_wait3A_582 : memref<1x4x128xi32, #tpu.memory_space<vmem>> -> memref<4x128xi32, #tpu.memory_space<vmem>>
          %dma_wait3A_584 = arith.constant 0 : i32
          %dma_wait3A_585 = tpu.memref_slice %arg5[%dma_wait3A_571, %mul3A_2, %dma_wait3A_584] : memref<20x128x128xi32, #tpu.memory_space<hbm>> -> memref<1x4x128xi32, #tpu.memory_space<hbm>>
          %dma_wait3A_586 = tpu.memref_squeeze %dma_wait3A_585 : memref<1x4x128xi32, #tpu.memory_space<hbm>> -> memref<4x128xi32, #tpu.memory_space<hbm>>
          tpu.wait_dma2 semaphore(%arg17 : memref<!tpu.dma_semaphore, #tpu.memory_space<semaphore_mem>>) src(%dma_wait3A_586 : memref<4x128xi32, #tpu.memory_space<hbm>>) dst(%dma_wait3A_583 : memref<4x128xi32, #tpu.memory_space<vmem>>)
          %dma_wait3A_587 = arith.constant 0 : i32
          %dma_wait3A_588 = arith.constant 0 : i32
          %dma_wait3A_589 = arith.constant 0 : i32
          %dma_wait3A_590 = arith.constant 0 : i32
          %dma_wait3A_591 = tpu.memref_slice %arg10[%dma_wait3A_588, %dma_wait3A_589, %dma_wait3A_590] : memref<2x4x128xi32, #tpu.memory_space<vmem>> -> memref<1x4x128xi32, #tpu.memory_space<vmem>>
          %dma_wait3A_592 = tpu.memref_squeeze %dma_wait3A_591 : memref<1x4x128xi32, #tpu.memory_space<vmem>> -> memref<4x128xi32, #tpu.memory_space<vmem>>
          %dma_wait3A_593 = arith.constant 0 : i32
          %dma_wait3A_594 = tpu.memref_slice %arg6[%dma_wait3A_587, %mul3A_2, %dma_wait3A_593] : memref<20x128x128xi32, #tpu.memory_space<hbm>> -> memref<1x4x128xi32, #tpu.memory_space<hbm>>
          %dma_wait3A_595 = tpu.memref_squeeze %dma_wait3A_594 : memref<1x4x128xi32, #tpu.memory_space<hbm>> -> memref<4x128xi32, #tpu.memory_space<hbm>>
          %dma_wait3A_596 = arith.constant 0 : i32
          %dma_wait3A_597 = arith.constant 0 : i32
          %dma_wait3A_598 = tpu.memref_slice %arg10[%dma_wait3A_588, %dma_wait3A_596, %dma_wait3A_597] : memref<2x4x128xi32, #tpu.memory_space<vmem>> -> memref<1x4x128xi32, #tpu.memory_space<vmem>>
          %dma_wait3A_599 = tpu.memref_squeeze %dma_wait3A_598 : memref<1x4x128xi32, #tpu.memory_space<vmem>> -> memref<4x128xi32, #tpu.memory_space<vmem>>
          %dma_wait3A_600 = arith.constant 0 : i32
          %dma_wait3A_601 = tpu.memref_slice %arg6[%dma_wait3A_587, %mul3A_2, %dma_wait3A_600] : memref<20x128x128xi32, #tpu.memory_space<hbm>> -> memref<1x4x128xi32, #tpu.memory_space<hbm>>
          %dma_wait3A_602 = tpu.memref_squeeze %dma_wait3A_601 : memref<1x4x128xi32, #tpu.memory_space<hbm>> -> memref<4x128xi32, #tpu.memory_space<hbm>>
          tpu.wait_dma2 semaphore(%arg17 : memref<!tpu.dma_semaphore, #tpu.memory_space<semaphore_mem>>) src(%dma_wait3A_602 : memref<4x128xi32, #tpu.memory_space<hbm>>) dst(%dma_wait3A_599 : memref<4x128xi32, #tpu.memory_space<vmem>>)
        } else {
        }
        %add3A_477 = arith.constant 1 : i32
        %add3A_478 = arith.addi %scan3A_173, %add3A_477 : i32
        %sub3A_479 = arith.constant 1 : i32
        %sub3A_480 = arith.subi %sub3A_479, %select_n3A_219 : i32
        %jit3A_481 = arith.constant 4 : i32
        %div3A_482 = arith.divsi %add3A_478, %jit3A_481 : i32
        %sign3A_483 = arith.constant 0 : i32
        %sign3A_484 = arith.cmpi sgt, %add3A_478, %sign3A_483 : i32
        %sign3A_485 = arith.extui %sign3A_484 : i1 to i32
        %sign3A_486 = arith.constant 0 : i32
        %sign3A_487 = arith.cmpi slt, %add3A_478, %sign3A_486 : i32
        %sign3A_488 = arith.extui %sign3A_487 : i1 to i32
        %sign3A_489 = arith.subi %sign3A_485, %sign3A_488 : i32
        %sign3A_490 = arith.constant 0 : i32
        %sign3A_491 = arith.cmpi sgt, %jit3A_481, %sign3A_490 : i32
        %sign3A_492 = arith.extui %sign3A_491 : i1 to i32
        %sign3A_493 = arith.constant 0 : i32
        %sign3A_494 = arith.cmpi slt, %jit3A_481, %sign3A_493 : i32
        %sign3A_495 = arith.extui %sign3A_494 : i1 to i32
        %sign3A_496 = arith.subi %sign3A_492, %sign3A_495 : i32
        %ne3A_497 = arith.cmpi ne, %sign3A_489, %sign3A_496 : i32
        %rem3A_498 = arith.remsi %add3A_478, %jit3A_481 : i32
        %ne3A_499 = arith.constant 0 : i32
        %ne3A_500 = arith.cmpi ne, %rem3A_498, %ne3A_499 : i32
        %and3A_501 = arith.andi %ne3A_497, %ne3A_500 : i1
        %sub3A_502 = arith.constant 1 : i32
        %sub3A_503 = arith.subi %div3A_482, %sub3A_502 : i32
        %select_n3A_504 = arith.select %and3A_501, %sub3A_503, %div3A_482 : i32
        %jit3A_505 = arith.constant 4 : i32
        %eq3A_506 = arith.constant 0 : i32
        %eq3A_507 = arith.cmpi eq, %jit3A_505, %eq3A_506 : i32
        %jit3A_508 = arith.constant 1 : i32
        %select_n3A_509 = arith.select %eq3A_507, %jit3A_508, %jit3A_505 : i32
        %rem3A_510 = arith.remsi %add3A_478, %select_n3A_509 : i32
        %ne3A_511 = arith.constant 0 : i32
        %ne3A_512 = arith.cmpi ne, %rem3A_510, %ne3A_511 : i32
        %lt3A_513 = arith.constant 0 : i32
        %lt3A_514 = arith.cmpi slt, %rem3A_510, %lt3A_513 : i32
        %lt3A_515 = arith.constant 0 : i32
        %lt3A_516 = arith.cmpi slt, %select_n3A_509, %lt3A_515 : i32
        %ne3A_517 = arith.xori %lt3A_514, %lt3A_516 : i1
        %and3A_518 = arith.andi %ne3A_517, %ne3A_512 : i1
        %add3A_519 = arith.addi %rem3A_510, %select_n3A_509 : i32
        %select_n3A_520 = arith.select %and3A_518, %add3A_519, %rem3A_510 : i32
        %jit3A_521 = arith.constant 2 : i32
        %eq3A_522 = arith.constant 0 : i32
        %eq3A_523 = arith.cmpi eq, %jit3A_521, %eq3A_522 : i32
        %jit3A_524 = arith.constant 1 : i32
        %select_n3A_525 = arith.select %eq3A_523, %jit3A_524, %jit3A_521 : i32
        %rem3A_526 = arith.remsi %select_n3A_504, %select_n3A_525 : i32
        %ne3A_527 = arith.constant 0 : i32
        %ne3A_528 = arith.cmpi ne, %rem3A_526, %ne3A_527 : i32
        %lt3A_529 = arith.constant 0 : i32
        %lt3A_530 = arith.cmpi slt, %rem3A_526, %lt3A_529 : i32
        %lt3A_531 = arith.constant 0 : i32
        %lt3A_532 = arith.cmpi slt, %select_n3A_525, %lt3A_531 : i32
        %ne3A_533 = arith.xori %lt3A_530, %lt3A_532 : i1
        %and3A_534 = arith.andi %ne3A_533, %ne3A_528 : i1
        %add3A_535 = arith.addi %rem3A_526, %select_n3A_525 : i32
        %select_n3A_536 = arith.select %and3A_534, %add3A_535, %rem3A_526 : i32
        %dma_start3A_537 = arith.constant 0 : i32
        %dma_start3A_538 = arith.constant 0 : i32
        %dma_start3A_539 = tpu.memref_slice %arg11[%sub3A_480, %dma_start3A_537, %dma_start3A_538] : memref<2x128x32xf32, #tpu.memory_space<vmem>> -> memref<1x128x32xf32, #tpu.memory_space<vmem>>
        %dma_start3A_540 = tpu.memref_squeeze %dma_start3A_539 : memref<1x128x32xf32, #tpu.memory_space<vmem>> -> memref<128x32xf32, #tpu.memory_space<vmem>>
        %dma_start3A_541 = arith.constant 0 : i32
        %dma_start3A_542 = tpu.memref_slice %arg9[%select_n3A_536, %select_n3A_520, %dma_start3A_541] : memref<2x4x128xi32, #tpu.memory_space<vmem>> -> memref<1x1x128xi32, #tpu.memory_space<vmem>>
        %dma_start3A_543 = tpu.memref_squeeze %dma_start3A_542 : memref<1x1x128xi32, #tpu.memory_space<vmem>> -> memref<128xi32, #tpu.memory_space<vmem>>
        %dma_start3A_544 = arith.constant 0 : i32
        %dma_start3A_545 = arith.constant 0 : i32
        %dma_start3A_546 = tpu.memref_slice %arg2[%dma_start3A_544, %dma_start3A_545] : memref<100001x32xf32, #tpu.memory_space<hbm>> -> memref<100001x32xf32, #tpu.memory_space<hbm>>
        tpu.enqueue_indirect_dma source(%dma_start3A_546 : memref<100001x32xf32, #tpu.memory_space<hbm>>) target(%dma_start3A_540 : memref<128x32xf32, #tpu.memory_space<vmem>>) offsets(%dma_start3A_543 : memref<128xi32, #tpu.memory_space<vmem>>) semaphore(%arg14 : memref<!tpu.dma_semaphore, #tpu.memory_space<semaphore_mem>>)
        %jit3A_547 = arith.constant 2 : i32
        %eq3A_548 = arith.constant 0 : i32
        %eq3A_549 = arith.cmpi eq, %jit3A_547, %eq3A_548 : i32
        %jit3A_550 = arith.constant 1 : i32
        %select_n3A_551 = arith.select %eq3A_549, %jit3A_550, %jit3A_547 : i32
        %rem3A_552 = arith.remsi %select_n3A_504, %select_n3A_551 : i32
        %ne3A_553 = arith.constant 0 : i32
        %ne3A_554 = arith.cmpi ne, %rem3A_552, %ne3A_553 : i32
        %lt3A_555 = arith.constant 0 : i32
        %lt3A_556 = arith.cmpi slt, %rem3A_552, %lt3A_555 : i32
        %lt3A_557 = arith.constant 0 : i32
        %lt3A_558 = arith.cmpi slt, %select_n3A_551, %lt3A_557 : i32
        %ne3A_559 = arith.xori %lt3A_556, %lt3A_558 : i1
        %and3A_560 = arith.andi %ne3A_559, %ne3A_554 : i1
        %add3A_561 = arith.addi %rem3A_552, %select_n3A_551 : i32
        %select_n3A_562 = arith.select %and3A_560, %add3A_561, %rem3A_552 : i32
        %dma_start3A_563 = arith.constant 0 : i32
        %dma_start3A_564 = tpu.memref_slice %arg12[%sub3A_480, %dma_start3A_563] : memref<2x128xf32, #tpu.memory_space<vmem>> -> memref<1x128xf32, #tpu.memory_space<vmem>>
        %dma_start3A_565 = tpu.memref_squeeze %dma_start3A_564 : memref<1x128xf32, #tpu.memory_space<vmem>> -> memref<128xf32, #tpu.memory_space<vmem>>
        %dma_start3A_566 = arith.constant 0 : i32
        %dma_start3A_567 = tpu.memref_slice %arg9[%select_n3A_562, %select_n3A_520, %dma_start3A_566] : memref<2x4x128xi32, #tpu.memory_space<vmem>> -> memref<1x1x128xi32, #tpu.memory_space<vmem>>
        %dma_start3A_568 = tpu.memref_squeeze %dma_start3A_567 : memref<1x1x128xi32, #tpu.memory_space<vmem>> -> memref<128xi32, #tpu.memory_space<vmem>>
        %dma_start3A_569 = arith.constant 0 : i32
        %dma_start3A_570 = tpu.memref_slice %arg3[%dma_start3A_569] : memref<100001xf32, #tpu.memory_space<hbm>> -> memref<100001xf32, #tpu.memory_space<hbm>>
        tpu.enqueue_indirect_dma source(%dma_start3A_570 : memref<100001xf32, #tpu.memory_space<hbm>>) target(%dma_start3A_565 : memref<128xf32, #tpu.memory_space<vmem>>) offsets(%dma_start3A_568 : memref<128xi32, #tpu.memory_space<vmem>>) semaphore(%arg15 : memref<!tpu.dma_semaphore, #tpu.memory_space<semaphore_mem>>)
      } else {
      }
      %dma_wait3A_235 = arith.constant 0 : i32
      %dma_wait3A_236 = arith.constant 0 : i32
      %dma_wait3A_237 = tpu.memref_slice %arg11[%select_n3A_219, %dma_wait3A_235, %dma_wait3A_236] : memref<2x128x32xf32, #tpu.memory_space<vmem>> -> memref<1x128x32xf32, #tpu.memory_space<vmem>>
      %dma_wait3A_238 = tpu.memref_squeeze %dma_wait3A_237 : memref<1x128x32xf32, #tpu.memory_space<vmem>> -> memref<128x32xf32, #tpu.memory_space<vmem>>
      %dma_wait3A_239 = arith.constant 0 : i32
      %dma_wait3A_240 = arith.constant 0 : i32
      %dma_wait3A_241 = tpu.memref_slice %arg2[%dma_wait3A_239, %dma_wait3A_240] : memref<100001x32xf32, #tpu.memory_space<hbm>> -> memref<128x32xf32, #tpu.memory_space<hbm>>
      %dma_wait3A_242 = arith.constant 0 : i32
      %dma_wait3A_243 = arith.constant 0 : i32
      %dma_wait3A_244 = tpu.memref_slice %arg11[%select_n3A_219, %dma_wait3A_242, %dma_wait3A_243] : memref<2x128x32xf32, #tpu.memory_space<vmem>> -> memref<1x128x32xf32, #tpu.memory_space<vmem>>
      %dma_wait3A_245 = tpu.memref_squeeze %dma_wait3A_244 : memref<1x128x32xf32, #tpu.memory_space<vmem>> -> memref<128x32xf32, #tpu.memory_space<vmem>>
      %dma_wait3A_246 = arith.constant 0 : i32
      %dma_wait3A_247 = arith.constant 0 : i32
      %dma_wait3A_248 = tpu.memref_slice %arg2[%dma_wait3A_246, %dma_wait3A_247] : memref<100001x32xf32, #tpu.memory_space<hbm>> -> memref<128x32xf32, #tpu.memory_space<hbm>>
      tpu.wait_dma2 semaphore(%arg14 : memref<!tpu.dma_semaphore, #tpu.memory_space<semaphore_mem>>) src(%dma_wait3A_248 : memref<128x32xf32, #tpu.memory_space<hbm>>) dst(%dma_wait3A_245 : memref<128x32xf32, #tpu.memory_space<vmem>>)
      %dma_wait3A_249 = arith.constant 0 : i32
      %dma_wait3A_250 = tpu.memref_slice %arg12[%select_n3A_219, %dma_wait3A_249] : memref<2x128xf32, #tpu.memory_space<vmem>> -> memref<1x128xf32, #tpu.memory_space<vmem>>
      %dma_wait3A_251 = tpu.memref_squeeze %dma_wait3A_250 : memref<1x128xf32, #tpu.memory_space<vmem>> -> memref<128xf32, #tpu.memory_space<vmem>>
      %dma_wait3A_252 = arith.constant 0 : i32
      %dma_wait3A_253 = tpu.memref_slice %arg3[%dma_wait3A_252] : memref<100001xf32, #tpu.memory_space<hbm>> -> memref<128xf32, #tpu.memory_space<hbm>>
      %dma_wait3A_254 = arith.constant 0 : i32
      %dma_wait3A_255 = tpu.memref_slice %arg12[%select_n3A_219, %dma_wait3A_254] : memref<2x128xf32, #tpu.memory_space<vmem>> -> memref<1x128xf32, #tpu.memory_space<vmem>>
      %dma_wait3A_256 = tpu.memref_squeeze %dma_wait3A_255 : memref<1x128xf32, #tpu.memory_space<vmem>> -> memref<128xf32, #tpu.memory_space<vmem>>
      %dma_wait3A_257 = arith.constant 0 : i32
      %dma_wait3A_258 = tpu.memref_slice %arg3[%dma_wait3A_257] : memref<100001xf32, #tpu.memory_space<hbm>> -> memref<128xf32, #tpu.memory_space<hbm>>
      tpu.wait_dma2 semaphore(%arg15 : memref<!tpu.dma_semaphore, #tpu.memory_space<semaphore_mem>>) src(%dma_wait3A_258 : memref<128xf32, #tpu.memory_space<hbm>>) dst(%dma_wait3A_256 : memref<128xf32, #tpu.memory_space<vmem>>)
      %ge3A = arith.constant 2 : i32
      %ge3A_259 = arith.cmpi sge, %scan3A_173, %ge3A : i32
      %convert_element_type3A_260 = arith.extui %ge3A_259 : i1 to i32
      %cond3A_261 = arith.constant 0 : i32
      %cond3A_262 = arith.cmpi ne, %convert_element_type3A_260, %cond3A_261 : i32
      scf.if %cond3A_262 {
        %dma_wait3A_472 = arith.constant 0 : i32
        %dma_wait3A_473 = arith.constant 0 : i32
        %dma_wait3A_474 = arith.constant 0 : i32
        %dma_wait3A_475 = arith.constant 0 : i32
        %dma_wait3A_476 = arith.constant 0 : i32
        %dma_wait3A_477 = tpu.memref_slice %arg13[%select_n3A_219, %dma_wait3A_474, %dma_wait3A_475, %dma_wait3A_476] : memref<2x20x8x128xf32, #tpu.memory_space<vmem>> -> memref<1x20x8x128xf32, #tpu.memory_space<vmem>>
        %dma_wait3A_478 = tpu.memref_squeeze %dma_wait3A_477 : memref<1x20x8x128xf32, #tpu.memory_space<vmem>> -> memref<20x8x128xf32, #tpu.memory_space<vmem>>
        %dma_wait3A_479 = arith.constant 0 : i32
        %dma_wait3A_480 = arith.constant 0 : i32
        %dma_wait3A_481 = arith.constant 0 : i32
        %dma_wait3A_482 = tpu.memref_slice %arg7[%dma_wait3A_472, %dma_wait3A_479, %dma_wait3A_473, %dma_wait3A_480, %dma_wait3A_481] : memref<20x20x128x8x128xf32, #tpu.memory_space<hbm>> -> memref<1x20x1x8x128xf32, #tpu.memory_space<hbm>>
        %dma_wait3A_483 = tpu.memref_squeeze %dma_wait3A_482 : memref<1x20x1x8x128xf32, #tpu.memory_space<hbm>> -> memref<20x8x128xf32, #tpu.memory_space<hbm>>
        %dma_wait3A_484 = arith.constant 0 : i32
        %dma_wait3A_485 = arith.constant 0 : i32
        %dma_wait3A_486 = arith.constant 0 : i32
        %dma_wait3A_487 = tpu.memref_slice %arg7[%dma_wait3A_472, %dma_wait3A_484, %dma_wait3A_473, %dma_wait3A_485, %dma_wait3A_486] : memref<20x20x128x8x128xf32, #tpu.memory_space<hbm>> -> memref<1x20x1x8x128xf32, #tpu.memory_space<hbm>>
        %dma_wait3A_488 = tpu.memref_squeeze %dma_wait3A_487 : memref<1x20x1x8x128xf32, #tpu.memory_space<hbm>> -> memref<20x8x128xf32, #tpu.memory_space<hbm>>
        %dma_wait3A_489 = arith.constant 0 : i32
        %dma_wait3A_490 = arith.constant 0 : i32
        %dma_wait3A_491 = arith.constant 0 : i32
        %dma_wait3A_492 = tpu.memref_slice %arg13[%select_n3A_219, %dma_wait3A_489, %dma_wait3A_490, %dma_wait3A_491] : memref<2x20x8x128xf32, #tpu.memory_space<vmem>> -> memref<1x20x8x128xf32, #tpu.memory_space<vmem>>
        %dma_wait3A_493 = tpu.memref_squeeze %dma_wait3A_492 : memref<1x20x8x128xf32, #tpu.memory_space<vmem>> -> memref<20x8x128xf32, #tpu.memory_space<vmem>>
        tpu.wait_dma2 semaphore(%arg16 : memref<!tpu.dma_semaphore, #tpu.memory_space<semaphore_mem>>) src(%dma_wait3A_493 : memref<20x8x128xf32, #tpu.memory_space<vmem>>) dst(%dma_wait3A_488 : memref<20x8x128xf32, #tpu.memory_space<hbm>>)
      } else {
      }
      %jit3A_263 = arith.constant 2 : i32
      %eq3A_264 = arith.constant 0 : i32
      %eq3A_265 = arith.cmpi eq, %jit3A_263, %eq3A_264 : i32
      %jit3A_266 = arith.constant 1 : i32
      %select_n3A_267 = arith.select %eq3A_265, %jit3A_266, %jit3A_263 : i32
      %rem3A_268 = arith.remsi %select_n3A, %select_n3A_267 : i32
      %ne3A_269 = arith.constant 0 : i32
      %ne3A_270 = arith.cmpi ne, %rem3A_268, %ne3A_269 : i32
      %lt3A_271 = arith.constant 0 : i32
      %lt3A_272 = arith.cmpi slt, %rem3A_268, %lt3A_271 : i32
      %lt3A_273 = arith.constant 0 : i32
      %lt3A_274 = arith.cmpi slt, %select_n3A_267, %lt3A_273 : i32
      %ne3A_275 = arith.xori %lt3A_272, %lt3A_274 : i1
      %and3A_276 = arith.andi %ne3A_275, %ne3A_270 : i1
      %add3A_277 = arith.addi %rem3A_268, %select_n3A_267 : i32
      %select_n3A_278 = arith.select %and3A_276, %add3A_277, %rem3A_268 : i32
      %get3A = arith.index_cast %select_n3A_278 : i32 to index
      %get3A_279 = arith.index_cast %select_n3A_203 : i32 to index
      %get3A_280 = arith.constant 0 : index
      %get3A_281 = tpu.vector_load %arg10[%get3A, %get3A_279, %get3A_280] {strides = array<i32>} : memref<2x4x128xi32, #tpu.memory_space<vmem>>, vector<16xi32>,
      %jit3A_282 = arith.constant 2 : i32
      %eq3A_283 = arith.constant 0 : i32
      %eq3A_284 = arith.cmpi eq, %jit3A_282, %eq3A_283 : i32
      %jit3A_285 = arith.constant 1 : i32
      %select_n3A_286 = arith.select %eq3A_284, %jit3A_285, %jit3A_282 : i32
      %rem3A_287 = arith.remsi %select_n3A, %select_n3A_286 : i32
      %ne3A_288 = arith.constant 0 : i32
      %ne3A_289 = arith.cmpi ne, %rem3A_287, %ne3A_288 : i32
      %lt3A_290 = arith.constant 0 : i32
      %lt3A_291 = arith.cmpi slt, %rem3A_287, %lt3A_290 : i32
      %lt3A_292 = arith.constant 0 : i32
      %lt3A_293 = arith.cmpi slt, %select_n3A_286, %lt3A_292 : i32
      %ne3A_294 = arith.xori %lt3A_291, %lt3A_293 : i1
      %and3A_295 = arith.andi %ne3A_294, %ne3A_289 : i1
      %add3A_296 = arith.addi %rem3A_287, %select_n3A_286 : i32
      %select_n3A_297 = arith.select %and3A_295, %add3A_296, %rem3A_287 : i32
      %get3A_298 = arith.index_cast %select_n3A_297 : i32 to index
      %get3A_299 = arith.index_cast %select_n3A_203 : i32 to index
      %get3A_300 = arith.constant 16 : index
      %get3A_301 = tpu.vector_load %arg10[%get3A_298, %get3A_299, %get3A_300] {strides = array<i32>} : memref<2x4x128xi32, #tpu.memory_space<vmem>>, vector<16xi32>,
      %jit3A_302 = arith.constant 2 : i32
      %eq3A_303 = arith.constant 0 : i32
      %eq3A_304 = arith.cmpi eq, %jit3A_302, %eq3A_303 : i32
      %jit3A_305 = arith.constant 1 : i32
      %select_n3A_306 = arith.select %eq3A_304, %jit3A_305, %jit3A_302 : i32
      %rem3A_307 = arith.remsi %select_n3A, %select_n3A_306 : i32
      %ne3A_308 = arith.constant 0 : i32
      %ne3A_309 = arith.cmpi ne, %rem3A_307, %ne3A_308 : i32
      %lt3A_310 = arith.constant 0 : i32
      %lt3A_311 = arith.cmpi slt, %rem3A_307, %lt3A_310 : i32
      %lt3A_312 = arith.constant 0 : i32
      %lt3A_313 = arith.cmpi slt, %select_n3A_306, %lt3A_312 : i32
      %ne3A_314 = arith.xori %lt3A_311, %lt3A_313 : i1
      %and3A_315 = arith.andi %ne3A_314, %ne3A_309 : i1
      %add3A_316 = arith.addi %rem3A_307, %select_n3A_306 : i32
      %select_n3A_317 = arith.select %and3A_315, %add3A_316, %rem3A_307 : i32
      %get3A_318 = arith.index_cast %select_n3A_317 : i32 to index
      %get3A_319 = arith.index_cast %select_n3A_203 : i32 to index
      %get3A_320 = arith.constant 32 : index
      %get3A_321 = tpu.vector_load %arg10[%get3A_318, %get3A_319, %get3A_320] {strides = array<i32>} : memref<2x4x128xi32, #tpu.memory_space<vmem>>, vector<16xi32>,
      %jit3A_322 = arith.constant 2 : i32
      %eq3A_323 = arith.constant 0 : i32
      %eq3A_324 = arith.cmpi eq, %jit3A_322, %eq3A_323 : i32
      %jit3A_325 = arith.constant 1 : i32
      %select_n3A_326 = arith.select %eq3A_324, %jit3A_325, %jit3A_322 : i32
      %rem3A_327 = arith.remsi %select_n3A, %select_n3A_326 : i32
      %ne3A_328 = arith.constant 0 : i32
      %ne3A_329 = arith.cmpi ne, %rem3A_327, %ne3A_328 : i32
      %lt3A_330 = arith.constant 0 : i32
      %lt3A_331 = arith.cmpi slt, %rem3A_327, %lt3A_330 : i32
      %lt3A_332 = arith.constant 0 : i32
      %lt3A_333 = arith.cmpi slt, %select_n3A_326, %lt3A_332 : i32
      %ne3A_334 = arith.xori %lt3A_331, %lt3A_333 : i1
      %and3A_335 = arith.andi %ne3A_334, %ne3A_329 : i1
      %add3A_336 = arith.addi %rem3A_327, %select_n3A_326 : i32
      %select_n3A_337 = arith.select %and3A_335, %add3A_336, %rem3A_327 : i32
      %get3A_338 = arith.index_cast %select_n3A_337 : i32 to index
      %get3A_339 = arith.index_cast %select_n3A_203 : i32 to index
      %get3A_340 = arith.constant 48 : index
      %get3A_341 = tpu.vector_load %arg10[%get3A_338, %get3A_339, %get3A_340] {strides = array<i32>} : memref<2x4x128xi32, #tpu.memory_space<vmem>>, vector<16xi32>,
      %jit3A_342 = arith.constant 2 : i32
      %eq3A_343 = arith.constant 0 : i32
      %eq3A_344 = arith.cmpi eq, %jit3A_342, %eq3A_343 : i32
      %jit3A_345 = arith.constant 1 : i32
      %select_n3A_346 = arith.select %eq3A_344, %jit3A_345, %jit3A_342 : i32
      %rem3A_347 = arith.remsi %select_n3A, %select_n3A_346 : i32
      %ne3A_348 = arith.constant 0 : i32
      %ne3A_349 = arith.cmpi ne, %rem3A_347, %ne3A_348 : i32
      %lt3A_350 = arith.constant 0 : i32
      %lt3A_351 = arith.cmpi slt, %rem3A_347, %lt3A_350 : i32
      %lt3A_352 = arith.constant 0 : i32
      %lt3A_353 = arith.cmpi slt, %select_n3A_346, %lt3A_352 : i32
      %ne3A_354 = arith.xori %lt3A_351, %lt3A_353 : i1
      %and3A_355 = arith.andi %ne3A_354, %ne3A_349 : i1
      %add3A_356 = arith.addi %rem3A_347, %select_n3A_346 : i32
      %select_n3A_357 = arith.select %and3A_355, %add3A_356, %rem3A_347 : i32
      %get3A_358 = arith.index_cast %select_n3A_357 : i32 to index
      %get3A_359 = arith.index_cast %select_n3A_203 : i32 to index
      %get3A_360 = arith.constant 64 : index
      %get3A_361 = tpu.vector_load %arg10[%get3A_358, %get3A_359, %get3A_360] {strides = array<i32>} : memref<2x4x128xi32, #tpu.memory_space<vmem>>, vector<16xi32>,
      %jit3A_362 = arith.constant 2 : i32
      %eq3A_363 = arith.constant 0 : i32
      %eq3A_364 = arith.cmpi eq, %jit3A_362, %eq3A_363 : i32
      %jit3A_365 = arith.constant 1 : i32
      %select_n3A_366 = arith.select %eq3A_364, %jit3A_365, %jit3A_362 : i32
      %rem3A_367 = arith.remsi %select_n3A, %select_n3A_366 : i32
      %ne3A_368 = arith.constant 0 : i32
      %ne3A_369 = arith.cmpi ne, %rem3A_367, %ne3A_368 : i32
      %lt3A_370 = arith.constant 0 : i32
      %lt3A_371 = arith.cmpi slt, %rem3A_367, %lt3A_370 : i32
      %lt3A_372 = arith.constant 0 : i32
      %lt3A_373 = arith.cmpi slt, %select_n3A_366, %lt3A_372 : i32
      %ne3A_374 = arith.xori %lt3A_371, %lt3A_373 : i1
      %and3A_375 = arith.andi %ne3A_374, %ne3A_369 : i1
      %add3A_376 = arith.addi %rem3A_367, %select_n3A_366 : i32
      %select_n3A_377 = arith.select %and3A_375, %add3A_376, %rem3A_367 : i32
      %get3A_378 = arith.index_cast %select_n3A_377 : i32 to index
      %get3A_379 = arith.index_cast %select_n3A_203 : i32 to index
      %get3A_380 = arith.constant 80 : index
      %get3A_381 = tpu.vector_load %arg10[%get3A_378, %get3A_379, %get3A_380] {strides = array<i32>} : memref<2x4x128xi32, #tpu.memory_space<vmem>>, vector<16xi32>,
      %jit3A_382 = arith.constant 2 : i32
      %eq3A_383 = arith.constant 0 : i32
      %eq3A_384 = arith.cmpi eq, %jit3A_382, %eq3A_383 : i32
      %jit3A_385 = arith.constant 1 : i32
      %select_n3A_386 = arith.select %eq3A_384, %jit3A_385, %jit3A_382 : i32
      %rem3A_387 = arith.remsi %select_n3A, %select_n3A_386 : i32
      %ne3A_388 = arith.constant 0 : i32
      %ne3A_389 = arith.cmpi ne, %rem3A_387, %ne3A_388 : i32
      %lt3A_390 = arith.constant 0 : i32
      %lt3A_391 = arith.cmpi slt, %rem3A_387, %lt3A_390 : i32
      %lt3A_392 = arith.constant 0 : i32
      %lt3A_393 = arith.cmpi slt, %select_n3A_386, %lt3A_392 : i32
      %ne3A_394 = arith.xori %lt3A_391, %lt3A_393 : i1
      %and3A_395 = arith.andi %ne3A_394, %ne3A_389 : i1
      %add3A_396 = arith.addi %rem3A_387, %select_n3A_386 : i32
      %select_n3A_397 = arith.select %and3A_395, %add3A_396, %rem3A_387 : i32
      %get3A_398 = arith.index_cast %select_n3A_397 : i32 to index
      %get3A_399 = arith.index_cast %select_n3A_203 : i32 to index
      %get3A_400 = arith.constant 96 : index
      %get3A_401 = tpu.vector_load %arg10[%get3A_398, %get3A_399, %get3A_400] {strides = array<i32>} : memref<2x4x128xi32, #tpu.memory_space<vmem>>, vector<16xi32>,
      %jit3A_402 = arith.constant 2 : i32
      %eq3A_403 = arith.constant 0 : i32
      %eq3A_404 = arith.cmpi eq, %jit3A_402, %eq3A_403 : i32
      %jit3A_405 = arith.constant 1 : i32
      %select_n3A_406 = arith.select %eq3A_404, %jit3A_405, %jit3A_402 : i32
      %rem3A_407 = arith.remsi %select_n3A, %select_n3A_406 : i32
      %ne3A_408 = arith.constant 0 : i32
      %ne3A_409 = arith.cmpi ne, %rem3A_407, %ne3A_408 : i32
      %lt3A_410 = arith.constant 0 : i32
      %lt3A_411 = arith.cmpi slt, %rem3A_407, %lt3A_410 : i32
      %lt3A_412 = arith.constant 0 : i32
      %lt3A_413 = arith.cmpi slt, %select_n3A_406, %lt3A_412 : i32
      %ne3A_414 = arith.xori %lt3A_411, %lt3A_413 : i1
      %and3A_415 = arith.andi %ne3A_414, %ne3A_409 : i1
      %add3A_416 = arith.addi %rem3A_407, %select_n3A_406 : i32
      %select_n3A_417 = arith.select %and3A_415, %add3A_416, %rem3A_407 : i32
      %get3A_418 = arith.index_cast %select_n3A_417 : i32 to index
      %get3A_419 = arith.index_cast %select_n3A_203 : i32 to index
      %get3A_420 = arith.constant 112 : index
      %get3A_421 = tpu.vector_load %arg10[%get3A_418, %get3A_419, %get3A_420] {strides = array<i32>} : memref<2x4x128xi32, #tpu.memory_space<vmem>>, vector<16xi32>,
      %parallel_loop3A = arith.constant 0 : i32
      %parallel_loop3A_422 = arith.constant 128 : i32
      %parallel_loop3A_423 = arith.constant 1 : i32
      scf.for %parallel_loop3A_472 = %parallel_loop3A to %parallel_loop3A_422 step %parallel_loop3A_423  : i32 {
        %parallel_loop3A_473 = vector.broadcast %parallel_loop3A_472 : i32 to vector<16xi32>
        %parallel_loop3A_474 = arith.constant 32 : i32
        %parallel_loop3A_475 = arith.addi %parallel_loop3A_474, %parallel_loop3A_472 : i32
        %parallel_loop3A_476 = tpu.vector_load_idx %arg8[%parallel_loop3A_473, %get3A_281] : memref<128x512xf32, #tpu.memory_space<vmem>>[vector<16xi32>, vector<16xi32>], vector<16xf32>,
        %parallel_loop3A_477 = arith.constant 8 : i32
        %parallel_loop3A_478 = arith.divsi %parallel_loop3A_475, %parallel_loop3A_477 : i32
        %parallel_loop3A_479 = arith.constant 0 : i32
        %parallel_loop3A_480 = arith.cmpi sgt, %parallel_loop3A_475, %parallel_loop3A_479 : i32
        %parallel_loop3A_481 = arith.extui %parallel_loop3A_480 : i1 to i32
        %parallel_loop3A_482 = arith.constant 0 : i32
        %parallel_loop3A_483 = arith.cmpi slt, %parallel_loop3A_475, %parallel_loop3A_482 : i32
        %parallel_loop3A_484 = arith.extui %parallel_loop3A_483 : i1 to i32
        %parallel_loop3A_485 = arith.subi %parallel_loop3A_481, %parallel_loop3A_484 : i32
        %parallel_loop3A_486 = arith.constant 0 : i32
        %parallel_loop3A_487 = arith.cmpi sgt, %parallel_loop3A_477, %parallel_loop3A_486 : i32
        %parallel_loop3A_488 = arith.extui %parallel_loop3A_487 : i1 to i32
        %parallel_loop3A_489 = arith.constant 0 : i32
        %parallel_loop3A_490 = arith.cmpi slt, %parallel_loop3A_477, %parallel_loop3A_489 : i32
        %parallel_loop3A_491 = arith.extui %parallel_loop3A_490 : i1 to i32
        %parallel_loop3A_492 = arith.subi %parallel_loop3A_488, %parallel_loop3A_491 : i32
        %parallel_loop3A_493 = arith.cmpi ne, %parallel_loop3A_485, %parallel_loop3A_492 : i32
        %parallel_loop3A_494 = arith.remsi %parallel_loop3A_475, %parallel_loop3A_477 : i32
        %parallel_loop3A_495 = arith.constant 0 : i32
        %parallel_loop3A_496 = arith.cmpi ne, %parallel_loop3A_494, %parallel_loop3A_495 : i32
        %parallel_loop3A_497 = arith.andi %parallel_loop3A_493, %parallel_loop3A_496 : i1
        %parallel_loop3A_498 = arith.constant 1 : i32
        %parallel_loop3A_499 = arith.subi %parallel_loop3A_478, %parallel_loop3A_498 : i32
        %parallel_loop3A_500 = arith.select %parallel_loop3A_497, %parallel_loop3A_499, %parallel_loop3A_478 : i32
        %parallel_loop3A_501 = arith.constant 8 : i32
        %parallel_loop3A_502 = arith.constant 0 : i32
        %parallel_loop3A_503 = arith.cmpi eq, %parallel_loop3A_501, %parallel_loop3A_502 : i32
        %parallel_loop3A_504 = arith.constant 1 : i32
        %parallel_loop3A_505 = arith.select %parallel_loop3A_503, %parallel_loop3A_504, %parallel_loop3A_501 : i32
        %parallel_loop3A_506 = arith.remsi %parallel_loop3A_475, %parallel_loop3A_505 : i32
        %parallel_loop3A_507 = arith.constant 0 : i32
        %parallel_loop3A_508 = arith.cmpi ne, %parallel_loop3A_506, %parallel_loop3A_507 : i32
        %parallel_loop3A_509 = arith.constant 0 : i32
        %parallel_loop3A_510 = arith.cmpi slt, %parallel_loop3A_506, %parallel_loop3A_509 : i32
        %parallel_loop3A_511 = arith.constant 0 : i32
        %parallel_loop3A_512 = arith.cmpi slt, %parallel_loop3A_505, %parallel_loop3A_511 : i32
        %parallel_loop3A_513 = arith.xori %parallel_loop3A_510, %parallel_loop3A_512 : i1
        %parallel_loop3A_514 = arith.andi %parallel_loop3A_513, %parallel_loop3A_508 : i1
        %parallel_loop3A_515 = arith.addi %parallel_loop3A_506, %parallel_loop3A_505 : i32
        %parallel_loop3A_516 = arith.select %parallel_loop3A_514, %parallel_loop3A_515, %parallel_loop3A_506 : i32
        %parallel_loop3A_517 = arith.constant 0 : i32
        %parallel_loop3A_518 = arith.constant 0 : i32
        %parallel_loop3A_519 = arith.constant 0 : i32
        %parallel_loop3A_520 = tpu.memref_slice %arg13[%select_n3A_219, %parallel_loop3A_517, %parallel_loop3A_518, %parallel_loop3A_519] : memref<2x20x8x128xf32, #tpu.memory_space<vmem>> -> memref<1x20x8x128xf32, #tpu.memory_space<vmem>>
        %parallel_loop3A_521 = tpu.memref_squeeze %parallel_loop3A_520 : memref<1x20x8x128xf32, #tpu.memory_space<vmem>> -> memref<20x8x128xf32, #tpu.memory_space<vmem>>
        %parallel_loop3A_522 = arith.index_cast %parallel_loop3A_500 : i32 to index
        %parallel_loop3A_523 = arith.index_cast %parallel_loop3A_516 : i32 to index
        %parallel_loop3A_524 = arith.constant 0 : index
        %parallel_loop3A_525 = tpu.vector_load %parallel_loop3A_521[%parallel_loop3A_522, %parallel_loop3A_523, %parallel_loop3A_524] {strides = array<i32>} : memref<20x8x128xf32, #tpu.memory_space<vmem>>, vector<16xf32>,
        tpu.vector_store %parallel_loop3A_521[%parallel_loop3A_522, %parallel_loop3A_523, %parallel_loop3A_524], %parallel_loop3A_476 {strides = array<i32>} : memref<20x8x128xf32, #tpu.memory_space<vmem>>, vector<16xf32>,
        %parallel_loop3A_526 = tpu.vector_load_idx %arg8[%parallel_loop3A_473, %get3A_301] : memref<128x512xf32, #tpu.memory_space<vmem>>[vector<16xi32>, vector<16xi32>], vector<16xf32>,
        %parallel_loop3A_527 = arith.constant 8 : i32
        %parallel_loop3A_528 = arith.divsi %parallel_loop3A_475, %parallel_loop3A_527 : i32
        %parallel_loop3A_529 = arith.constant 0 : i32
        %parallel_loop3A_530 = arith.cmpi sgt, %parallel_loop3A_475, %parallel_loop3A_529 : i32
        %parallel_loop3A_531 = arith.extui %parallel_loop3A_530 : i1 to i32
        %parallel_loop3A_532 = arith.constant 0 : i32
        %parallel_loop3A_533 = arith.cmpi slt, %parallel_loop3A_475, %parallel_loop3A_532 : i32
        %parallel_loop3A_534 = arith.extui %parallel_loop3A_533 : i1 to i32
        %parallel_loop3A_535 = arith.subi %parallel_loop3A_531, %parallel_loop3A_534 : i32
        %parallel_loop3A_536 = arith.constant 0 : i32
        %parallel_loop3A_537 = arith.cmpi sgt, %parallel_loop3A_527, %parallel_loop3A_536 : i32
        %parallel_loop3A_538 = arith.extui %parallel_loop3A_537 : i1 to i32
        %parallel_loop3A_539 = arith.constant 0 : i32
        %parallel_loop3A_540 = arith.cmpi slt, %parallel_loop3A_527, %parallel_loop3A_539 : i32
        %parallel_loop3A_541 = arith.extui %parallel_loop3A_540 : i1 to i32
        %parallel_loop3A_542 = arith.subi %parallel_loop3A_538, %parallel_loop3A_541 : i32
        %parallel_loop3A_543 = arith.cmpi ne, %parallel_loop3A_535, %parallel_loop3A_542 : i32
        %parallel_loop3A_544 = arith.remsi %parallel_loop3A_475, %parallel_loop3A_527 : i32
        %parallel_loop3A_545 = arith.constant 0 : i32
        %parallel_loop3A_546 = arith.cmpi ne, %parallel_loop3A_544, %parallel_loop3A_545 : i32
        %parallel_loop3A_547 = arith.andi %parallel_loop3A_543, %parallel_loop3A_546 : i1
        %parallel_loop3A_548 = arith.constant 1 : i32
        %parallel_loop3A_549 = arith.subi %parallel_loop3A_528, %parallel_loop3A_548 : i32
        %parallel_loop3A_550 = arith.select %parallel_loop3A_547, %parallel_loop3A_549, %parallel_loop3A_528 : i32
        %parallel_loop3A_551 = arith.constant 8 : i32
        %parallel_loop3A_552 = arith.constant 0 : i32
        %parallel_loop3A_553 = arith.cmpi eq, %parallel_loop3A_551, %parallel_loop3A_552 : i32
        %parallel_loop3A_554 = arith.constant 1 : i32
        %parallel_loop3A_555 = arith.select %parallel_loop3A_553, %parallel_loop3A_554, %parallel_loop3A_551 : i32
        %parallel_loop3A_556 = arith.remsi %parallel_loop3A_475, %parallel_loop3A_555 : i32
        %parallel_loop3A_557 = arith.constant 0 : i32
        %parallel_loop3A_558 = arith.cmpi ne, %parallel_loop3A_556, %parallel_loop3A_557 : i32
        %parallel_loop3A_559 = arith.constant 0 : i32
        %parallel_loop3A_560 = arith.cmpi slt, %parallel_loop3A_556, %parallel_loop3A_559 : i32
        %parallel_loop3A_561 = arith.constant 0 : i32
        %parallel_loop3A_562 = arith.cmpi slt, %parallel_loop3A_555, %parallel_loop3A_561 : i32
        %parallel_loop3A_563 = arith.xori %parallel_loop3A_560, %parallel_loop3A_562 : i1
        %parallel_loop3A_564 = arith.andi %parallel_loop3A_563, %parallel_loop3A_558 : i1
        %parallel_loop3A_565 = arith.addi %parallel_loop3A_556, %parallel_loop3A_555 : i32
        %parallel_loop3A_566 = arith.select %parallel_loop3A_564, %parallel_loop3A_565, %parallel_loop3A_556 : i32
        %parallel_loop3A_567 = arith.constant 0 : i32
        %parallel_loop3A_568 = arith.constant 0 : i32
        %parallel_loop3A_569 = arith.constant 0 : i32
        %parallel_loop3A_570 = tpu.memref_slice %arg13[%select_n3A_219, %parallel_loop3A_567, %parallel_loop3A_568, %parallel_loop3A_569] : memref<2x20x8x128xf32, #tpu.memory_space<vmem>> -> memref<1x20x8x128xf32, #tpu.memory_space<vmem>>
        %parallel_loop3A_571 = tpu.memref_squeeze %parallel_loop3A_570 : memref<1x20x8x128xf32, #tpu.memory_space<vmem>> -> memref<20x8x128xf32, #tpu.memory_space<vmem>>
        %parallel_loop3A_572 = arith.index_cast %parallel_loop3A_550 : i32 to index
        %parallel_loop3A_573 = arith.index_cast %parallel_loop3A_566 : i32 to index
        %parallel_loop3A_574 = arith.constant 16 : index
        %parallel_loop3A_575 = tpu.vector_load %parallel_loop3A_571[%parallel_loop3A_572, %parallel_loop3A_573, %parallel_loop3A_574] {strides = array<i32>} : memref<20x8x128xf32, #tpu.memory_space<vmem>>, vector<16xf32>,
        tpu.vector_store %parallel_loop3A_571[%parallel_loop3A_572, %parallel_loop3A_573, %parallel_loop3A_574], %parallel_loop3A_526 {strides = array<i32>} : memref<20x8x128xf32, #tpu.memory_space<vmem>>, vector<16xf32>,
        %parallel_loop3A_576 = tpu.vector_load_idx %arg8[%parallel_loop3A_473, %get3A_321] : memref<128x512xf32, #tpu.memory_space<vmem>>[vector<16xi32>, vector<16xi32>], vector<16xf32>,
        %parallel_loop3A_577 = arith.constant 8 : i32
        %parallel_loop3A_578 = arith.divsi %parallel_loop3A_475, %parallel_loop3A_577 : i32
        %parallel_loop3A_579 = arith.constant 0 : i32
        %parallel_loop3A_580 = arith.cmpi sgt, %parallel_loop3A_475, %parallel_loop3A_579 : i32
        %parallel_loop3A_581 = arith.extui %parallel_loop3A_580 : i1 to i32
        %parallel_loop3A_582 = arith.constant 0 : i32
        %parallel_loop3A_583 = arith.cmpi slt, %parallel_loop3A_475, %parallel_loop3A_582 : i32
        %parallel_loop3A_584 = arith.extui %parallel_loop3A_583 : i1 to i32
        %parallel_loop3A_585 = arith.subi %parallel_loop3A_581, %parallel_loop3A_584 : i32
        %parallel_loop3A_586 = arith.constant 0 : i32
        %parallel_loop3A_587 = arith.cmpi sgt, %parallel_loop3A_577, %parallel_loop3A_586 : i32
        %parallel_loop3A_588 = arith.extui %parallel_loop3A_587 : i1 to i32
        %parallel_loop3A_589 = arith.constant 0 : i32
        %parallel_loop3A_590 = arith.cmpi slt, %parallel_loop3A_577, %parallel_loop3A_589 : i32
        %parallel_loop3A_591 = arith.extui %parallel_loop3A_590 : i1 to i32
        %parallel_loop3A_592 = arith.subi %parallel_loop3A_588, %parallel_loop3A_591 : i32
        %parallel_loop3A_593 = arith.cmpi ne, %parallel_loop3A_585, %parallel_loop3A_592 : i32
        %parallel_loop3A_594 = arith.remsi %parallel_loop3A_475, %parallel_loop3A_577 : i32
        %parallel_loop3A_595 = arith.constant 0 : i32
        %parallel_loop3A_596 = arith.cmpi ne, %parallel_loop3A_594, %parallel_loop3A_595 : i32
        %parallel_loop3A_597 = arith.andi %parallel_loop3A_593, %parallel_loop3A_596 : i1
        %parallel_loop3A_598 = arith.constant 1 : i32
        %parallel_loop3A_599 = arith.subi %parallel_loop3A_578, %parallel_loop3A_598 : i32
        %parallel_loop3A_600 = arith.select %parallel_loop3A_597, %parallel_loop3A_599, %parallel_loop3A_578 : i32
        %parallel_loop3A_601 = arith.constant 8 : i32
        %parallel_loop3A_602 = arith.constant 0 : i32
        %parallel_loop3A_603 = arith.cmpi eq, %parallel_loop3A_601, %parallel_loop3A_602 : i32
        %parallel_loop3A_604 = arith.constant 1 : i32
        %parallel_loop3A_605 = arith.select %parallel_loop3A_603, %parallel_loop3A_604, %parallel_loop3A_601 : i32
        %parallel_loop3A_606 = arith.remsi %parallel_loop3A_475, %parallel_loop3A_605 : i32
        %parallel_loop3A_607 = arith.constant 0 : i32
        %parallel_loop3A_608 = arith.cmpi ne, %parallel_loop3A_606, %parallel_loop3A_607 : i32
        %parallel_loop3A_609 = arith.constant 0 : i32
        %parallel_loop3A_610 = arith.cmpi slt, %parallel_loop3A_606, %parallel_loop3A_609 : i32
        %parallel_loop3A_611 = arith.constant 0 : i32
        %parallel_loop3A_612 = arith.cmpi slt, %parallel_loop3A_605, %parallel_loop3A_611 : i32
        %parallel_loop3A_613 = arith.xori %parallel_loop3A_610, %parallel_loop3A_612 : i1
        %parallel_loop3A_614 = arith.andi %parallel_loop3A_613, %parallel_loop3A_608 : i1
        %parallel_loop3A_615 = arith.addi %parallel_loop3A_606, %parallel_loop3A_605 : i32
        %parallel_loop3A_616 = arith.select %parallel_loop3A_614, %parallel_loop3A_615, %parallel_loop3A_606 : i32
        %parallel_loop3A_617 = arith.constant 0 : i32
        %parallel_loop3A_618 = arith.constant 0 : i32
        %parallel_loop3A_619 = arith.constant 0 : i32
        %parallel_loop3A_620 = tpu.memref_slice %arg13[%select_n3A_219, %parallel_loop3A_617, %parallel_loop3A_618, %parallel_loop3A_619] : memref<2x20x8x128xf32, #tpu.memory_space<vmem>> -> memref<1x20x8x128xf32, #tpu.memory_space<vmem>>
        %parallel_loop3A_621 = tpu.memref_squeeze %parallel_loop3A_620 : memref<1x20x8x128xf32, #tpu.memory_space<vmem>> -> memref<20x8x128xf32, #tpu.memory_space<vmem>>
        %parallel_loop3A_622 = arith.index_cast %parallel_loop3A_600 : i32 to index
        %parallel_loop3A_623 = arith.index_cast %parallel_loop3A_616 : i32 to index
        %parallel_loop3A_624 = arith.constant 32 : index
        %parallel_loop3A_625 = tpu.vector_load %parallel_loop3A_621[%parallel_loop3A_622, %parallel_loop3A_623, %parallel_loop3A_624] {strides = array<i32>} : memref<20x8x128xf32, #tpu.memory_space<vmem>>, vector<16xf32>,
        tpu.vector_store %parallel_loop3A_621[%parallel_loop3A_622, %parallel_loop3A_623, %parallel_loop3A_624], %parallel_loop3A_576 {strides = array<i32>} : memref<20x8x128xf32, #tpu.memory_space<vmem>>, vector<16xf32>,
        %parallel_loop3A_626 = tpu.vector_load_idx %arg8[%parallel_loop3A_473, %get3A_341] : memref<128x512xf32, #tpu.memory_space<vmem>>[vector<16xi32>, vector<16xi32>], vector<16xf32>,
        %parallel_loop3A_627 = arith.constant 8 : i32
        %parallel_loop3A_628 = arith.divsi %parallel_loop3A_475, %parallel_loop3A_627 : i32
        %parallel_loop3A_629 = arith.constant 0 : i32
        %parallel_loop3A_630 = arith.cmpi sgt, %parallel_loop3A_475, %parallel_loop3A_629 : i32
        %parallel_loop3A_631 = arith.extui %parallel_loop3A_630 : i1 to i32
        %parallel_loop3A_632 = arith.constant 0 : i32
        %parallel_loop3A_633 = arith.cmpi slt, %parallel_loop3A_475, %parallel_loop3A_632 : i32
        %parallel_loop3A_634 = arith.extui %parallel_loop3A_633 : i1 to i32
        %parallel_loop3A_635 = arith.subi %parallel_loop3A_631, %parallel_loop3A_634 : i32
        %parallel_loop3A_636 = arith.constant 0 : i32
        %parallel_loop3A_637 = arith.cmpi sgt, %parallel_loop3A_627, %parallel_loop3A_636 : i32
        %parallel_loop3A_638 = arith.extui %parallel_loop3A_637 : i1 to i32
        %parallel_loop3A_639 = arith.constant 0 : i32
        %parallel_loop3A_640 = arith.cmpi slt, %parallel_loop3A_627, %parallel_loop3A_639 : i32
        %parallel_loop3A_641 = arith.extui %parallel_loop3A_640 : i1 to i32
        %parallel_loop3A_642 = arith.subi %parallel_loop3A_638, %parallel_loop3A_641 : i32
        %parallel_loop3A_643 = arith.cmpi ne, %parallel_loop3A_635, %parallel_loop3A_642 : i32
        %parallel_loop3A_644 = arith.remsi %parallel_loop3A_475, %parallel_loop3A_627 : i32
        %parallel_loop3A_645 = arith.constant 0 : i32
        %parallel_loop3A_646 = arith.cmpi ne, %parallel_loop3A_644, %parallel_loop3A_645 : i32
        %parallel_loop3A_647 = arith.andi %parallel_loop3A_643, %parallel_loop3A_646 : i1
        %parallel_loop3A_648 = arith.constant 1 : i32
        %parallel_loop3A_649 = arith.subi %parallel_loop3A_628, %parallel_loop3A_648 : i32
        %parallel_loop3A_650 = arith.select %parallel_loop3A_647, %parallel_loop3A_649, %parallel_loop3A_628 : i32
        %parallel_loop3A_651 = arith.constant 8 : i32
        %parallel_loop3A_652 = arith.constant 0 : i32
        %parallel_loop3A_653 = arith.cmpi eq, %parallel_loop3A_651, %parallel_loop3A_652 : i32
        %parallel_loop3A_654 = arith.constant 1 : i32
        %parallel_loop3A_655 = arith.select %parallel_loop3A_653, %parallel_loop3A_654, %parallel_loop3A_651 : i32
        %parallel_loop3A_656 = arith.remsi %parallel_loop3A_475, %parallel_loop3A_655 : i32
        %parallel_loop3A_657 = arith.constant 0 : i32
        %parallel_loop3A_658 = arith.cmpi ne, %parallel_loop3A_656, %parallel_loop3A_657 : i32
        %parallel_loop3A_659 = arith.constant 0 : i32
        %parallel_loop3A_660 = arith.cmpi slt, %parallel_loop3A_656, %parallel_loop3A_659 : i32
        %parallel_loop3A_661 = arith.constant 0 : i32
        %parallel_loop3A_662 = arith.cmpi slt, %parallel_loop3A_655, %parallel_loop3A_661 : i32
        %parallel_loop3A_663 = arith.xori %parallel_loop3A_660, %parallel_loop3A_662 : i1
        %parallel_loop3A_664 = arith.andi %parallel_loop3A_663, %parallel_loop3A_658 : i1
        %parallel_loop3A_665 = arith.addi %parallel_loop3A_656, %parallel_loop3A_655 : i32
        %parallel_loop3A_666 = arith.select %parallel_loop3A_664, %parallel_loop3A_665, %parallel_loop3A_656 : i32
        %parallel_loop3A_667 = arith.constant 0 : i32
        %parallel_loop3A_668 = arith.constant 0 : i32
        %parallel_loop3A_669 = arith.constant 0 : i32
        %parallel_loop3A_670 = tpu.memref_slice %arg13[%select_n3A_219, %parallel_loop3A_667, %parallel_loop3A_668, %parallel_loop3A_669] : memref<2x20x8x128xf32, #tpu.memory_space<vmem>> -> memref<1x20x8x128xf32, #tpu.memory_space<vmem>>
        %parallel_loop3A_671 = tpu.memref_squeeze %parallel_loop3A_670 : memref<1x20x8x128xf32, #tpu.memory_space<vmem>> -> memref<20x8x128xf32, #tpu.memory_space<vmem>>
        %parallel_loop3A_672 = arith.index_cast %parallel_loop3A_650 : i32 to index
        %parallel_loop3A_673 = arith.index_cast %parallel_loop3A_666 : i32 to index
        %parallel_loop3A_674 = arith.constant 48 : index
        %parallel_loop3A_675 = tpu.vector_load %parallel_loop3A_671[%parallel_loop3A_672, %parallel_loop3A_673, %parallel_loop3A_674] {strides = array<i32>} : memref<20x8x128xf32, #tpu.memory_space<vmem>>, vector<16xf32>,
        tpu.vector_store %parallel_loop3A_671[%parallel_loop3A_672, %parallel_loop3A_673, %parallel_loop3A_674], %parallel_loop3A_626 {strides = array<i32>} : memref<20x8x128xf32, #tpu.memory_space<vmem>>, vector<16xf32>,
        %parallel_loop3A_676 = tpu.vector_load_idx %arg8[%parallel_loop3A_473, %get3A_361] : memref<128x512xf32, #tpu.memory_space<vmem>>[vector<16xi32>, vector<16xi32>], vector<16xf32>,
        %parallel_loop3A_677 = arith.constant 8 : i32
        %parallel_loop3A_678 = arith.divsi %parallel_loop3A_475, %parallel_loop3A_677 : i32
        %parallel_loop3A_679 = arith.constant 0 : i32
        %parallel_loop3A_680 = arith.cmpi sgt, %parallel_loop3A_475, %parallel_loop3A_679 : i32
        %parallel_loop3A_681 = arith.extui %parallel_loop3A_680 : i1 to i32
        %parallel_loop3A_682 = arith.constant 0 : i32
        %parallel_loop3A_683 = arith.cmpi slt, %parallel_loop3A_475, %parallel_loop3A_682 : i32
        %parallel_loop3A_684 = arith.extui %parallel_loop3A_683 : i1 to i32
        %parallel_loop3A_685 = arith.subi %parallel_loop3A_681, %parallel_loop3A_684 : i32
        %parallel_loop3A_686 = arith.constant 0 : i32
        %parallel_loop3A_687 = arith.cmpi sgt, %parallel_loop3A_677, %parallel_loop3A_686 : i32
        %parallel_loop3A_688 = arith.extui %parallel_loop3A_687 : i1 to i32
        %parallel_loop3A_689 = arith.constant 0 : i32
        %parallel_loop3A_690 = arith.cmpi slt, %parallel_loop3A_677, %parallel_loop3A_689 : i32
        %parallel_loop3A_691 = arith.extui %parallel_loop3A_690 : i1 to i32
        %parallel_loop3A_692 = arith.subi %parallel_loop3A_688, %parallel_loop3A_691 : i32
        %parallel_loop3A_693 = arith.cmpi ne, %parallel_loop3A_685, %parallel_loop3A_692 : i32
        %parallel_loop3A_694 = arith.remsi %parallel_loop3A_475, %parallel_loop3A_677 : i32
        %parallel_loop3A_695 = arith.constant 0 : i32
        %parallel_loop3A_696 = arith.cmpi ne, %parallel_loop3A_694, %parallel_loop3A_695 : i32
        %parallel_loop3A_697 = arith.andi %parallel_loop3A_693, %parallel_loop3A_696 : i1
        %parallel_loop3A_698 = arith.constant 1 : i32
        %parallel_loop3A_699 = arith.subi %parallel_loop3A_678, %parallel_loop3A_698 : i32
        %parallel_loop3A_700 = arith.select %parallel_loop3A_697, %parallel_loop3A_699, %parallel_loop3A_678 : i32
        %parallel_loop3A_701 = arith.constant 8 : i32
        %parallel_loop3A_702 = arith.constant 0 : i32
        %parallel_loop3A_703 = arith.cmpi eq, %parallel_loop3A_701, %parallel_loop3A_702 : i32
        %parallel_loop3A_704 = arith.constant 1 : i32
        %parallel_loop3A_705 = arith.select %parallel_loop3A_703, %parallel_loop3A_704, %parallel_loop3A_701 : i32
        %parallel_loop3A_706 = arith.remsi %parallel_loop3A_475, %parallel_loop3A_705 : i32
        %parallel_loop3A_707 = arith.constant 0 : i32
        %parallel_loop3A_708 = arith.cmpi ne, %parallel_loop3A_706, %parallel_loop3A_707 : i32
        %parallel_loop3A_709 = arith.constant 0 : i32
        %parallel_loop3A_710 = arith.cmpi slt, %parallel_loop3A_706, %parallel_loop3A_709 : i32
        %parallel_loop3A_711 = arith.constant 0 : i32
        %parallel_loop3A_712 = arith.cmpi slt, %parallel_loop3A_705, %parallel_loop3A_711 : i32
        %parallel_loop3A_713 = arith.xori %parallel_loop3A_710, %parallel_loop3A_712 : i1
        %parallel_loop3A_714 = arith.andi %parallel_loop3A_713, %parallel_loop3A_708 : i1
        %parallel_loop3A_715 = arith.addi %parallel_loop3A_706, %parallel_loop3A_705 : i32
        %parallel_loop3A_716 = arith.select %parallel_loop3A_714, %parallel_loop3A_715, %parallel_loop3A_706 : i32
        %parallel_loop3A_717 = arith.constant 0 : i32
        %parallel_loop3A_718 = arith.constant 0 : i32
        %parallel_loop3A_719 = arith.constant 0 : i32
        %parallel_loop3A_720 = tpu.memref_slice %arg13[%select_n3A_219, %parallel_loop3A_717, %parallel_loop3A_718, %parallel_loop3A_719] : memref<2x20x8x128xf32, #tpu.memory_space<vmem>> -> memref<1x20x8x128xf32, #tpu.memory_space<vmem>>
        %parallel_loop3A_721 = tpu.memref_squeeze %parallel_loop3A_720 : memref<1x20x8x128xf32, #tpu.memory_space<vmem>> -> memref<20x8x128xf32, #tpu.memory_space<vmem>>
        %parallel_loop3A_722 = arith.index_cast %parallel_loop3A_700 : i32 to index
        %parallel_loop3A_723 = arith.index_cast %parallel_loop3A_716 : i32 to index
        %parallel_loop3A_724 = arith.constant 64 : index
        %parallel_loop3A_725 = tpu.vector_load %parallel_loop3A_721[%parallel_loop3A_722, %parallel_loop3A_723, %parallel_loop3A_724] {strides = array<i32>} : memref<20x8x128xf32, #tpu.memory_space<vmem>>, vector<16xf32>,
        tpu.vector_store %parallel_loop3A_721[%parallel_loop3A_722, %parallel_loop3A_723, %parallel_loop3A_724], %parallel_loop3A_676 {strides = array<i32>} : memref<20x8x128xf32, #tpu.memory_space<vmem>>, vector<16xf32>,
        %parallel_loop3A_726 = tpu.vector_load_idx %arg8[%parallel_loop3A_473, %get3A_381] : memref<128x512xf32, #tpu.memory_space<vmem>>[vector<16xi32>, vector<16xi32>], vector<16xf32>,
        %parallel_loop3A_727 = arith.constant 8 : i32
        %parallel_loop3A_728 = arith.divsi %parallel_loop3A_475, %parallel_loop3A_727 : i32
        %parallel_loop3A_729 = arith.constant 0 : i32
        %parallel_loop3A_730 = arith.cmpi sgt, %parallel_loop3A_475, %parallel_loop3A_729 : i32
        %parallel_loop3A_731 = arith.extui %parallel_loop3A_730 : i1 to i32
        %parallel_loop3A_732 = arith.constant 0 : i32
        %parallel_loop3A_733 = arith.cmpi slt, %parallel_loop3A_475, %parallel_loop3A_732 : i32
        %parallel_loop3A_734 = arith.extui %parallel_loop3A_733 : i1 to i32
        %parallel_loop3A_735 = arith.subi %parallel_loop3A_731, %parallel_loop3A_734 : i32
        %parallel_loop3A_736 = arith.constant 0 : i32
        %parallel_loop3A_737 = arith.cmpi sgt, %parallel_loop3A_727, %parallel_loop3A_736 : i32
        %parallel_loop3A_738 = arith.extui %parallel_loop3A_737 : i1 to i32
        %parallel_loop3A_739 = arith.constant 0 : i32
        %parallel_loop3A_740 = arith.cmpi slt, %parallel_loop3A_727, %parallel_loop3A_739 : i32
        %parallel_loop3A_741 = arith.extui %parallel_loop3A_740 : i1 to i32
        %parallel_loop3A_742 = arith.subi %parallel_loop3A_738, %parallel_loop3A_741 : i32
        %parallel_loop3A_743 = arith.cmpi ne, %parallel_loop3A_735, %parallel_loop3A_742 : i32
        %parallel_loop3A_744 = arith.remsi %parallel_loop3A_475, %parallel_loop3A_727 : i32
        %parallel_loop3A_745 = arith.constant 0 : i32
        %parallel_loop3A_746 = arith.cmpi ne, %parallel_loop3A_744, %parallel_loop3A_745 : i32
        %parallel_loop3A_747 = arith.andi %parallel_loop3A_743, %parallel_loop3A_746 : i1
        %parallel_loop3A_748 = arith.constant 1 : i32
        %parallel_loop3A_749 = arith.subi %parallel_loop3A_728, %parallel_loop3A_748 : i32
        %parallel_loop3A_750 = arith.select %parallel_loop3A_747, %parallel_loop3A_749, %parallel_loop3A_728 : i32
        %parallel_loop3A_751 = arith.constant 8 : i32
        %parallel_loop3A_752 = arith.constant 0 : i32
        %parallel_loop3A_753 = arith.cmpi eq, %parallel_loop3A_751, %parallel_loop3A_752 : i32
        %parallel_loop3A_754 = arith.constant 1 : i32
        %parallel_loop3A_755 = arith.select %parallel_loop3A_753, %parallel_loop3A_754, %parallel_loop3A_751 : i32
        %parallel_loop3A_756 = arith.remsi %parallel_loop3A_475, %parallel_loop3A_755 : i32
        %parallel_loop3A_757 = arith.constant 0 : i32
        %parallel_loop3A_758 = arith.cmpi ne, %parallel_loop3A_756, %parallel_loop3A_757 : i32
        %parallel_loop3A_759 = arith.constant 0 : i32
        %parallel_loop3A_760 = arith.cmpi slt, %parallel_loop3A_756, %parallel_loop3A_759 : i32
        %parallel_loop3A_761 = arith.constant 0 : i32
        %parallel_loop3A_762 = arith.cmpi slt, %parallel_loop3A_755, %parallel_loop3A_761 : i32
        %parallel_loop3A_763 = arith.xori %parallel_loop3A_760, %parallel_loop3A_762 : i1
        %parallel_loop3A_764 = arith.andi %parallel_loop3A_763, %parallel_loop3A_758 : i1
        %parallel_loop3A_765 = arith.addi %parallel_loop3A_756, %parallel_loop3A_755 : i32
        %parallel_loop3A_766 = arith.select %parallel_loop3A_764, %parallel_loop3A_765, %parallel_loop3A_756 : i32
        %parallel_loop3A_767 = arith.constant 0 : i32
        %parallel_loop3A_768 = arith.constant 0 : i32
        %parallel_loop3A_769 = arith.constant 0 : i32
        %parallel_loop3A_770 = tpu.memref_slice %arg13[%select_n3A_219, %parallel_loop3A_767, %parallel_loop3A_768, %parallel_loop3A_769] : memref<2x20x8x128xf32, #tpu.memory_space<vmem>> -> memref<1x20x8x128xf32, #tpu.memory_space<vmem>>
        %parallel_loop3A_771 = tpu.memref_squeeze %parallel_loop3A_770 : memref<1x20x8x128xf32, #tpu.memory_space<vmem>> -> memref<20x8x128xf32, #tpu.memory_space<vmem>>
        %parallel_loop3A_772 = arith.index_cast %parallel_loop3A_750 : i32 to index
        %parallel_loop3A_773 = arith.index_cast %parallel_loop3A_766 : i32 to index
        %parallel_loop3A_774 = arith.constant 80 : index
        %parallel_loop3A_775 = tpu.vector_load %parallel_loop3A_771[%parallel_loop3A_772, %parallel_loop3A_773, %parallel_loop3A_774] {strides = array<i32>} : memref<20x8x128xf32, #tpu.memory_space<vmem>>, vector<16xf32>,
        tpu.vector_store %parallel_loop3A_771[%parallel_loop3A_772, %parallel_loop3A_773, %parallel_loop3A_774], %parallel_loop3A_726 {strides = array<i32>} : memref<20x8x128xf32, #tpu.memory_space<vmem>>, vector<16xf32>,
        %parallel_loop3A_776 = tpu.vector_load_idx %arg8[%parallel_loop3A_473, %get3A_401] : memref<128x512xf32, #tpu.memory_space<vmem>>[vector<16xi32>, vector<16xi32>], vector<16xf32>,
        %parallel_loop3A_777 = arith.constant 8 : i32
        %parallel_loop3A_778 = arith.divsi %parallel_loop3A_475, %parallel_loop3A_777 : i32
        %parallel_loop3A_779 = arith.constant 0 : i32
        %parallel_loop3A_780 = arith.cmpi sgt, %parallel_loop3A_475, %parallel_loop3A_779 : i32
        %parallel_loop3A_781 = arith.extui %parallel_loop3A_780 : i1 to i32
        %parallel_loop3A_782 = arith.constant 0 : i32
        %parallel_loop3A_783 = arith.cmpi slt, %parallel_loop3A_475, %parallel_loop3A_782 : i32
        %parallel_loop3A_784 = arith.extui %parallel_loop3A_783 : i1 to i32
        %parallel_loop3A_785 = arith.subi %parallel_loop3A_781, %parallel_loop3A_784 : i32
        %parallel_loop3A_786 = arith.constant 0 : i32
        %parallel_loop3A_787 = arith.cmpi sgt, %parallel_loop3A_777, %parallel_loop3A_786 : i32
        %parallel_loop3A_788 = arith.extui %parallel_loop3A_787 : i1 to i32
        %parallel_loop3A_789 = arith.constant 0 : i32
        %parallel_loop3A_790 = arith.cmpi slt, %parallel_loop3A_777, %parallel_loop3A_789 : i32
        %parallel_loop3A_791 = arith.extui %parallel_loop3A_790 : i1 to i32
        %parallel_loop3A_792 = arith.subi %parallel_loop3A_788, %parallel_loop3A_791 : i32
        %parallel_loop3A_793 = arith.cmpi ne, %parallel_loop3A_785, %parallel_loop3A_792 : i32
        %parallel_loop3A_794 = arith.remsi %parallel_loop3A_475, %parallel_loop3A_777 : i32
        %parallel_loop3A_795 = arith.constant 0 : i32
        %parallel_loop3A_796 = arith.cmpi ne, %parallel_loop3A_794, %parallel_loop3A_795 : i32
        %parallel_loop3A_797 = arith.andi %parallel_loop3A_793, %parallel_loop3A_796 : i1
        %parallel_loop3A_798 = arith.constant 1 : i32
        %parallel_loop3A_799 = arith.subi %parallel_loop3A_778, %parallel_loop3A_798 : i32
        %parallel_loop3A_800 = arith.select %parallel_loop3A_797, %parallel_loop3A_799, %parallel_loop3A_778 : i32
        %parallel_loop3A_801 = arith.constant 8 : i32
        %parallel_loop3A_802 = arith.constant 0 : i32
        %parallel_loop3A_803 = arith.cmpi eq, %parallel_loop3A_801, %parallel_loop3A_802 : i32
        %parallel_loop3A_804 = arith.constant 1 : i32
        %parallel_loop3A_805 = arith.select %parallel_loop3A_803, %parallel_loop3A_804, %parallel_loop3A_801 : i32
        %parallel_loop3A_806 = arith.remsi %parallel_loop3A_475, %parallel_loop3A_805 : i32
        %parallel_loop3A_807 = arith.constant 0 : i32
        %parallel_loop3A_808 = arith.cmpi ne, %parallel_loop3A_806, %parallel_loop3A_807 : i32
        %parallel_loop3A_809 = arith.constant 0 : i32
        %parallel_loop3A_810 = arith.cmpi slt, %parallel_loop3A_806, %parallel_loop3A_809 : i32
        %parallel_loop3A_811 = arith.constant 0 : i32
        %parallel_loop3A_812 = arith.cmpi slt, %parallel_loop3A_805, %parallel_loop3A_811 : i32
        %parallel_loop3A_813 = arith.xori %parallel_loop3A_810, %parallel_loop3A_812 : i1
        %parallel_loop3A_814 = arith.andi %parallel_loop3A_813, %parallel_loop3A_808 : i1
        %parallel_loop3A_815 = arith.addi %parallel_loop3A_806, %parallel_loop3A_805 : i32
        %parallel_loop3A_816 = arith.select %parallel_loop3A_814, %parallel_loop3A_815, %parallel_loop3A_806 : i32
        %parallel_loop3A_817 = arith.constant 0 : i32
        %parallel_loop3A_818 = arith.constant 0 : i32
        %parallel_loop3A_819 = arith.constant 0 : i32
        %parallel_loop3A_820 = tpu.memref_slice %arg13[%select_n3A_219, %parallel_loop3A_817, %parallel_loop3A_818, %parallel_loop3A_819] : memref<2x20x8x128xf32, #tpu.memory_space<vmem>> -> memref<1x20x8x128xf32, #tpu.memory_space<vmem>>
        %parallel_loop3A_821 = tpu.memref_squeeze %parallel_loop3A_820 : memref<1x20x8x128xf32, #tpu.memory_space<vmem>> -> memref<20x8x128xf32, #tpu.memory_space<vmem>>
        %parallel_loop3A_822 = arith.index_cast %parallel_loop3A_800 : i32 to index
        %parallel_loop3A_823 = arith.index_cast %parallel_loop3A_816 : i32 to index
        %parallel_loop3A_824 = arith.constant 96 : index
        %parallel_loop3A_825 = tpu.vector_load %parallel_loop3A_821[%parallel_loop3A_822, %parallel_loop3A_823, %parallel_loop3A_824] {strides = array<i32>} : memref<20x8x128xf32, #tpu.memory_space<vmem>>, vector<16xf32>,
        tpu.vector_store %parallel_loop3A_821[%parallel_loop3A_822, %parallel_loop3A_823, %parallel_loop3A_824], %parallel_loop3A_776 {strides = array<i32>} : memref<20x8x128xf32, #tpu.memory_space<vmem>>, vector<16xf32>,
        %parallel_loop3A_826 = tpu.vector_load_idx %arg8[%parallel_loop3A_473, %get3A_421] : memref<128x512xf32, #tpu.memory_space<vmem>>[vector<16xi32>, vector<16xi32>], vector<16xf32>,
        %parallel_loop3A_827 = arith.constant 8 : i32
        %parallel_loop3A_828 = arith.divsi %parallel_loop3A_475, %parallel_loop3A_827 : i32
        %parallel_loop3A_829 = arith.constant 0 : i32
        %parallel_loop3A_830 = arith.cmpi sgt, %parallel_loop3A_475, %parallel_loop3A_829 : i32
        %parallel_loop3A_831 = arith.extui %parallel_loop3A_830 : i1 to i32
        %parallel_loop3A_832 = arith.constant 0 : i32
        %parallel_loop3A_833 = arith.cmpi slt, %parallel_loop3A_475, %parallel_loop3A_832 : i32
        %parallel_loop3A_834 = arith.extui %parallel_loop3A_833 : i1 to i32
        %parallel_loop3A_835 = arith.subi %parallel_loop3A_831, %parallel_loop3A_834 : i32
        %parallel_loop3A_836 = arith.constant 0 : i32
        %parallel_loop3A_837 = arith.cmpi sgt, %parallel_loop3A_827, %parallel_loop3A_836 : i32
        %parallel_loop3A_838 = arith.extui %parallel_loop3A_837 : i1 to i32
        %parallel_loop3A_839 = arith.constant 0 : i32
        %parallel_loop3A_840 = arith.cmpi slt, %parallel_loop3A_827, %parallel_loop3A_839 : i32
        %parallel_loop3A_841 = arith.extui %parallel_loop3A_840 : i1 to i32
        %parallel_loop3A_842 = arith.subi %parallel_loop3A_838, %parallel_loop3A_841 : i32
        %parallel_loop3A_843 = arith.cmpi ne, %parallel_loop3A_835, %parallel_loop3A_842 : i32
        %parallel_loop3A_844 = arith.remsi %parallel_loop3A_475, %parallel_loop3A_827 : i32
        %parallel_loop3A_845 = arith.constant 0 : i32
        %parallel_loop3A_846 = arith.cmpi ne, %parallel_loop3A_844, %parallel_loop3A_845 : i32
        %parallel_loop3A_847 = arith.andi %parallel_loop3A_843, %parallel_loop3A_846 : i1
        %parallel_loop3A_848 = arith.constant 1 : i32
        %parallel_loop3A_849 = arith.subi %parallel_loop3A_828, %parallel_loop3A_848 : i32
        %parallel_loop3A_850 = arith.select %parallel_loop3A_847, %parallel_loop3A_849, %parallel_loop3A_828 : i32
        %parallel_loop3A_851 = arith.constant 8 : i32
        %parallel_loop3A_852 = arith.constant 0 : i32
        %parallel_loop3A_853 = arith.cmpi eq, %parallel_loop3A_851, %parallel_loop3A_852 : i32
        %parallel_loop3A_854 = arith.constant 1 : i32
        %parallel_loop3A_855 = arith.select %parallel_loop3A_853, %parallel_loop3A_854, %parallel_loop3A_851 : i32
        %parallel_loop3A_856 = arith.remsi %parallel_loop3A_475, %parallel_loop3A_855 : i32
        %parallel_loop3A_857 = arith.constant 0 : i32
        %parallel_loop3A_858 = arith.cmpi ne, %parallel_loop3A_856, %parallel_loop3A_857 : i32
        %parallel_loop3A_859 = arith.constant 0 : i32
        %parallel_loop3A_860 = arith.cmpi slt, %parallel_loop3A_856, %parallel_loop3A_859 : i32
        %parallel_loop3A_861 = arith.constant 0 : i32
        %parallel_loop3A_862 = arith.cmpi slt, %parallel_loop3A_855, %parallel_loop3A_861 : i32
        %parallel_loop3A_863 = arith.xori %parallel_loop3A_860, %parallel_loop3A_862 : i1
        %parallel_loop3A_864 = arith.andi %parallel_loop3A_863, %parallel_loop3A_858 : i1
        %parallel_loop3A_865 = arith.addi %parallel_loop3A_856, %parallel_loop3A_855 : i32
        %parallel_loop3A_866 = arith.select %parallel_loop3A_864, %parallel_loop3A_865, %parallel_loop3A_856 : i32
        %parallel_loop3A_867 = arith.constant 0 : i32
        %parallel_loop3A_868 = arith.constant 0 : i32
        %parallel_loop3A_869 = arith.constant 0 : i32
        %parallel_loop3A_870 = tpu.memref_slice %arg13[%select_n3A_219, %parallel_loop3A_867, %parallel_loop3A_868, %parallel_loop3A_869] : memref<2x20x8x128xf32, #tpu.memory_space<vmem>> -> memref<1x20x8x128xf32, #tpu.memory_space<vmem>>
        %parallel_loop3A_871 = tpu.memref_squeeze %parallel_loop3A_870 : memref<1x20x8x128xf32, #tpu.memory_space<vmem>> -> memref<20x8x128xf32, #tpu.memory_space<vmem>>
        %parallel_loop3A_872 = arith.index_cast %parallel_loop3A_850 : i32 to index
        %parallel_loop3A_873 = arith.index_cast %parallel_loop3A_866 : i32 to index
        %parallel_loop3A_874 = arith.constant 112 : index
        %parallel_loop3A_875 = tpu.vector_load %parallel_loop3A_871[%parallel_loop3A_872, %parallel_loop3A_873, %parallel_loop3A_874] {strides = array<i32>} : memref<20x8x128xf32, #tpu.memory_space<vmem>>, vector<16xf32>,
        tpu.vector_store %parallel_loop3A_871[%parallel_loop3A_872, %parallel_loop3A_873, %parallel_loop3A_874], %parallel_loop3A_826 {strides = array<i32>} : memref<20x8x128xf32, #tpu.memory_space<vmem>>, vector<16xf32>,
      } {sc.loop_unroll_factor = 2 : i64, sc.parallel_access}
      %get3A_424 = arith.index_cast %select_n3A_219 : i32 to index
      %get3A_425 = arith.constant 0 : index
      %get3A_426 = tpu.vector_load %arg12[%get3A_424, %get3A_425] {strides = array<i32>} : memref<2x128xf32, #tpu.memory_space<vmem>>, vector<16xf32>,
      %get3A_427 = arith.index_cast %select_n3A_219 : i32 to index
      %get3A_428 = arith.constant 16 : index
      %get3A_429 = tpu.vector_load %arg12[%get3A_427, %get3A_428] {strides = array<i32>} : memref<2x128xf32, #tpu.memory_space<vmem>>, vector<16xf32>,
      %get3A_430 = arith.index_cast %select_n3A_219 : i32 to index
      %get3A_431 = arith.constant 32 : index
      %get3A_432 = tpu.vector_load %arg12[%get3A_430, %get3A_431] {strides = array<i32>} : memref<2x128xf32, #tpu.memory_space<vmem>>, vector<16xf32>,
      %get3A_433 = arith.index_cast %select_n3A_219 : i32 to index
      %get3A_434 = arith.constant 48 : index
      %get3A_435 = tpu.vector_load %arg12[%get3A_433, %get3A_434] {strides = array<i32>} : memref<2x128xf32, #tpu.memory_space<vmem>>, vector<16xf32>,
      %get3A_436 = arith.index_cast %select_n3A_219 : i32 to index
      %get3A_437 = arith.constant 64 : index
      %get3A_438 = tpu.vector_load %arg12[%get3A_436, %get3A_437] {strides = array<i32>} : memref<2x128xf32, #tpu.memory_space<vmem>>, vector<16xf32>,
      %get3A_439 = arith.index_cast %select_n3A_219 : i32 to index
      %get3A_440 = arith.constant 80 : index
      %get3A_441 = tpu.vector_load %arg12[%get3A_439, %get3A_440] {strides = array<i32>} : memref<2x128xf32, #tpu.memory_space<vmem>>, vector<16xf32>,
      %get3A_442 = arith.index_cast %select_n3A_219 : i32 to index
      %get3A_443 = arith.constant 96 : index
      %get3A_444 = tpu.vector_load %arg12[%get3A_442, %get3A_443] {strides = array<i32>} : memref<2x128xf32, #tpu.memory_space<vmem>>, vector<16xf32>,
      %get3A_445 = arith.index_cast %select_n3A_219 : i32 to index
      %get3A_446 = arith.constant 112 : index
      %get3A_447 = tpu.vector_load %arg12[%get3A_445, %get3A_446] {strides = array<i32>} : memref<2x128xf32, #tpu.memory_space<vmem>>, vector<16xf32>,
      %parallel_loop3A_448 = arith.constant 0 : i32
      %parallel_loop3A_449 = arith.constant 32 : i32
      %parallel_loop3A_450 = arith.constant 1 : i32
      scf.for %parallel_loop3A_472 = %parallel_loop3A_448 to %parallel_loop3A_449 step %parallel_loop3A_450  : i32 {
        %parallel_loop3A_473 = vector.broadcast %parallel_loop3A_472 : i32 to vector<16xi32>
        %parallel_loop3A_474 = arith.constant 0 : i32
        %parallel_loop3A_475 = arith.constant 0 : i32
        %parallel_loop3A_476 = tpu.memref_slice %arg11[%select_n3A_219, %parallel_loop3A_474, %parallel_loop3A_475] : memref<2x128x32xf32, #tpu.memory_space<vmem>> -> memref<1x128x32xf32, #tpu.memory_space<vmem>>
        %parallel_loop3A_477 = tpu.memref_squeeze %parallel_loop3A_476 : memref<1x128x32xf32, #tpu.memory_space<vmem>> -> memref<128x32xf32, #tpu.memory_space<vmem>>
        %parallel_loop3A_478 = tpu.vector_load_idx %parallel_loop3A_477[%add3A_8, %parallel_loop3A_473] : memref<128x32xf32, #tpu.memory_space<vmem>>[vector<16xi32>, vector<16xi32>], vector<16xf32>,
        %parallel_loop3A_479 = arith.mulf %get3A_426, %parallel_loop3A_478 : vector<16xf32>
        %parallel_loop3A_480 = arith.constant 8 : i32
        %parallel_loop3A_481 = arith.divsi %parallel_loop3A_472, %parallel_loop3A_480 : i32
        %parallel_loop3A_482 = arith.constant 0 : i32
        %parallel_loop3A_483 = arith.cmpi sgt, %parallel_loop3A_472, %parallel_loop3A_482 : i32
        %parallel_loop3A_484 = arith.extui %parallel_loop3A_483 : i1 to i32
        %parallel_loop3A_485 = arith.constant 0 : i32
        %parallel_loop3A_486 = arith.cmpi slt, %parallel_loop3A_472, %parallel_loop3A_485 : i32
        %parallel_loop3A_487 = arith.extui %parallel_loop3A_486 : i1 to i32
        %parallel_loop3A_488 = arith.subi %parallel_loop3A_484, %parallel_loop3A_487 : i32
        %parallel_loop3A_489 = arith.constant 0 : i32
        %parallel_loop3A_490 = arith.cmpi sgt, %parallel_loop3A_480, %parallel_loop3A_489 : i32
        %parallel_loop3A_491 = arith.extui %parallel_loop3A_490 : i1 to i32
        %parallel_loop3A_492 = arith.constant 0 : i32
        %parallel_loop3A_493 = arith.cmpi slt, %parallel_loop3A_480, %parallel_loop3A_492 : i32
        %parallel_loop3A_494 = arith.extui %parallel_loop3A_493 : i1 to i32
        %parallel_loop3A_495 = arith.subi %parallel_loop3A_491, %parallel_loop3A_494 : i32
        %parallel_loop3A_496 = arith.cmpi ne, %parallel_loop3A_488, %parallel_loop3A_495 : i32
        %parallel_loop3A_497 = arith.remsi %parallel_loop3A_472, %parallel_loop3A_480 : i32
        %parallel_loop3A_498 = arith.constant 0 : i32
        %parallel_loop3A_499 = arith.cmpi ne, %parallel_loop3A_497, %parallel_loop3A_498 : i32
        %parallel_loop3A_500 = arith.andi %parallel_loop3A_496, %parallel_loop3A_499 : i1
        %parallel_loop3A_501 = arith.constant 1 : i32
        %parallel_loop3A_502 = arith.subi %parallel_loop3A_481, %parallel_loop3A_501 : i32
        %parallel_loop3A_503 = arith.select %parallel_loop3A_500, %parallel_loop3A_502, %parallel_loop3A_481 : i32
        %parallel_loop3A_504 = arith.constant 8 : i32
        %parallel_loop3A_505 = arith.constant 0 : i32
        %parallel_loop3A_506 = arith.cmpi eq, %parallel_loop3A_504, %parallel_loop3A_505 : i32
        %parallel_loop3A_507 = arith.constant 1 : i32
        %parallel_loop3A_508 = arith.select %parallel_loop3A_506, %parallel_loop3A_507, %parallel_loop3A_504 : i32
        %parallel_loop3A_509 = arith.remsi %parallel_loop3A_472, %parallel_loop3A_508 : i32
        %parallel_loop3A_510 = arith.constant 0 : i32
        %parallel_loop3A_511 = arith.cmpi ne, %parallel_loop3A_509, %parallel_loop3A_510 : i32
        %parallel_loop3A_512 = arith.constant 0 : i32
        %parallel_loop3A_513 = arith.cmpi slt, %parallel_loop3A_509, %parallel_loop3A_512 : i32
        %parallel_loop3A_514 = arith.constant 0 : i32
        %parallel_loop3A_515 = arith.cmpi slt, %parallel_loop3A_508, %parallel_loop3A_514 : i32
        %parallel_loop3A_516 = arith.xori %parallel_loop3A_513, %parallel_loop3A_515 : i1
        %parallel_loop3A_517 = arith.andi %parallel_loop3A_516, %parallel_loop3A_511 : i1
        %parallel_loop3A_518 = arith.addi %parallel_loop3A_509, %parallel_loop3A_508 : i32
        %parallel_loop3A_519 = arith.select %parallel_loop3A_517, %parallel_loop3A_518, %parallel_loop3A_509 : i32
        %parallel_loop3A_520 = arith.constant 0 : i32
        %parallel_loop3A_521 = arith.constant 0 : i32
        %parallel_loop3A_522 = arith.constant 0 : i32
        %parallel_loop3A_523 = tpu.memref_slice %arg13[%select_n3A_219, %parallel_loop3A_520, %parallel_loop3A_521, %parallel_loop3A_522] : memref<2x20x8x128xf32, #tpu.memory_space<vmem>> -> memref<1x20x8x128xf32, #tpu.memory_space<vmem>>
        %parallel_loop3A_524 = tpu.memref_squeeze %parallel_loop3A_523 : memref<1x20x8x128xf32, #tpu.memory_space<vmem>> -> memref<20x8x128xf32, #tpu.memory_space<vmem>>
        %parallel_loop3A_525 = arith.index_cast %parallel_loop3A_503 : i32 to index
        %parallel_loop3A_526 = arith.index_cast %parallel_loop3A_519 : i32 to index
        %parallel_loop3A_527 = arith.constant 0 : index
        %parallel_loop3A_528 = tpu.vector_load %parallel_loop3A_524[%parallel_loop3A_525, %parallel_loop3A_526, %parallel_loop3A_527] {strides = array<i32>} : memref<20x8x128xf32, #tpu.memory_space<vmem>>, vector<16xf32>,
        tpu.vector_store %parallel_loop3A_524[%parallel_loop3A_525, %parallel_loop3A_526, %parallel_loop3A_527], %parallel_loop3A_479 {strides = array<i32>} : memref<20x8x128xf32, #tpu.memory_space<vmem>>, vector<16xf32>,
        %parallel_loop3A_529 = arith.constant 0 : i32
        %parallel_loop3A_530 = arith.constant 0 : i32
        %parallel_loop3A_531 = tpu.memref_slice %arg11[%select_n3A_219, %parallel_loop3A_529, %parallel_loop3A_530] : memref<2x128x32xf32, #tpu.memory_space<vmem>> -> memref<1x128x32xf32, #tpu.memory_space<vmem>>
        %parallel_loop3A_532 = tpu.memref_squeeze %parallel_loop3A_531 : memref<1x128x32xf32, #tpu.memory_space<vmem>> -> memref<128x32xf32, #tpu.memory_space<vmem>>
        %parallel_loop3A_533 = tpu.vector_load_idx %parallel_loop3A_532[%add3A_12, %parallel_loop3A_473] : memref<128x32xf32, #tpu.memory_space<vmem>>[vector<16xi32>, vector<16xi32>], vector<16xf32>,
        %parallel_loop3A_534 = arith.mulf %get3A_429, %parallel_loop3A_533 : vector<16xf32>
        %parallel_loop3A_535 = arith.constant 8 : i32
        %parallel_loop3A_536 = arith.divsi %parallel_loop3A_472, %parallel_loop3A_535 : i32
        %parallel_loop3A_537 = arith.constant 0 : i32
        %parallel_loop3A_538 = arith.cmpi sgt, %parallel_loop3A_472, %parallel_loop3A_537 : i32
        %parallel_loop3A_539 = arith.extui %parallel_loop3A_538 : i1 to i32
        %parallel_loop3A_540 = arith.constant 0 : i32
        %parallel_loop3A_541 = arith.cmpi slt, %parallel_loop3A_472, %parallel_loop3A_540 : i32
        %parallel_loop3A_542 = arith.extui %parallel_loop3A_541 : i1 to i32
        %parallel_loop3A_543 = arith.subi %parallel_loop3A_539, %parallel_loop3A_542 : i32
        %parallel_loop3A_544 = arith.constant 0 : i32
        %parallel_loop3A_545 = arith.cmpi sgt, %parallel_loop3A_535, %parallel_loop3A_544 : i32
        %parallel_loop3A_546 = arith.extui %parallel_loop3A_545 : i1 to i32
        %parallel_loop3A_547 = arith.constant 0 : i32
        %parallel_loop3A_548 = arith.cmpi slt, %parallel_loop3A_535, %parallel_loop3A_547 : i32
        %parallel_loop3A_549 = arith.extui %parallel_loop3A_548 : i1 to i32
        %parallel_loop3A_550 = arith.subi %parallel_loop3A_546, %parallel_loop3A_549 : i32
        %parallel_loop3A_551 = arith.cmpi ne, %parallel_loop3A_543, %parallel_loop3A_550 : i32
        %parallel_loop3A_552 = arith.remsi %parallel_loop3A_472, %parallel_loop3A_535 : i32
        %parallel_loop3A_553 = arith.constant 0 : i32
        %parallel_loop3A_554 = arith.cmpi ne, %parallel_loop3A_552, %parallel_loop3A_553 : i32
        %parallel_loop3A_555 = arith.andi %parallel_loop3A_551, %parallel_loop3A_554 : i1
        %parallel_loop3A_556 = arith.constant 1 : i32
        %parallel_loop3A_557 = arith.subi %parallel_loop3A_536, %parallel_loop3A_556 : i32
        %parallel_loop3A_558 = arith.select %parallel_loop3A_555, %parallel_loop3A_557, %parallel_loop3A_536 : i32
        %parallel_loop3A_559 = arith.constant 8 : i32
        %parallel_loop3A_560 = arith.constant 0 : i32
        %parallel_loop3A_561 = arith.cmpi eq, %parallel_loop3A_559, %parallel_loop3A_560 : i32
        %parallel_loop3A_562 = arith.constant 1 : i32
        %parallel_loop3A_563 = arith.select %parallel_loop3A_561, %parallel_loop3A_562, %parallel_loop3A_559 : i32
        %parallel_loop3A_564 = arith.remsi %parallel_loop3A_472, %parallel_loop3A_563 : i32
        %parallel_loop3A_565 = arith.constant 0 : i32
        %parallel_loop3A_566 = arith.cmpi ne, %parallel_loop3A_564, %parallel_loop3A_565 : i32
        %parallel_loop3A_567 = arith.constant 0 : i32
        %parallel_loop3A_568 = arith.cmpi slt, %parallel_loop3A_564, %parallel_loop3A_567 : i32
        %parallel_loop3A_569 = arith.constant 0 : i32
        %parallel_loop3A_570 = arith.cmpi slt, %parallel_loop3A_563, %parallel_loop3A_569 : i32
        %parallel_loop3A_571 = arith.xori %parallel_loop3A_568, %parallel_loop3A_570 : i1
        %parallel_loop3A_572 = arith.andi %parallel_loop3A_571, %parallel_loop3A_566 : i1
        %parallel_loop3A_573 = arith.addi %parallel_loop3A_564, %parallel_loop3A_563 : i32
        %parallel_loop3A_574 = arith.select %parallel_loop3A_572, %parallel_loop3A_573, %parallel_loop3A_564 : i32
        %parallel_loop3A_575 = arith.constant 0 : i32
        %parallel_loop3A_576 = arith.constant 0 : i32
        %parallel_loop3A_577 = arith.constant 0 : i32
        %parallel_loop3A_578 = tpu.memref_slice %arg13[%select_n3A_219, %parallel_loop3A_575, %parallel_loop3A_576, %parallel_loop3A_577] : memref<2x20x8x128xf32, #tpu.memory_space<vmem>> -> memref<1x20x8x128xf32, #tpu.memory_space<vmem>>
        %parallel_loop3A_579 = tpu.memref_squeeze %parallel_loop3A_578 : memref<1x20x8x128xf32, #tpu.memory_space<vmem>> -> memref<20x8x128xf32, #tpu.memory_space<vmem>>
        %parallel_loop3A_580 = arith.index_cast %parallel_loop3A_558 : i32 to index
        %parallel_loop3A_581 = arith.index_cast %parallel_loop3A_574 : i32 to index
        %parallel_loop3A_582 = arith.constant 16 : index
        %parallel_loop3A_583 = tpu.vector_load %parallel_loop3A_579[%parallel_loop3A_580, %parallel_loop3A_581, %parallel_loop3A_582] {strides = array<i32>} : memref<20x8x128xf32, #tpu.memory_space<vmem>>, vector<16xf32>,
        tpu.vector_store %parallel_loop3A_579[%parallel_loop3A_580, %parallel_loop3A_581, %parallel_loop3A_582], %parallel_loop3A_534 {strides = array<i32>} : memref<20x8x128xf32, #tpu.memory_space<vmem>>, vector<16xf32>,
        %parallel_loop3A_584 = arith.constant 0 : i32
        %parallel_loop3A_585 = arith.constant 0 : i32
        %parallel_loop3A_586 = tpu.memref_slice %arg11[%select_n3A_219, %parallel_loop3A_584, %parallel_loop3A_585] : memref<2x128x32xf32, #tpu.memory_space<vmem>> -> memref<1x128x32xf32, #tpu.memory_space<vmem>>
        %parallel_loop3A_587 = tpu.memref_squeeze %parallel_loop3A_586 : memref<1x128x32xf32, #tpu.memory_space<vmem>> -> memref<128x32xf32, #tpu.memory_space<vmem>>
        %parallel_loop3A_588 = tpu.vector_load_idx %parallel_loop3A_587[%add3A_16, %parallel_loop3A_473] : memref<128x32xf32, #tpu.memory_space<vmem>>[vector<16xi32>, vector<16xi32>], vector<16xf32>,
        %parallel_loop3A_589 = arith.mulf %get3A_432, %parallel_loop3A_588 : vector<16xf32>
        %parallel_loop3A_590 = arith.constant 8 : i32
        %parallel_loop3A_591 = arith.divsi %parallel_loop3A_472, %parallel_loop3A_590 : i32
        %parallel_loop3A_592 = arith.constant 0 : i32
        %parallel_loop3A_593 = arith.cmpi sgt, %parallel_loop3A_472, %parallel_loop3A_592 : i32
        %parallel_loop3A_594 = arith.extui %parallel_loop3A_593 : i1 to i32
        %parallel_loop3A_595 = arith.constant 0 : i32
        %parallel_loop3A_596 = arith.cmpi slt, %parallel_loop3A_472, %parallel_loop3A_595 : i32
        %parallel_loop3A_597 = arith.extui %parallel_loop3A_596 : i1 to i32
        %parallel_loop3A_598 = arith.subi %parallel_loop3A_594, %parallel_loop3A_597 : i32
        %parallel_loop3A_599 = arith.constant 0 : i32
        %parallel_loop3A_600 = arith.cmpi sgt, %parallel_loop3A_590, %parallel_loop3A_599 : i32
        %parallel_loop3A_601 = arith.extui %parallel_loop3A_600 : i1 to i32
        %parallel_loop3A_602 = arith.constant 0 : i32
        %parallel_loop3A_603 = arith.cmpi slt, %parallel_loop3A_590, %parallel_loop3A_602 : i32
        %parallel_loop3A_604 = arith.extui %parallel_loop3A_603 : i1 to i32
        %parallel_loop3A_605 = arith.subi %parallel_loop3A_601, %parallel_loop3A_604 : i32
        %parallel_loop3A_606 = arith.cmpi ne, %parallel_loop3A_598, %parallel_loop3A_605 : i32
        %parallel_loop3A_607 = arith.remsi %parallel_loop3A_472, %parallel_loop3A_590 : i32
        %parallel_loop3A_608 = arith.constant 0 : i32
        %parallel_loop3A_609 = arith.cmpi ne, %parallel_loop3A_607, %parallel_loop3A_608 : i32
        %parallel_loop3A_610 = arith.andi %parallel_loop3A_606, %parallel_loop3A_609 : i1
        %parallel_loop3A_611 = arith.constant 1 : i32
        %parallel_loop3A_612 = arith.subi %parallel_loop3A_591, %parallel_loop3A_611 : i32
        %parallel_loop3A_613 = arith.select %parallel_loop3A_610, %parallel_loop3A_612, %parallel_loop3A_591 : i32
        %parallel_loop3A_614 = arith.constant 8 : i32
        %parallel_loop3A_615 = arith.constant 0 : i32
        %parallel_loop3A_616 = arith.cmpi eq, %parallel_loop3A_614, %parallel_loop3A_615 : i32
        %parallel_loop3A_617 = arith.constant 1 : i32
        %parallel_loop3A_618 = arith.select %parallel_loop3A_616, %parallel_loop3A_617, %parallel_loop3A_614 : i32
        %parallel_loop3A_619 = arith.remsi %parallel_loop3A_472, %parallel_loop3A_618 : i32
        %parallel_loop3A_620 = arith.constant 0 : i32
        %parallel_loop3A_621 = arith.cmpi ne, %parallel_loop3A_619, %parallel_loop3A_620 : i32
        %parallel_loop3A_622 = arith.constant 0 : i32
        %parallel_loop3A_623 = arith.cmpi slt, %parallel_loop3A_619, %parallel_loop3A_622 : i32
        %parallel_loop3A_624 = arith.constant 0 : i32
        %parallel_loop3A_625 = arith.cmpi slt, %parallel_loop3A_618, %parallel_loop3A_624 : i32
        %parallel_loop3A_626 = arith.xori %parallel_loop3A_623, %parallel_loop3A_625 : i1
        %parallel_loop3A_627 = arith.andi %parallel_loop3A_626, %parallel_loop3A_621 : i1
        %parallel_loop3A_628 = arith.addi %parallel_loop3A_619, %parallel_loop3A_618 : i32
        %parallel_loop3A_629 = arith.select %parallel_loop3A_627, %parallel_loop3A_628, %parallel_loop3A_619 : i32
        %parallel_loop3A_630 = arith.constant 0 : i32
        %parallel_loop3A_631 = arith.constant 0 : i32
        %parallel_loop3A_632 = arith.constant 0 : i32
        %parallel_loop3A_633 = tpu.memref_slice %arg13[%select_n3A_219, %parallel_loop3A_630, %parallel_loop3A_631, %parallel_loop3A_632] : memref<2x20x8x128xf32, #tpu.memory_space<vmem>> -> memref<1x20x8x128xf32, #tpu.memory_space<vmem>>
        %parallel_loop3A_634 = tpu.memref_squeeze %parallel_loop3A_633 : memref<1x20x8x128xf32, #tpu.memory_space<vmem>> -> memref<20x8x128xf32, #tpu.memory_space<vmem>>
        %parallel_loop3A_635 = arith.index_cast %parallel_loop3A_613 : i32 to index
        %parallel_loop3A_636 = arith.index_cast %parallel_loop3A_629 : i32 to index
        %parallel_loop3A_637 = arith.constant 32 : index
        %parallel_loop3A_638 = tpu.vector_load %parallel_loop3A_634[%parallel_loop3A_635, %parallel_loop3A_636, %parallel_loop3A_637] {strides = array<i32>} : memref<20x8x128xf32, #tpu.memory_space<vmem>>, vector<16xf32>,
        tpu.vector_store %parallel_loop3A_634[%parallel_loop3A_635, %parallel_loop3A_636, %parallel_loop3A_637], %parallel_loop3A_589 {strides = array<i32>} : memref<20x8x128xf32, #tpu.memory_space<vmem>>, vector<16xf32>,
        %parallel_loop3A_639 = arith.constant 0 : i32
        %parallel_loop3A_640 = arith.constant 0 : i32
        %parallel_loop3A_641 = tpu.memref_slice %arg11[%select_n3A_219, %parallel_loop3A_639, %parallel_loop3A_640] : memref<2x128x32xf32, #tpu.memory_space<vmem>> -> memref<1x128x32xf32, #tpu.memory_space<vmem>>
        %parallel_loop3A_642 = tpu.memref_squeeze %parallel_loop3A_641 : memref<1x128x32xf32, #tpu.memory_space<vmem>> -> memref<128x32xf32, #tpu.memory_space<vmem>>
        %parallel_loop3A_643 = tpu.vector_load_idx %parallel_loop3A_642[%add3A_20, %parallel_loop3A_473] : memref<128x32xf32, #tpu.memory_space<vmem>>[vector<16xi32>, vector<16xi32>], vector<16xf32>,
        %parallel_loop3A_644 = arith.mulf %get3A_435, %parallel_loop3A_643 : vector<16xf32>
        %parallel_loop3A_645 = arith.constant 8 : i32
        %parallel_loop3A_646 = arith.divsi %parallel_loop3A_472, %parallel_loop3A_645 : i32
        %parallel_loop3A_647 = arith.constant 0 : i32
        %parallel_loop3A_648 = arith.cmpi sgt, %parallel_loop3A_472, %parallel_loop3A_647 : i32
        %parallel_loop3A_649 = arith.extui %parallel_loop3A_648 : i1 to i32
        %parallel_loop3A_650 = arith.constant 0 : i32
        %parallel_loop3A_651 = arith.cmpi slt, %parallel_loop3A_472, %parallel_loop3A_650 : i32
        %parallel_loop3A_652 = arith.extui %parallel_loop3A_651 : i1 to i32
        %parallel_loop3A_653 = arith.subi %parallel_loop3A_649, %parallel_loop3A_652 : i32
        %parallel_loop3A_654 = arith.constant 0 : i32
        %parallel_loop3A_655 = arith.cmpi sgt, %parallel_loop3A_645, %parallel_loop3A_654 : i32
        %parallel_loop3A_656 = arith.extui %parallel_loop3A_655 : i1 to i32
        %parallel_loop3A_657 = arith.constant 0 : i32
        %parallel_loop3A_658 = arith.cmpi slt, %parallel_loop3A_645, %parallel_loop3A_657 : i32
        %parallel_loop3A_659 = arith.extui %parallel_loop3A_658 : i1 to i32
        %parallel_loop3A_660 = arith.subi %parallel_loop3A_656, %parallel_loop3A_659 : i32
        %parallel_loop3A_661 = arith.cmpi ne, %parallel_loop3A_653, %parallel_loop3A_660 : i32
        %parallel_loop3A_662 = arith.remsi %parallel_loop3A_472, %parallel_loop3A_645 : i32
        %parallel_loop3A_663 = arith.constant 0 : i32
        %parallel_loop3A_664 = arith.cmpi ne, %parallel_loop3A_662, %parallel_loop3A_663 : i32
        %parallel_loop3A_665 = arith.andi %parallel_loop3A_661, %parallel_loop3A_664 : i1
        %parallel_loop3A_666 = arith.constant 1 : i32
        %parallel_loop3A_667 = arith.subi %parallel_loop3A_646, %parallel_loop3A_666 : i32
        %parallel_loop3A_668 = arith.select %parallel_loop3A_665, %parallel_loop3A_667, %parallel_loop3A_646 : i32
        %parallel_loop3A_669 = arith.constant 8 : i32
        %parallel_loop3A_670 = arith.constant 0 : i32
        %parallel_loop3A_671 = arith.cmpi eq, %parallel_loop3A_669, %parallel_loop3A_670 : i32
        %parallel_loop3A_672 = arith.constant 1 : i32
        %parallel_loop3A_673 = arith.select %parallel_loop3A_671, %parallel_loop3A_672, %parallel_loop3A_669 : i32
        %parallel_loop3A_674 = arith.remsi %parallel_loop3A_472, %parallel_loop3A_673 : i32
        %parallel_loop3A_675 = arith.constant 0 : i32
        %parallel_loop3A_676 = arith.cmpi ne, %parallel_loop3A_674, %parallel_loop3A_675 : i32
        %parallel_loop3A_677 = arith.constant 0 : i32
        %parallel_loop3A_678 = arith.cmpi slt, %parallel_loop3A_674, %parallel_loop3A_677 : i32
        %parallel_loop3A_679 = arith.constant 0 : i32
        %parallel_loop3A_680 = arith.cmpi slt, %parallel_loop3A_673, %parallel_loop3A_679 : i32
        %parallel_loop3A_681 = arith.xori %parallel_loop3A_678, %parallel_loop3A_680 : i1
        %parallel_loop3A_682 = arith.andi %parallel_loop3A_681, %parallel_loop3A_676 : i1
        %parallel_loop3A_683 = arith.addi %parallel_loop3A_674, %parallel_loop3A_673 : i32
        %parallel_loop3A_684 = arith.select %parallel_loop3A_682, %parallel_loop3A_683, %parallel_loop3A_674 : i32
        %parallel_loop3A_685 = arith.constant 0 : i32
        %parallel_loop3A_686 = arith.constant 0 : i32
        %parallel_loop3A_687 = arith.constant 0 : i32
        %parallel_loop3A_688 = tpu.memref_slice %arg13[%select_n3A_219, %parallel_loop3A_685, %parallel_loop3A_686, %parallel_loop3A_687] : memref<2x20x8x128xf32, #tpu.memory_space<vmem>> -> memref<1x20x8x128xf32, #tpu.memory_space<vmem>>
        %parallel_loop3A_689 = tpu.memref_squeeze %parallel_loop3A_688 : memref<1x20x8x128xf32, #tpu.memory_space<vmem>> -> memref<20x8x128xf32, #tpu.memory_space<vmem>>
        %parallel_loop3A_690 = arith.index_cast %parallel_loop3A_668 : i32 to index
        %parallel_loop3A_691 = arith.index_cast %parallel_loop3A_684 : i32 to index
        %parallel_loop3A_692 = arith.constant 48 : index
        %parallel_loop3A_693 = tpu.vector_load %parallel_loop3A_689[%parallel_loop3A_690, %parallel_loop3A_691, %parallel_loop3A_692] {strides = array<i32>} : memref<20x8x128xf32, #tpu.memory_space<vmem>>, vector<16xf32>,
        tpu.vector_store %parallel_loop3A_689[%parallel_loop3A_690, %parallel_loop3A_691, %parallel_loop3A_692], %parallel_loop3A_644 {strides = array<i32>} : memref<20x8x128xf32, #tpu.memory_space<vmem>>, vector<16xf32>,
        %parallel_loop3A_694 = arith.constant 0 : i32
        %parallel_loop3A_695 = arith.constant 0 : i32
        %parallel_loop3A_696 = tpu.memref_slice %arg11[%select_n3A_219, %parallel_loop3A_694, %parallel_loop3A_695] : memref<2x128x32xf32, #tpu.memory_space<vmem>> -> memref<1x128x32xf32, #tpu.memory_space<vmem>>
        %parallel_loop3A_697 = tpu.memref_squeeze %parallel_loop3A_696 : memref<1x128x32xf32, #tpu.memory_space<vmem>> -> memref<128x32xf32, #tpu.memory_space<vmem>>
        %parallel_loop3A_698 = tpu.vector_load_idx %parallel_loop3A_697[%add3A_24, %parallel_loop3A_473] : memref<128x32xf32, #tpu.memory_space<vmem>>[vector<16xi32>, vector<16xi32>], vector<16xf32>,
        %parallel_loop3A_699 = arith.mulf %get3A_438, %parallel_loop3A_698 : vector<16xf32>
        %parallel_loop3A_700 = arith.constant 8 : i32
        %parallel_loop3A_701 = arith.divsi %parallel_loop3A_472, %parallel_loop3A_700 : i32
        %parallel_loop3A_702 = arith.constant 0 : i32
        %parallel_loop3A_703 = arith.cmpi sgt, %parallel_loop3A_472, %parallel_loop3A_702 : i32
        %parallel_loop3A_704 = arith.extui %parallel_loop3A_703 : i1 to i32
        %parallel_loop3A_705 = arith.constant 0 : i32
        %parallel_loop3A_706 = arith.cmpi slt, %parallel_loop3A_472, %parallel_loop3A_705 : i32
        %parallel_loop3A_707 = arith.extui %parallel_loop3A_706 : i1 to i32
        %parallel_loop3A_708 = arith.subi %parallel_loop3A_704, %parallel_loop3A_707 : i32
        %parallel_loop3A_709 = arith.constant 0 : i32
        %parallel_loop3A_710 = arith.cmpi sgt, %parallel_loop3A_700, %parallel_loop3A_709 : i32
        %parallel_loop3A_711 = arith.extui %parallel_loop3A_710 : i1 to i32
        %parallel_loop3A_712 = arith.constant 0 : i32
        %parallel_loop3A_713 = arith.cmpi slt, %parallel_loop3A_700, %parallel_loop3A_712 : i32
        %parallel_loop3A_714 = arith.extui %parallel_loop3A_713 : i1 to i32
        %parallel_loop3A_715 = arith.subi %parallel_loop3A_711, %parallel_loop3A_714 : i32
        %parallel_loop3A_716 = arith.cmpi ne, %parallel_loop3A_708, %parallel_loop3A_715 : i32
        %parallel_loop3A_717 = arith.remsi %parallel_loop3A_472, %parallel_loop3A_700 : i32
        %parallel_loop3A_718 = arith.constant 0 : i32
        %parallel_loop3A_719 = arith.cmpi ne, %parallel_loop3A_717, %parallel_loop3A_718 : i32
        %parallel_loop3A_720 = arith.andi %parallel_loop3A_716, %parallel_loop3A_719 : i1
        %parallel_loop3A_721 = arith.constant 1 : i32
        %parallel_loop3A_722 = arith.subi %parallel_loop3A_701, %parallel_loop3A_721 : i32
        %parallel_loop3A_723 = arith.select %parallel_loop3A_720, %parallel_loop3A_722, %parallel_loop3A_701 : i32
        %parallel_loop3A_724 = arith.constant 8 : i32
        %parallel_loop3A_725 = arith.constant 0 : i32
        %parallel_loop3A_726 = arith.cmpi eq, %parallel_loop3A_724, %parallel_loop3A_725 : i32
        %parallel_loop3A_727 = arith.constant 1 : i32
        %parallel_loop3A_728 = arith.select %parallel_loop3A_726, %parallel_loop3A_727, %parallel_loop3A_724 : i32
        %parallel_loop3A_729 = arith.remsi %parallel_loop3A_472, %parallel_loop3A_728 : i32
        %parallel_loop3A_730 = arith.constant 0 : i32
        %parallel_loop3A_731 = arith.cmpi ne, %parallel_loop3A_729, %parallel_loop3A_730 : i32
        %parallel_loop3A_732 = arith.constant 0 : i32
        %parallel_loop3A_733 = arith.cmpi slt, %parallel_loop3A_729, %parallel_loop3A_732 : i32
        %parallel_loop3A_734 = arith.constant 0 : i32
        %parallel_loop3A_735 = arith.cmpi slt, %parallel_loop3A_728, %parallel_loop3A_734 : i32
        %parallel_loop3A_736 = arith.xori %parallel_loop3A_733, %parallel_loop3A_735 : i1
        %parallel_loop3A_737 = arith.andi %parallel_loop3A_736, %parallel_loop3A_731 : i1
        %parallel_loop3A_738 = arith.addi %parallel_loop3A_729, %parallel_loop3A_728 : i32
        %parallel_loop3A_739 = arith.select %parallel_loop3A_737, %parallel_loop3A_738, %parallel_loop3A_729 : i32
        %parallel_loop3A_740 = arith.constant 0 : i32
        %parallel_loop3A_741 = arith.constant 0 : i32
        %parallel_loop3A_742 = arith.constant 0 : i32
        %parallel_loop3A_743 = tpu.memref_slice %arg13[%select_n3A_219, %parallel_loop3A_740, %parallel_loop3A_741, %parallel_loop3A_742] : memref<2x20x8x128xf32, #tpu.memory_space<vmem>> -> memref<1x20x8x128xf32, #tpu.memory_space<vmem>>
        %parallel_loop3A_744 = tpu.memref_squeeze %parallel_loop3A_743 : memref<1x20x8x128xf32, #tpu.memory_space<vmem>> -> memref<20x8x128xf32, #tpu.memory_space<vmem>>
        %parallel_loop3A_745 = arith.index_cast %parallel_loop3A_723 : i32 to index
        %parallel_loop3A_746 = arith.index_cast %parallel_loop3A_739 : i32 to index
        %parallel_loop3A_747 = arith.constant 64 : index
        %parallel_loop3A_748 = tpu.vector_load %parallel_loop3A_744[%parallel_loop3A_745, %parallel_loop3A_746, %parallel_loop3A_747] {strides = array<i32>} : memref<20x8x128xf32, #tpu.memory_space<vmem>>, vector<16xf32>,
        tpu.vector_store %parallel_loop3A_744[%parallel_loop3A_745, %parallel_loop3A_746, %parallel_loop3A_747], %parallel_loop3A_699 {strides = array<i32>} : memref<20x8x128xf32, #tpu.memory_space<vmem>>, vector<16xf32>,
        %parallel_loop3A_749 = arith.constant 0 : i32
        %parallel_loop3A_750 = arith.constant 0 : i32
        %parallel_loop3A_751 = tpu.memref_slice %arg11[%select_n3A_219, %parallel_loop3A_749, %parallel_loop3A_750] : memref<2x128x32xf32, #tpu.memory_space<vmem>> -> memref<1x128x32xf32, #tpu.memory_space<vmem>>
        %parallel_loop3A_752 = tpu.memref_squeeze %parallel_loop3A_751 : memref<1x128x32xf32, #tpu.memory_space<vmem>> -> memref<128x32xf32, #tpu.memory_space<vmem>>
        %parallel_loop3A_753 = tpu.vector_load_idx %parallel_loop3A_752[%add3A_28, %parallel_loop3A_473] : memref<128x32xf32, #tpu.memory_space<vmem>>[vector<16xi32>, vector<16xi32>], vector<16xf32>,
        %parallel_loop3A_754 = arith.mulf %get3A_441, %parallel_loop3A_753 : vector<16xf32>
        %parallel_loop3A_755 = arith.constant 8 : i32
        %parallel_loop3A_756 = arith.divsi %parallel_loop3A_472, %parallel_loop3A_755 : i32
        %parallel_loop3A_757 = arith.constant 0 : i32
        %parallel_loop3A_758 = arith.cmpi sgt, %parallel_loop3A_472, %parallel_loop3A_757 : i32
        %parallel_loop3A_759 = arith.extui %parallel_loop3A_758 : i1 to i32
        %parallel_loop3A_760 = arith.constant 0 : i32
        %parallel_loop3A_761 = arith.cmpi slt, %parallel_loop3A_472, %parallel_loop3A_760 : i32
        %parallel_loop3A_762 = arith.extui %parallel_loop3A_761 : i1 to i32
        %parallel_loop3A_763 = arith.subi %parallel_loop3A_759, %parallel_loop3A_762 : i32
        %parallel_loop3A_764 = arith.constant 0 : i32
        %parallel_loop3A_765 = arith.cmpi sgt, %parallel_loop3A_755, %parallel_loop3A_764 : i32
        %parallel_loop3A_766 = arith.extui %parallel_loop3A_765 : i1 to i32
        %parallel_loop3A_767 = arith.constant 0 : i32
        %parallel_loop3A_768 = arith.cmpi slt, %parallel_loop3A_755, %parallel_loop3A_767 : i32
        %parallel_loop3A_769 = arith.extui %parallel_loop3A_768 : i1 to i32
        %parallel_loop3A_770 = arith.subi %parallel_loop3A_766, %parallel_loop3A_769 : i32
        %parallel_loop3A_771 = arith.cmpi ne, %parallel_loop3A_763, %parallel_loop3A_770 : i32
        %parallel_loop3A_772 = arith.remsi %parallel_loop3A_472, %parallel_loop3A_755 : i32
        %parallel_loop3A_773 = arith.constant 0 : i32
        %parallel_loop3A_774 = arith.cmpi ne, %parallel_loop3A_772, %parallel_loop3A_773 : i32
        %parallel_loop3A_775 = arith.andi %parallel_loop3A_771, %parallel_loop3A_774 : i1
        %parallel_loop3A_776 = arith.constant 1 : i32
        %parallel_loop3A_777 = arith.subi %parallel_loop3A_756, %parallel_loop3A_776 : i32
        %parallel_loop3A_778 = arith.select %parallel_loop3A_775, %parallel_loop3A_777, %parallel_loop3A_756 : i32
        %parallel_loop3A_779 = arith.constant 8 : i32
        %parallel_loop3A_780 = arith.constant 0 : i32
        %parallel_loop3A_781 = arith.cmpi eq, %parallel_loop3A_779, %parallel_loop3A_780 : i32
        %parallel_loop3A_782 = arith.constant 1 : i32
        %parallel_loop3A_783 = arith.select %parallel_loop3A_781, %parallel_loop3A_782, %parallel_loop3A_779 : i32
        %parallel_loop3A_784 = arith.remsi %parallel_loop3A_472, %parallel_loop3A_783 : i32
        %parallel_loop3A_785 = arith.constant 0 : i32
        %parallel_loop3A_786 = arith.cmpi ne, %parallel_loop3A_784, %parallel_loop3A_785 : i32
        %parallel_loop3A_787 = arith.constant 0 : i32
        %parallel_loop3A_788 = arith.cmpi slt, %parallel_loop3A_784, %parallel_loop3A_787 : i32
        %parallel_loop3A_789 = arith.constant 0 : i32
        %parallel_loop3A_790 = arith.cmpi slt, %parallel_loop3A_783, %parallel_loop3A_789 : i32
        %parallel_loop3A_791 = arith.xori %parallel_loop3A_788, %parallel_loop3A_790 : i1
        %parallel_loop3A_792 = arith.andi %parallel_loop3A_791, %parallel_loop3A_786 : i1
        %parallel_loop3A_793 = arith.addi %parallel_loop3A_784, %parallel_loop3A_783 : i32
        %parallel_loop3A_794 = arith.select %parallel_loop3A_792, %parallel_loop3A_793, %parallel_loop3A_784 : i32
        %parallel_loop3A_795 = arith.constant 0 : i32
        %parallel_loop3A_796 = arith.constant 0 : i32
        %parallel_loop3A_797 = arith.constant 0 : i32
        %parallel_loop3A_798 = tpu.memref_slice %arg13[%select_n3A_219, %parallel_loop3A_795, %parallel_loop3A_796, %parallel_loop3A_797] : memref<2x20x8x128xf32, #tpu.memory_space<vmem>> -> memref<1x20x8x128xf32, #tpu.memory_space<vmem>>
        %parallel_loop3A_799 = tpu.memref_squeeze %parallel_loop3A_798 : memref<1x20x8x128xf32, #tpu.memory_space<vmem>> -> memref<20x8x128xf32, #tpu.memory_space<vmem>>
        %parallel_loop3A_800 = arith.index_cast %parallel_loop3A_778 : i32 to index
        %parallel_loop3A_801 = arith.index_cast %parallel_loop3A_794 : i32 to index
        %parallel_loop3A_802 = arith.constant 80 : index
        %parallel_loop3A_803 = tpu.vector_load %parallel_loop3A_799[%parallel_loop3A_800, %parallel_loop3A_801, %parallel_loop3A_802] {strides = array<i32>} : memref<20x8x128xf32, #tpu.memory_space<vmem>>, vector<16xf32>,
        tpu.vector_store %parallel_loop3A_799[%parallel_loop3A_800, %parallel_loop3A_801, %parallel_loop3A_802], %parallel_loop3A_754 {strides = array<i32>} : memref<20x8x128xf32, #tpu.memory_space<vmem>>, vector<16xf32>,
        %parallel_loop3A_804 = arith.constant 0 : i32
        %parallel_loop3A_805 = arith.constant 0 : i32
        %parallel_loop3A_806 = tpu.memref_slice %arg11[%select_n3A_219, %parallel_loop3A_804, %parallel_loop3A_805] : memref<2x128x32xf32, #tpu.memory_space<vmem>> -> memref<1x128x32xf32, #tpu.memory_space<vmem>>
        %parallel_loop3A_807 = tpu.memref_squeeze %parallel_loop3A_806 : memref<1x128x32xf32, #tpu.memory_space<vmem>> -> memref<128x32xf32, #tpu.memory_space<vmem>>
        %parallel_loop3A_808 = tpu.vector_load_idx %parallel_loop3A_807[%add3A_32, %parallel_loop3A_473] : memref<128x32xf32, #tpu.memory_space<vmem>>[vector<16xi32>, vector<16xi32>], vector<16xf32>,
        %parallel_loop3A_809 = arith.mulf %get3A_444, %parallel_loop3A_808 : vector<16xf32>
        %parallel_loop3A_810 = arith.constant 8 : i32
        %parallel_loop3A_811 = arith.divsi %parallel_loop3A_472, %parallel_loop3A_810 : i32
        %parallel_loop3A_812 = arith.constant 0 : i32
        %parallel_loop3A_813 = arith.cmpi sgt, %parallel_loop3A_472, %parallel_loop3A_812 : i32
        %parallel_loop3A_814 = arith.extui %parallel_loop3A_813 : i1 to i32
        %parallel_loop3A_815 = arith.constant 0 : i32
        %parallel_loop3A_816 = arith.cmpi slt, %parallel_loop3A_472, %parallel_loop3A_815 : i32
        %parallel_loop3A_817 = arith.extui %parallel_loop3A_816 : i1 to i32
        %parallel_loop3A_818 = arith.subi %parallel_loop3A_814, %parallel_loop3A_817 : i32
        %parallel_loop3A_819 = arith.constant 0 : i32
        %parallel_loop3A_820 = arith.cmpi sgt, %parallel_loop3A_810, %parallel_loop3A_819 : i32
        %parallel_loop3A_821 = arith.extui %parallel_loop3A_820 : i1 to i32
        %parallel_loop3A_822 = arith.constant 0 : i32
        %parallel_loop3A_823 = arith.cmpi slt, %parallel_loop3A_810, %parallel_loop3A_822 : i32
        %parallel_loop3A_824 = arith.extui %parallel_loop3A_823 : i1 to i32
        %parallel_loop3A_825 = arith.subi %parallel_loop3A_821, %parallel_loop3A_824 : i32
        %parallel_loop3A_826 = arith.cmpi ne, %parallel_loop3A_818, %parallel_loop3A_825 : i32
        %parallel_loop3A_827 = arith.remsi %parallel_loop3A_472, %parallel_loop3A_810 : i32
        %parallel_loop3A_828 = arith.constant 0 : i32
        %parallel_loop3A_829 = arith.cmpi ne, %parallel_loop3A_827, %parallel_loop3A_828 : i32
        %parallel_loop3A_830 = arith.andi %parallel_loop3A_826, %parallel_loop3A_829 : i1
        %parallel_loop3A_831 = arith.constant 1 : i32
        %parallel_loop3A_832 = arith.subi %parallel_loop3A_811, %parallel_loop3A_831 : i32
        %parallel_loop3A_833 = arith.select %parallel_loop3A_830, %parallel_loop3A_832, %parallel_loop3A_811 : i32
        %parallel_loop3A_834 = arith.constant 8 : i32
        %parallel_loop3A_835 = arith.constant 0 : i32
        %parallel_loop3A_836 = arith.cmpi eq, %parallel_loop3A_834, %parallel_loop3A_835 : i32
        %parallel_loop3A_837 = arith.constant 1 : i32
        %parallel_loop3A_838 = arith.select %parallel_loop3A_836, %parallel_loop3A_837, %parallel_loop3A_834 : i32
        %parallel_loop3A_839 = arith.remsi %parallel_loop3A_472, %parallel_loop3A_838 : i32
        %parallel_loop3A_840 = arith.constant 0 : i32
        %parallel_loop3A_841 = arith.cmpi ne, %parallel_loop3A_839, %parallel_loop3A_840 : i32
        %parallel_loop3A_842 = arith.constant 0 : i32
        %parallel_loop3A_843 = arith.cmpi slt, %parallel_loop3A_839, %parallel_loop3A_842 : i32
        %parallel_loop3A_844 = arith.constant 0 : i32
        %parallel_loop3A_845 = arith.cmpi slt, %parallel_loop3A_838, %parallel_loop3A_844 : i32
        %parallel_loop3A_846 = arith.xori %parallel_loop3A_843, %parallel_loop3A_845 : i1
        %parallel_loop3A_847 = arith.andi %parallel_loop3A_846, %parallel_loop3A_841 : i1
        %parallel_loop3A_848 = arith.addi %parallel_loop3A_839, %parallel_loop3A_838 : i32
        %parallel_loop3A_849 = arith.select %parallel_loop3A_847, %parallel_loop3A_848, %parallel_loop3A_839 : i32
        %parallel_loop3A_850 = arith.constant 0 : i32
        %parallel_loop3A_851 = arith.constant 0 : i32
        %parallel_loop3A_852 = arith.constant 0 : i32
        %parallel_loop3A_853 = tpu.memref_slice %arg13[%select_n3A_219, %parallel_loop3A_850, %parallel_loop3A_851, %parallel_loop3A_852] : memref<2x20x8x128xf32, #tpu.memory_space<vmem>> -> memref<1x20x8x128xf32, #tpu.memory_space<vmem>>
        %parallel_loop3A_854 = tpu.memref_squeeze %parallel_loop3A_853 : memref<1x20x8x128xf32, #tpu.memory_space<vmem>> -> memref<20x8x128xf32, #tpu.memory_space<vmem>>
        %parallel_loop3A_855 = arith.index_cast %parallel_loop3A_833 : i32 to index
        %parallel_loop3A_856 = arith.index_cast %parallel_loop3A_849 : i32 to index
        %parallel_loop3A_857 = arith.constant 96 : index
        %parallel_loop3A_858 = tpu.vector_load %parallel_loop3A_854[%parallel_loop3A_855, %parallel_loop3A_856, %parallel_loop3A_857] {strides = array<i32>} : memref<20x8x128xf32, #tpu.memory_space<vmem>>, vector<16xf32>,
        tpu.vector_store %parallel_loop3A_854[%parallel_loop3A_855, %parallel_loop3A_856, %parallel_loop3A_857], %parallel_loop3A_809 {strides = array<i32>} : memref<20x8x128xf32, #tpu.memory_space<vmem>>, vector<16xf32>,
        %parallel_loop3A_859 = arith.constant 0 : i32
        %parallel_loop3A_860 = arith.constant 0 : i32
        %parallel_loop3A_861 = tpu.memref_slice %arg11[%select_n3A_219, %parallel_loop3A_859, %parallel_loop3A_860] : memref<2x128x32xf32, #tpu.memory_space<vmem>> -> memref<1x128x32xf32, #tpu.memory_space<vmem>>
        %parallel_loop3A_862 = tpu.memref_squeeze %parallel_loop3A_861 : memref<1x128x32xf32, #tpu.memory_space<vmem>> -> memref<128x32xf32, #tpu.memory_space<vmem>>
        %parallel_loop3A_863 = tpu.vector_load_idx %parallel_loop3A_862[%add3A_36, %parallel_loop3A_473] : memref<128x32xf32, #tpu.memory_space<vmem>>[vector<16xi32>, vector<16xi32>], vector<16xf32>,
        %parallel_loop3A_864 = arith.mulf %get3A_447, %parallel_loop3A_863 : vector<16xf32>
        %parallel_loop3A_865 = arith.constant 8 : i32
        %parallel_loop3A_866 = arith.divsi %parallel_loop3A_472, %parallel_loop3A_865 : i32
        %parallel_loop3A_867 = arith.constant 0 : i32
        %parallel_loop3A_868 = arith.cmpi sgt, %parallel_loop3A_472, %parallel_loop3A_867 : i32
        %parallel_loop3A_869 = arith.extui %parallel_loop3A_868 : i1 to i32
        %parallel_loop3A_870 = arith.constant 0 : i32
        %parallel_loop3A_871 = arith.cmpi slt, %parallel_loop3A_472, %parallel_loop3A_870 : i32
        %parallel_loop3A_872 = arith.extui %parallel_loop3A_871 : i1 to i32
        %parallel_loop3A_873 = arith.subi %parallel_loop3A_869, %parallel_loop3A_872 : i32
        %parallel_loop3A_874 = arith.constant 0 : i32
        %parallel_loop3A_875 = arith.cmpi sgt, %parallel_loop3A_865, %parallel_loop3A_874 : i32
        %parallel_loop3A_876 = arith.extui %parallel_loop3A_875 : i1 to i32
        %parallel_loop3A_877 = arith.constant 0 : i32
        %parallel_loop3A_878 = arith.cmpi slt, %parallel_loop3A_865, %parallel_loop3A_877 : i32
        %parallel_loop3A_879 = arith.extui %parallel_loop3A_878 : i1 to i32
        %parallel_loop3A_880 = arith.subi %parallel_loop3A_876, %parallel_loop3A_879 : i32
        %parallel_loop3A_881 = arith.cmpi ne, %parallel_loop3A_873, %parallel_loop3A_880 : i32
        %parallel_loop3A_882 = arith.remsi %parallel_loop3A_472, %parallel_loop3A_865 : i32
        %parallel_loop3A_883 = arith.constant 0 : i32
        %parallel_loop3A_884 = arith.cmpi ne, %parallel_loop3A_882, %parallel_loop3A_883 : i32
        %parallel_loop3A_885 = arith.andi %parallel_loop3A_881, %parallel_loop3A_884 : i1
        %parallel_loop3A_886 = arith.constant 1 : i32
        %parallel_loop3A_887 = arith.subi %parallel_loop3A_866, %parallel_loop3A_886 : i32
        %parallel_loop3A_888 = arith.select %parallel_loop3A_885, %parallel_loop3A_887, %parallel_loop3A_866 : i32
        %parallel_loop3A_889 = arith.constant 8 : i32
        %parallel_loop3A_890 = arith.constant 0 : i32
        %parallel_loop3A_891 = arith.cmpi eq, %parallel_loop3A_889, %parallel_loop3A_890 : i32
        %parallel_loop3A_892 = arith.constant 1 : i32
        %parallel_loop3A_893 = arith.select %parallel_loop3A_891, %parallel_loop3A_892, %parallel_loop3A_889 : i32
        %parallel_loop3A_894 = arith.remsi %parallel_loop3A_472, %parallel_loop3A_893 : i32
        %parallel_loop3A_895 = arith.constant 0 : i32
        %parallel_loop3A_896 = arith.cmpi ne, %parallel_loop3A_894, %parallel_loop3A_895 : i32
        %parallel_loop3A_897 = arith.constant 0 : i32
        %parallel_loop3A_898 = arith.cmpi slt, %parallel_loop3A_894, %parallel_loop3A_897 : i32
        %parallel_loop3A_899 = arith.constant 0 : i32
        %parallel_loop3A_900 = arith.cmpi slt, %parallel_loop3A_893, %parallel_loop3A_899 : i32
        %parallel_loop3A_901 = arith.xori %parallel_loop3A_898, %parallel_loop3A_900 : i1
        %parallel_loop3A_902 = arith.andi %parallel_loop3A_901, %parallel_loop3A_896 : i1
        %parallel_loop3A_903 = arith.addi %parallel_loop3A_894, %parallel_loop3A_893 : i32
        %parallel_loop3A_904 = arith.select %parallel_loop3A_902, %parallel_loop3A_903, %parallel_loop3A_894 : i32
        %parallel_loop3A_905 = arith.constant 0 : i32
        %parallel_loop3A_906 = arith.constant 0 : i32
        %parallel_loop3A_907 = arith.constant 0 : i32
        %parallel_loop3A_908 = tpu.memref_slice %arg13[%select_n3A_219, %parallel_loop3A_905, %parallel_loop3A_906, %parallel_loop3A_907] : memref<2x20x8x128xf32, #tpu.memory_space<vmem>> -> memref<1x20x8x128xf32, #tpu.memory_space<vmem>>
        %parallel_loop3A_909 = tpu.memref_squeeze %parallel_loop3A_908 : memref<1x20x8x128xf32, #tpu.memory_space<vmem>> -> memref<20x8x128xf32, #tpu.memory_space<vmem>>
        %parallel_loop3A_910 = arith.index_cast %parallel_loop3A_888 : i32 to index
        %parallel_loop3A_911 = arith.index_cast %parallel_loop3A_904 : i32 to index
        %parallel_loop3A_912 = arith.constant 112 : index
        %parallel_loop3A_913 = tpu.vector_load %parallel_loop3A_909[%parallel_loop3A_910, %parallel_loop3A_911, %parallel_loop3A_912] {strides = array<i32>} : memref<20x8x128xf32, #tpu.memory_space<vmem>>, vector<16xf32>,
        tpu.vector_store %parallel_loop3A_909[%parallel_loop3A_910, %parallel_loop3A_911, %parallel_loop3A_912], %parallel_loop3A_864 {strides = array<i32>} : memref<20x8x128xf32, #tpu.memory_space<vmem>>, vector<16xf32>,
      } {sc.loop_unroll_factor = 4 : i64, sc.parallel_access}
      %add3A_451 = arith.addi %mul3A_2, %select_n3A_203 : i32
      %dma_start3A_452 = arith.constant 0 : i32
      %dma_start3A_453 = arith.constant 0 : i32
      %dma_start3A_454 = arith.constant 0 : i32
      %dma_start3A_455 = tpu.memref_slice %arg13[%select_n3A_219, %dma_start3A_452, %dma_start3A_453, %dma_start3A_454] : memref<2x20x8x128xf32, #tpu.memory_space<vmem>> -> memref<1x20x8x128xf32, #tpu.memory_space<vmem>>
      %dma_start3A_456 = tpu.memref_squeeze %dma_start3A_455 : memref<1x20x8x128xf32, #tpu.memory_space<vmem>> -> memref<20x8x128xf32, #tpu.memory_space<vmem>>
      %dma_start3A_457 = arith.constant 0 : i32
      %dma_start3A_458 = arith.constant 0 : i32
      %dma_start3A_459 = arith.constant 0 : i32
      %dma_start3A_460 = tpu.memref_slice %arg7[%select_n3A, %dma_start3A_457, %add3A_451, %dma_start3A_458, %dma_start3A_459] : memref<20x20x128x8x128xf32, #tpu.memory_space<hbm>> -> memref<1x20x1x8x128xf32, #tpu.memory_space<hbm>>
      %dma_start3A_461 = tpu.memref_squeeze %dma_start3A_460 : memref<1x20x1x8x128xf32, #tpu.memory_space<hbm>> -> memref<20x8x128xf32, #tpu.memory_space<hbm>>
      %dma_start3A_462 = arith.constant 0 : i32
      %dma_start3A_463 = arith.constant 0 : i32
      %dma_start3A_464 = arith.constant 0 : i32
      %dma_start3A_465 = tpu.memref_slice %arg7[%select_n3A, %dma_start3A_462, %add3A_451, %dma_start3A_463, %dma_start3A_464] : memref<20x20x128x8x128xf32, #tpu.memory_space<hbm>> -> memref<1x20x1x8x128xf32, #tpu.memory_space<hbm>>
      %dma_start3A_466 = tpu.memref_squeeze %dma_start3A_465 : memref<1x20x1x8x128xf32, #tpu.memory_space<hbm>> -> memref<20x8x128xf32, #tpu.memory_space<hbm>>
      %dma_start3A_467 = arith.constant 0 : i32
      %dma_start3A_468 = arith.constant 0 : i32
      %dma_start3A_469 = arith.constant 0 : i32
      %dma_start3A_470 = tpu.memref_slice %arg13[%select_n3A_219, %dma_start3A_467, %dma_start3A_468, %dma_start3A_469] : memref<2x20x8x128xf32, #tpu.memory_space<vmem>> -> memref<1x20x8x128xf32, #tpu.memory_space<vmem>>
      %dma_start3A_471 = tpu.memref_squeeze %dma_start3A_470 : memref<1x20x8x128xf32, #tpu.memory_space<vmem>> -> memref<20x8x128xf32, #tpu.memory_space<vmem>>
      tpu.enqueue_dma source(%dma_start3A_471 : memref<20x8x128xf32, #tpu.memory_space<vmem>>) target(%dma_start3A_466 : memref<20x8x128xf32, #tpu.memory_space<hbm>>) target_semaphore(%arg16 : memref<!tpu.dma_semaphore, #tpu.memory_space<semaphore_mem>>)
    }
    %scan3A_127 = arith.constant 80 : i32
    %dma_wait3A = arith.constant 0 : i32
    %dma_wait3A_128 = arith.constant 0 : i32
    %dma_wait3A_129 = arith.constant 0 : i32
    %dma_wait3A_130 = arith.constant 0 : i32
    %dma_wait3A_131 = arith.constant 0 : i32
    %dma_wait3A_132 = arith.constant 0 : i32
    %dma_wait3A_133 = tpu.memref_slice %arg13[%dma_wait3A, %dma_wait3A_130, %dma_wait3A_131, %dma_wait3A_132] : memref<2x20x8x128xf32, #tpu.memory_space<vmem>> -> memref<1x20x8x128xf32, #tpu.memory_space<vmem>>
    %dma_wait3A_134 = tpu.memref_squeeze %dma_wait3A_133 : memref<1x20x8x128xf32, #tpu.memory_space<vmem>> -> memref<20x8x128xf32, #tpu.memory_space<vmem>>
    %dma_wait3A_135 = arith.constant 0 : i32
    %dma_wait3A_136 = arith.constant 0 : i32
    %dma_wait3A_137 = arith.constant 0 : i32
    %dma_wait3A_138 = tpu.memref_slice %arg7[%dma_wait3A_128, %dma_wait3A_135, %dma_wait3A_129, %dma_wait3A_136, %dma_wait3A_137] : memref<20x20x128x8x128xf32, #tpu.memory_space<hbm>> -> memref<1x20x1x8x128xf32, #tpu.memory_space<hbm>>
    %dma_wait3A_139 = tpu.memref_squeeze %dma_wait3A_138 : memref<1x20x1x8x128xf32, #tpu.memory_space<hbm>> -> memref<20x8x128xf32, #tpu.memory_space<hbm>>
    %dma_wait3A_140 = arith.constant 0 : i32
    %dma_wait3A_141 = arith.constant 0 : i32
    %dma_wait3A_142 = arith.constant 0 : i32
    %dma_wait3A_143 = tpu.memref_slice %arg7[%dma_wait3A_128, %dma_wait3A_140, %dma_wait3A_129, %dma_wait3A_141, %dma_wait3A_142] : memref<20x20x128x8x128xf32, #tpu.memory_space<hbm>> -> memref<1x20x1x8x128xf32, #tpu.memory_space<hbm>>
    %dma_wait3A_144 = tpu.memref_squeeze %dma_wait3A_143 : memref<1x20x1x8x128xf32, #tpu.memory_space<hbm>> -> memref<20x8x128xf32, #tpu.memory_space<hbm>>
    %dma_wait3A_145 = arith.constant 0 : i32
    %dma_wait3A_146 = arith.constant 0 : i32
    %dma_wait3A_147 = arith.constant 0 : i32
    %dma_wait3A_148 = tpu.memref_slice %arg13[%dma_wait3A, %dma_wait3A_145, %dma_wait3A_146, %dma_wait3A_147] : memref<2x20x8x128xf32, #tpu.memory_space<vmem>> -> memref<1x20x8x128xf32, #tpu.memory_space<vmem>>
    %dma_wait3A_149 = tpu.memref_squeeze %dma_wait3A_148 : memref<1x20x8x128xf32, #tpu.memory_space<vmem>> -> memref<20x8x128xf32, #tpu.memory_space<vmem>>
    tpu.wait_dma2 semaphore(%arg16 : memref<!tpu.dma_semaphore, #tpu.memory_space<semaphore_mem>>) src(%dma_wait3A_149 : memref<20x8x128xf32, #tpu.memory_space<vmem>>) dst(%dma_wait3A_144 : memref<20x8x128xf32, #tpu.memory_space<hbm>>)
    %dma_wait3A_150 = arith.constant 1 : i32
    %dma_wait3A_151 = arith.constant 0 : i32
    %dma_wait3A_152 = arith.constant 0 : i32
    %dma_wait3A_153 = arith.constant 0 : i32
    %dma_wait3A_154 = arith.constant 0 : i32
    %dma_wait3A_155 = arith.constant 0 : i32
    %dma_wait3A_156 = tpu.memref_slice %arg13[%dma_wait3A_150, %dma_wait3A_153, %dma_wait3A_154, %dma_wait3A_155] : memref<2x20x8x128xf32, #tpu.memory_space<vmem>> -> memref<1x20x8x128xf32, #tpu.memory_space<vmem>>
    %dma_wait3A_157 = tpu.memref_squeeze %dma_wait3A_156 : memref<1x20x8x128xf32, #tpu.memory_space<vmem>> -> memref<20x8x128xf32, #tpu.memory_space<vmem>>
    %dma_wait3A_158 = arith.constant 0 : i32
    %dma_wait3A_159 = arith.constant 0 : i32
    %dma_wait3A_160 = arith.constant 0 : i32
    %dma_wait3A_161 = tpu.memref_slice %arg7[%dma_wait3A_151, %dma_wait3A_158, %dma_wait3A_152, %dma_wait3A_159, %dma_wait3A_160] : memref<20x20x128x8x128xf32, #tpu.memory_space<hbm>> -> memref<1x20x1x8x128xf32, #tpu.memory_space<hbm>>
    %dma_wait3A_162 = tpu.memref_squeeze %dma_wait3A_161 : memref<1x20x1x8x128xf32, #tpu.memory_space<hbm>> -> memref<20x8x128xf32, #tpu.memory_space<hbm>>
    %dma_wait3A_163 = arith.constant 0 : i32
    %dma_wait3A_164 = arith.constant 0 : i32
    %dma_wait3A_165 = arith.constant 0 : i32
    %dma_wait3A_166 = tpu.memref_slice %arg7[%dma_wait3A_151, %dma_wait3A_163, %dma_wait3A_152, %dma_wait3A_164, %dma_wait3A_165] : memref<20x20x128x8x128xf32, #tpu.memory_space<hbm>> -> memref<1x20x1x8x128xf32, #tpu.memory_space<hbm>>
    %dma_wait3A_167 = tpu.memref_squeeze %dma_wait3A_166 : memref<1x20x1x8x128xf32, #tpu.memory_space<hbm>> -> memref<20x8x128xf32, #tpu.memory_space<hbm>>
    %dma_wait3A_168 = arith.constant 0 : i32
    %dma_wait3A_169 = arith.constant 0 : i32
    %dma_wait3A_170 = arith.constant 0 : i32
    %dma_wait3A_171 = tpu.memref_slice %arg13[%dma_wait3A_150, %dma_wait3A_168, %dma_wait3A_169, %dma_wait3A_170] : memref<2x20x8x128xf32, #tpu.memory_space<vmem>> -> memref<1x20x8x128xf32, #tpu.memory_space<vmem>>
    %dma_wait3A_172 = tpu.memref_squeeze %dma_wait3A_171 : memref<1x20x8x128xf32, #tpu.memory_space<vmem>> -> memref<20x8x128xf32, #tpu.memory_space<vmem>>
    tpu.wait_dma2 semaphore(%arg16 : memref<!tpu.dma_semaphore, #tpu.memory_space<semaphore_mem>>) src(%dma_wait3A_172 : memref<20x8x128xf32, #tpu.memory_space<vmem>>) dst(%dma_wait3A_167 : memref<20x8x128xf32, #tpu.memory_space<hbm>>)
    return
  }
}

module attributes {stable_mosaic.version = 14 : i64} {
  func.func @_pos_renorm_t_kernel(%arg0: memref<513x128xf32, #tpu.memory_space<vmem>>, %arg1: memref<128x512xf32, #tpu.memory_space<vmem>>) attributes {dimension_semantics = [], scalar_prefetch = 0 : i64, scratch_operands = 0 : i64, tpu.core_type = #tpu.core_type<tc>} {
    %get3A = arith.constant 0 : index
    %get3A_0 = arith.constant 0 : index
    %get3A_1 = vector.load %arg0[%get3A, %get3A_0] : memref<513x128xf32, #tpu.memory_space<vmem>>, vector<513x128xf32>
    %mul3A = arith.mulf %get3A_1, %get3A_1 : vector<513x128xf32>
    %reduce_sum3A = arith.constant dense<0.000000e+00> : vector<513xf32>
    %reduce_sum3A_2 = vector.multi_reduction <add>, %mul3A, %reduce_sum3A [1] : vector<513x128xf32> to vector<513xf32>
    %broadcast_in_dim3A = vector.shape_cast %reduce_sum3A_2 : vector<513xf32> to vector<513x1xf32>
    %sqrt3A = math.sqrt %broadcast_in_dim3A : vector<513x1xf32>
    %max3A = arith.constant 1.000000e-07 : f32
    %max3A_3 = vector.broadcast %max3A : f32 to vector<513x1xf32>
    %max3A_4 = arith.maximumf %sqrt3A, %max3A_3 : vector<513x1xf32>
    %div3A = arith.constant 1.000000e+00 : f32
    %div3A_5 = vector.broadcast %div3A : f32 to vector<513x1xf32>
    %div3A_6 = arith.divf %div3A_5, %max3A_4 : vector<513x1xf32>
    %min3A = arith.constant 1.000000e+00 : f32
    %min3A_7 = vector.broadcast %min3A : f32 to vector<513x1xf32>
    %min3A_8 = arith.minimumf %min3A_7, %div3A_6 : vector<513x1xf32>
    %mul3A_9 = vector.broadcast %min3A_8 : vector<513x1xf32> to vector<513x128xf32>
    %mul3A_10 = arith.mulf %get3A_1, %mul3A_9 : vector<513x128xf32>
    %slice3A = vector.extract_strided_slice %mul3A_10 {offsets = [0, 0], sizes = [512, 128], strides = [1, 1]} : vector<513x128xf32> to vector<512x128xf32>
    %transpose3A = tpu.transpose %slice3A, [1, 0] : vector<512x128xf32> -> vector<128x512xf32>
    %swap3A = arith.constant 0 : index
    %swap3A_11 = arith.constant 0 : index
    %swap3A_12 = vector.load %arg1[%swap3A, %swap3A_11] : memref<128x512xf32, #tpu.memory_space<vmem>>, vector<128x512xf32>
    tpu.vector_store %arg1[%swap3A, %swap3A_11], %transpose3A {strides = array<i32>} : memref<128x512xf32, #tpu.memory_space<vmem>>, vector<128x512xf32>,
    return
  }
}

module attributes {stable_mosaic.version = 14 : i64} {
  func.func @_rad_scale_kernel_t(%arg0: i32, %arg1: memref<32x4096xf32, #tpu.memory_space<vmem>>, %arg2: memref<1x4096xf32, #tpu.memory_space<vmem>>) attributes {dimension_semantics = [#tpu.dimension_semantics<arbitrary>], iteration_bounds = array<i64: 25>, scalar_prefetch = 0 : i64, scratch_operands = 0 : i64, tpu.core_type = #tpu.core_type<tc>, window_params = [{transform_indices = @transform_0, window_bounds = array<i64: 32, 4096>}, {transform_indices = @transform_1, window_bounds = array<i64: 1, 4096>}]} {
    %get3A = arith.constant 0 : index
    %get3A_0 = arith.constant 0 : index
    %get3A_1 = vector.load %arg1[%get3A, %get3A_0] : memref<32x4096xf32, #tpu.memory_space<vmem>>, vector<32x4096xf32>
    %mul3A = arith.mulf %get3A_1, %get3A_1 : vector<32x4096xf32>
    %reduce_sum3A = arith.constant dense<0.000000e+00> : vector<4096xf32>
    %reduce_sum3A_2 = vector.multi_reduction <add>, %mul3A, %reduce_sum3A [0] : vector<32x4096xf32> to vector<4096xf32>
    %broadcast_in_dim3A = vector.shape_cast %reduce_sum3A_2 : vector<4096xf32> to vector<1x4096xf32>
    %sqrt3A = math.sqrt %broadcast_in_dim3A : vector<1x4096xf32>
    %max3A = arith.constant 1.000000e-07 : f32
    %max3A_3 = vector.broadcast %max3A : f32 to vector<1x4096xf32>
    %max3A_4 = arith.maximumf %sqrt3A, %max3A_3 : vector<1x4096xf32>
    %div3A = arith.constant 1.000000e+00 : f32
    %div3A_5 = vector.broadcast %div3A : f32 to vector<1x4096xf32>
    %div3A_6 = arith.divf %div3A_5, %max3A_4 : vector<1x4096xf32>
    %min3A = arith.constant 1.000000e+00 : f32
    %min3A_7 = vector.broadcast %min3A : f32 to vector<1x4096xf32>
    %min3A_8 = arith.minimumf %min3A_7, %div3A_6 : vector<1x4096xf32>
    %swap3A = arith.constant 0 : index
    %swap3A_9 = arith.constant 0 : index
    %swap3A_10 = vector.load %arg2[%swap3A, %swap3A_9] : memref<1x4096xf32, #tpu.memory_space<vmem>>, vector<1x4096xf32>
    tpu.vector_store %arg2[%swap3A, %swap3A_9], %min3A_8 {strides = array<i32>} : memref<1x4096xf32, #tpu.memory_space<vmem>>, vector<1x4096xf32>,
    return
  }
  func.func @transform_0(%arg0: i32) -> (i32, i32) {
    %c0_i32 = arith.constant 0 : i32
    %c0_i32_0 = arith.constant 0 : i32
    return %c0_i32, %arg0 : i32, i32
  }
  func.func @transform_1(%arg0: i32) -> (i32, i32) {
    %c0_i32 = arith.constant 0 : i32
    %c0_i32_0 = arith.constant 0 : i32
    return %c0_i32, %arg0 : i32, i32
  }
}

</mosaic_0001>

<sc_bundles>
// kernel: kernel.5.cloned.1.call-start
scs
__scs_entry_jumppad:
0x0: {  	(pc) =	sbr.rel $0x88, $3  }
0x1: {  	(tag) =	ssettag $0x0;
	lr =	simm.s32 $0x1  }
0x2: {  	[smem:$0x3F9D] =	sst lr;
	_ =	strace $0xD0000000  }
0x3: {  	_ = 	snop  }
0x4: {  	_ = 	snop  }
0x5: {  	_ = 	snop  }
0x6: {  	_ = 	snop  }
0x7: {  	_ = 	snop  }
__scs_overlays_trampoline_lowered:
0x8: {  	[smem:$0x3FAC] =	sst s0  }
0x9: {  	[smem:$0x3FAD] =	sst s1  }
0xa: {  	[smem:$0x3FAE] =	sst s2  }
0xb: {  	[smem:$0x3FAF] =	sst s3  }
0xc: {  	[smem:$0x3FB0] =	sst s4  }
0xd: {  	[smem:$0x3FB1] =	sst s5  }
0xe: {  	[smem:$0x3FB2] =	sst s6  }
0xf: {  	[smem:$0x3FB3] =	sst s7  }
0x10: {  	[smem:$0x3FB4] =	sst s8  }
0x11: {  	[smem:$0x3FB5] =	sst s9;
	s0 =	simm.s32 @!p0 $0x0  }
0x12: {  	s1 =	sld [smem:$0x3F9B];
	s0 =	simm.s32 @p0 $0x1  }
0x13: {  	[smem:$0x3FB6] =	sst s0;
	s0 =	simm.s32 @!p1 $0x0  }
0x14: {  	s2 =	sld [smem:$0x3F9A];
	s0 =	simm.s32 @p1 $0x1  }
0x15: {  	[smem:$0x3FB7] =	sst s0;
	s0 =	simm.s32 @!p2 $0x0  }
0x16: {  	s3 =	sld [smem:$0x3FDB];
	s0 =	simm.s32 @p2 $0x1  }
0x17: {  	s4 =	simm.s32 $0x1BF5;
	[smem:$0x3FB9] =	sst s0  }
0x18: {  	s0 =	sld [smem:$0x3F9C];
	_ =	swait.ge [sflag:s4], $0x0  }
0x19: {  	s7 =	sld [smem:$0x3F9D]  }
0x1a: {  	s8 =	sadd.s32 $0xFFFFE003, lr  }
0x1b: {  	s9 =	sadd.s32 $0xFFFFFEF7, lr;
	s5 =	simm.s32 $0xFFFFFFFF;
	p2 =	slt.u32 s8, $0xFFFFF086  }
0x1c: {  	p1 =	slt.u32 s9, $0xF7A;
	s5 =	simm.s32 @!p2 $0x0  }
0x1d: {  	s5 =	simm.s32 @p1 $0x1;
	p0 =	seq.s32 s7, s2  }
0x1e: {  	s7 =	smul.u32 @!p0 $0xF7A, s2;
	p2 =	seq.s32 @!p0 s5, $0x0  }
0x1f: {  	s9 =	smul.u32 $0xF7A, s1;
	s8 =	simm.s32 @!p0 $0x1BF5;
	p2 =	por !p2, p0  }
0x20: {  	[sflag:s8] =	ssyncset.s32 @!p0 $0xFFFFF086;
	s6 =	sadd.s32 @!p0 s3, s7;
	s7 =	simm.s32 @!p0 $0x108  }
0x21: {  	s3 =	sadd.s32 s3, s9;
	s6 =	sadd.s32 @!p0 $0x88, s6;
	s7 =	simm.s32 @p2 $0x1082  }
0x22: {  	[simem:s7], [sflag:s8] =	dma.local @!p0 [hbm:s6], $0xF7A  }
0x23: {  	s9 =	sor.u32 $0xD0000000, s2;
	s6 =	simm.s32 $0x108;
	_ =	swait.ge @!p0 [sflag:s8], $0x0  }
0x24: {  	s3 =	sadd.s32 $0x88, s3;
	s6 =	simm.s32 @!p1 $0x1082;
	[sflag:s4] =	ssyncset.s32 $0xFFFFF086  }
0x25: {  	[simem:s6], [sflag:s4] =	dma.local [hbm:s3], $0xF7A  }
0x26: {  	[smem:$0x3F9D] =	sst s1;
	(tag) =	ssettag s2;
	_ =	strace s9  }
0x27: {  	s1 =	sld [smem:$0x3FAD]  }
0x28: {  	s2 =	sld [smem:$0x3FAE]  }
0x29: {  	s4 =	sld [smem:$0x3FB0]  }
0x2a: {  	p0 =	seq.s32 s5, $0x0;
	s5 =	sld [smem:$0x3FB1]  }
0x2b: {  	s6 =	sld [smem:$0x3FB2]  }
0x2c: {  	s7 =	sld [smem:$0x3FB3]  }
0x2d: {  	s3 =	simm.s32 $0x108;
	s8 =	sld [smem:$0x3FB4]  }
0x2e: {  	s3 =	simm.s32 @!p0 $0x1082;
	s9 =	sld [smem:$0x3FB5]  }
0x2f: {  	lr =	sadd.s32 s0, s3;
	s0 =	sld [smem:$0x3FAC]  }
0x30: {  	s3 =	sld [smem:$0x3FAF]  }
0x31: {  	[smem:$0x3FB8] =	sst s10  }
0x32: {  	s10 =	sld [smem:$0x3FB6];
	_ =	sdelay $0x3  }
0x33: {  	p0 =	seq.s32 s10, $0x1;
	s10 =	sld [smem:$0x3FB8];
	_ =	sdelay $0x3  }
0x34: {  	[smem:$0x3FB8] =	sst s10  }
0x35: {  	s10 =	sld [smem:$0x3FB7];
	_ =	sdelay $0x3  }
0x36: {  	p1 =	seq.s32 s10, $0x1;
	s10 =	sld [smem:$0x3FB8];
	_ =	sdelay $0x3  }
0x37: {  	[smem:$0x3FB8] =	sst s10  }
0x38: {  	s10 =	sld [smem:$0x3FB9]  }
0x39: {  	_ = 	snop;
	(pc) =	sbr.ind lr, $3  }
0x3a: {  	_ = 	snop  }
0x3b: {  	_ = 	snop  }
0x3c: {  	p2 =	seq.s32 s10, $0x1;
	s10 =	sld [smem:$0x3FB8]  }
0x3d: {  	_ =	shalt  }
0x3e: {  	_ =	shalt  }
0x3f: {  	_ =	shalt  }
0x40: {  	_ =	shalt  }
0x41: {  	_ =	shalt  }
0x42: {  	_ =	shalt  }
0x43: {  	_ =	shalt  }
0x44: {  	_ =	shalt  }
0x45: {  	_ =	shalt  }
0x46: {  	_ =	shalt  }
0x47: {  	_ =	shalt  }
0x48: {  	_ =	shalt  }
0x49: {  	_ =	shalt  }
0x4a: {  	_ =	shalt  }
0x4b: {  	_ =	shalt  }
0x4c: {  	_ =	shalt  }
0x4d: {  	_ =	shalt  }
0x4e: {  	_ =	shalt  }
0x4f: {  	_ =	shalt  }
0x50: {  	_ =	shalt  }
0x51: {  	_ =	shalt  }
0x52: {  	_ =	shalt  }
0x53: {  	_ =	shalt  }
0x54: {  	_ =	shalt  }
0x55: {  	_ =	shalt  }
0x56: {  	_ =	shalt  }
0x57: {  	_ =	shalt  }
0x58: {  	_ =	shalt  }
0x59: {  	_ =	shalt  }
0x5a: {  	_ =	shalt  }
0x5b: {  	_ =	shalt  }
0x5c: {  	_ =	shalt  }
0x5d: {  	_ =	shalt  }
0x5e: {  	_ =	shalt  }
0x5f: {  	_ =	shalt  }
0x60: {  	_ =	shalt  }
0x61: {  	_ =	shalt  }
0x62: {  	_ =	shalt  }
0x63: {  	_ =	shalt  }
0x64: {  	_ =	shalt  }
0x65: {  	_ =	shalt  }
0x66: {  	_ =	shalt  }
0x67: {  	_ =	shalt  }
0x68: {  	_ =	shalt  }
0x69: {  	_ =	shalt  }
0x6a: {  	_ =	shalt  }
0x6b: {  	_ =	shalt  }
0x6c: {  	_ =	shalt  }
0x6d: {  	_ =	shalt  }
0x6e: {  	_ =	shalt  }
0x6f: {  	_ =	shalt  }
0x70: {  	_ =	shalt  }
0x71: {  	_ =	shalt  }
0x72: {  	_ =	shalt  }
0x73: {  	_ =	shalt  }
0x74: {  	_ =	shalt  }
0x75: {  	_ =	shalt  }
0x76: {  	_ =	shalt  }
0x77: {  	_ =	shalt  }
0x78: {  	_ =	shalt  }
0x79: {  	_ =	shalt  }
0x7a: {  	_ =	shalt  }
0x7b: {  	_ =	shalt  }
0x7c: {  	_ =	shalt  }
0x7d: {  	_ =	shalt  }
0x7e: {  	_ =	shalt  }
0x7f: {  	_ =	shalt  }
0x80: {  	_ =	shalt  }
0x81: {  	_ =	shalt  }
0x82: {  	_ =	shalt  }
0x83: {  	_ =	shalt  }
0x84: {  	_ =	shalt  }
0x85: {  	_ =	shalt  }
0x86: {  	_ =	shalt  }
0x87: {  	_ =	shalt  }
.Lfunc_end0:
.L_simem_size_0:
called_computation_lowered:
.L_overlay_start_0:
0x88: {  	s2 =	sld [smem:$0x3FD9]  }
0x89: {  	s3 =	sld [smem:$0x3FFE];
	_ =	sdelay $0x1  }
0x8a: {  	s1 =	srdreg.scid  }
0x8b: {  	s0 =	sand.u32 $0x1, s1  }
0x8c: {  	s17 =	sshll.u32 s0, $0xA;
	s2 =	sadd.s32 s3, s2  }
0x8d: {  	s2 =	sadd.s32 s2, s17  }
0x8e: {  	[smem:$0x3FC4] =	sst s2  }
0x8f: {  	_ = 	snop  }
0x90: {  	s2 =	sld [smem:$0x3FD0];
	(tm) =	ssettm $0x1  }
0x91: {  	s18 =	sld [smem:$0x3FFB];
	_ =	sdelay $0x3  }
0x92: {  	_ =	strace s18  }
0x93: {  	s3 =	sld [smem:$0x3FFC];
	_ =	sdelay $0x3  }
0x94: {  	_ =	strace s3  }
0x95: {  	s3 =	sld [smem:$0x3FFD];
	_ =	sdelay $0x3  }
0x96: {  	_ =	strace s3  }
0x97: {  	_ =	strace $0x8FFFFFFF  }
0x98: {  	s19 =	sld [smem:$0x3FDB];
	_ =	sdelay $0x1  }
0x99: {  	s4 =	simm.s32 $_scs_section_size  }
0x9a: {  	s5 =	simm.s32 $_size__tile_overlayer_lowered;
	s6 =	simm.s32 $_tile_overlayer_lowered  }
0x9b: {  	s22 =	simm.s32 $0x1BFF;
	s21 =	sshll.u32 s6, $0x1;
	s3 =	sadd.s32 s4, s19  }
0x9c: {  	s7 =	simm.s32 $0x0;
	s20 =	sshll.u32 s5, $0x1;
	s5 =	sadd.s32 s21, s3  }
0x9d: {  	[timem:s7], [sflag:s22] =	dma.local [hbm:s5], s20  }
0x9e: {  	_ =	swait.ge [sflag:s22], s20  }
0x9f: {  	s4 =	ssub.s32 $0x0, s20;
	[sflag:s22] =	ssyncset.done $0x0  }
0xa0: {  	[sflag:s22] =	ssyncadd.s32 s4;
	_ =	sdelay $0x1  }
0xa1: {  	s23 =	simm.s32 $0x1B8B  }
0xa2: {  	_ =	swait.ge [sflag:s23], $0x1  }
0xa3: {  	[sflag:s23] =	ssyncset.done $0x0  }
0xa4: {  	s25 =	simm.s32 $0x1B8E;
	s24 =	sld [smem:$0x3FFE];
	[sflag:s23] =	ssyncadd.s32 $0xFFFFFFFF  }
0xa5: {  	s26 =	simm.s32 $execute0_lowered;
	[smem:$0x3FD2] =	sst s25  }
0xa6: {  	s5 =	sshll.u32 s26, $0x1;
	_ =	strace $0x80000046;
	[dreg:$0x1] =	wrdreg $0xFFFFFFFF  }
0xa7: {  	s28 =	simm.s32 $_size_execute0_lowered;
	s3 =	sadd.s32 s3, s5;
	[dreg:$0x0] =	wrdreg $0x0  }
0xa8: {  	s5 =	sshll.u32 s28, $0x1;
	[dreg:$0x2] =	wrdreg s3  }
0xa9: {  	[dreg:$0x3] =	wrdreg s5  }
0xaa: {  	[dreg:$0x4] =	wrdreg $0xC0  }
0xab: {  	_ =	task [dreg:s7], $0x5FFFF  }
0xac: {  	[dreg:$0x1] =	wrdreg $0xFFFFFFFF  }
0xad: {  	[dreg:$0x0] =	wrdreg $0x60  }
0xae: {  	[dreg:$0x2] =	wrdreg s24  }
0xaf: {  	[dreg:$0x3] =	wrdreg s2  }
0xb0: {  	[dreg:$0x4] =	wrdreg $0x9  }
0xb1: {  	_ =	task.clear_ibuf [dreg:s7], $0x5FFFF;
	_ =	strace $0x90000046  }
0xb2: {  	s29 =	simm.s32 $0x9;
	_ =	strace $0x80000048  }
0xb3: {  	_ =	swait.ge [sflag:s29], $0x1  }
0xb4: {  	[sflag:s29] =	ssyncadd.s32 $0xFFFFFFFF  }
0xb5: {  	_ =	strace $0x90000048  }
0xb6: {  	_ =	sfence  }
0xb7: {  	s30 =	sld [smem:$0x0];
	_ =	sdelay $0x2  }
0xb8: {  	s31 =	sshll.u32 s1, $0xD;
	s1 =	sshrl.u32 s1, $0x2  }
0xb9: {  	s3 =	sand.u32 $0x4000, s31;
	s1 =	sadd.s32 s1, s30  }
0xba: {  	s0 =	sor.u32 s3, s0;
	s1 =	sshll.u32 s1, $0x11  }
0xbb: {  	s0 =	sor.u32 s1, s0  }
0xbc: {  	s0 =	sadd.s32 $0x8F2B, s0  }
0xbd: {  	[sflag:s0] =	ssyncadd.remote.s32 $0x1  }
0xbe: {  	_ =	sfence.sel $0xFFFF  }
0xbf: {  	[dreg:$0x0] =	wrdreg $0xFFFFFFFF;
	(pc) =	sbr.abs _section_cstart, $3  }
0xc0: {  	[dreg:$0x1] =	wrdreg $0xFFFFFFFF  }
0xc1: {  	_ =	task.clear_ibuf [dreg:s7], $0x2FFFF;
	_ =	strace $0x9FFFFFFF  }
0xc2: {  	(tm) =	ssettm $0x7FFFFFFF  }
0xc3: {  	_ =	shalt  }
tec
execute0_lowered:
.L_overlay_start_1:
0x0: {  	(tag) =	ssettag $0x1  }
0x1: {  	s0 =	rddreg [dreg:$0x0]  }
0x2: {  	s2 =	simm.s32 $0x0;
	s1 =	srdreg.scid;
	s6 =	stileid.u32  }
0x3: {  	s17 =	simm.s32 $0x80;
	s20 =	simm.s32 $0x1;
	[smem:$0x7FF] =	sst s2  }
0x4: {  	s4 =	sadd.s32 $0x17600, s0;
	s3 =	sadd.s32 $0x1600, s0;
	s1 =	sand.u32 $0x1, s1  }
0x5: {  	s6 =	sshll.u32 s6, $0x3;
	s9 =	sadd.s32 $0x3600, s0;
	_ =	strace $0x80000047  }
0x6: {  	[dreg:$0x3] =	wrdreg s3;
	s26 =	ssub.s32 $0x2, s1;
	s1 =	sshll.u32 s1, $0x2  }
0x7: {  	v0 =	vlaneseq.u32;
	s28 =	sadd.s32 $0xD600, s0;
	[dreg:$0x4] =	wrdreg s9;
	s8 =	sor.u32 s1, s6  }
.Ltmp0:
0x8: {  	v0 =	vmul.u32 $0x20, v0;
	[dreg:$0x5] =	wrdreg s28;
	s30 =	sshll.u32 s8, $0x4;
	(pc) =	sbr.rel .LBB2_1-.Ltmp0, $4  }
0x9: {  	s7 =	sshrl.u32 s26, $0x1;
	s31 =	sadd.s32 s9, s30;
	[dreg:$0x6] =	wrdreg s30  }
0xa: {  	v1 =	vor.u32 $0x200, v0;
	s29 =	ssub.s32 s26, s7;
	s1 =	sadd.s32 s28, s30;
	[dreg:$0x7] =	wrdreg s31  }
0xb: {  	s5 =	sadd.s32 $0x79200, s0;
	v2 =	vor.u32 $0x400, v0;
	v3 =	vor.u32 $0x600, v0;
	v4 =	vor.u32 $0x800, v0;
	s0 =	smax.u32 s29, $0x1;
	[dreg:$0x8] =	wrdreg s1  }
0xc: {  	s21 =	simm.s32 $0x2;
	s3 =	simm.s32 $0x0;
	v5 =	vor.u32 $0xA00, v0;
	v6 =	vor.u32 $0xC00, v0;
	v7 =	vor.u32 $0xE00, v0;
	[dreg:$0x9] =	wrdreg s0  }
.LBB2_12:
0xd: {  	s1 =	simm.s32 $0x3  }
0xe: {  	_ =	swait.ge [sflag:s1], $0x5000  }
0xf: {  	[sflag:s1] =	ssyncset.done $0x0  }
0x10: {  	[sflag:s1] =	ssyncadd.s32 $0xFFFFB000  }
0x11: {  	_ =	swait.ge [sflag:s1], $0x5000  }
0x12: {  	s3 =	rddreg [dreg:$0xa]  }
0x13: {  	s0 =	rddreg [dreg:$0x9];
	s3 =	sadd.s32 $0x1, s3  }
0x14: {  	p0 =	sne.s32 s3, s0  }
.Ltmp1:
0x15: {  	_ = 	snop;
	(pc) =	sbr.rel @!p0 .LBB2_13-.Ltmp1, $3  }
0x16: {  	_ =	sdelay $0x1  }
0x17: {  	[sflag:s1] =	ssyncset.done $0x0  }
0x18: {  	[sflag:s1] =	ssyncadd.s32 $0xFFFFB000  }
.LBB2_1:
0x19: {  	[dreg:$0xa] =	wrdreg s3  }
0x1a: {  	s0 =	rddreg [dreg:$0x3];
	s1 =	simm.s32 $0x5  }
0x1b: {  	[tilespmem:s2], [sflag:$0x5] =	stream.linear.gather [hbm4b:s0+s2], $0x10000, $0x38;
	[tilespmem:$0x1C900] =	vst v63  }
0x1c: {  	_ =	swait.ge [sflag:s1], $0x10000  }
0x1d: {  	[sflag:s1] =	ssyncset.done $0x0  }
0x1e: {  	s28 =	simm.s32 $0x10000;
	s26 =	rddreg [dreg:$0x7];
	[sflag:s1] =	ssyncadd.s32 $0xFFFF0000  }
0x1f: {  	[tilespmem:s28], [sflag:$0x5] =	stream.linear.gather [hbm4b:s26+s2], $0x200, $0x38;
	[tilespmem:$0x1C900] =	vst v63  }
0x20: {  	_ =	swait.ge [sflag:s1], $0x200  }
0x21: {  	[sflag:s1] =	ssyncset.done $0x0  }
0x22: {  	s6 =	simm.s32 $0x10400;
	s29 =	rddreg [dreg:$0x8];
	[sflag:s1] =	ssyncadd.s32 $0xFFFFFE00  }
0x23: {  	[tilespmem:s6], [sflag:$0x5] =	stream.linear.gather [hbm4b:s29+s2], $0x200, $0x38;
	[tilespmem:$0x1C900] =	vst v63  }
0x24: {  	_ =	swait.ge [sflag:s1], $0x200  }
0x25: {  	[sflag:s1] =	ssyncset.done $0x0  }
0x26: {  	s30 =	simm.s32 $0x10800;
	[sflag:s1] =	ssyncadd.s32 $0xFFFFFE00  }
0x27: {  	[tilespmem:s30], [sflag:$0x1] =	stream.indirect.gather [hbm4b:s4+s17], $0x20, s28, s17, $0xb8;
	[tilespmem:$0x1C900] =	vst v63  }
0x28: {  	s31 =	simm.s32 $0x12800;
	s1 =	simm.s32 $0x0  }
0x29: {  	[tilespmem:s31], [sflag:$0x2] =	stream.indirect.gather [hbm4b:s5+s17], $0x1, s28, s17, $0xb8;
	[tilespmem:$0x1C900] =	vst v63  }
.LBB2_2:
0x2a: {  	s26 =	sand.u32 $0x3, s1;
	p0 =	sgt.u32 s1, $0x4B  }
0x2b: {  	p1 =	sne.s32 @!p0 s26, $0x0  }
0x2c: {  	p0 =	por p0, p1  }
.Ltmp2:
0x2d: {  	_ = 	snop;
	(pc) =	sbr.rel @p0 .LBB2_4-.Ltmp2, $2  }
0x2e: {  	_ =	sdelay $0x2  }
0x2f: {  	s28 =	sshrl.u32 s1, $0x2;
	s0 =	sand.u32 $0x1, s1  }
0x30: {  	s3 =	sadd.s32 $0x1, s28  }
0x31: {  	s7 =	rddreg [dreg:$0x6];
	s6 =	sshll.u32 s3, $0xB;
	s3 =	sshll.u32 s3, $0x9  }
0x32: {  	s9 =	rddreg [dreg:$0x4];
	s6 =	sor.u32 s7, s6;
	s3 =	sand.u32 $0x200, s3  }
0x33: {  	s31 =	rddreg [dreg:$0x5];
	s30 =	sor.u32 $0x10000, s3;
	s11 =	sadd.s32 s9, s6  }
0x34: {  	[tilespmem:s30], [sflag:$0x4] =	stream.linear.gather [hbm4b:s11+s2], $0x200, $0x38;
	[tilespmem:$0x1C900] =	vst v63  }
0x35: {  	s29 =	sor.u32 $0x1, s1;
	s3 =	sor.u32 $0x10400, s3;
	s6 =	sadd.s32 s31, s6  }
0x36: {  	[tilespmem:s3], [sflag:$0x4] =	stream.linear.gather [hbm4b:s6+s2], $0x200, $0x38;
	[tilespmem:$0x1C900] =	vst v63  }
.LBB2_6:
0x37: {  	s3 =	sxor.u32 $0x1, s0;
	s6 =	sshll.u32 s29, $0x7  }
0x38: {  	s7 =	sshll.u32 s3, $0xC;
	s6 =	sand.u32 $0x380, s6  }
0x39: {  	s3 =	sshll.u32 s3, $0x7;
	s7 =	sor.u32 $0x10800, s7;
	s6 =	sor.u32 $0x10000, s6  }
0x3a: {  	[tilespmem:s7], [sflag:$0x1] =	stream.indirect.gather [hbm4b:s4+s17], $0x20, s6, s17, $0xb8;
	[tilespmem:$0x1C900] =	vst v63  }
0x3b: {  	s3 =	sor.u32 $0x12800, s3  }
0x3c: {  	[tilespmem:s3], [sflag:$0x2] =	stream.indirect.gather [hbm4b:s5+s17], $0x1, s6, s17, $0xb8;
	[tilespmem:$0x1C900] =	vst v63  }
.LBB2_7:
0x3d: {  	_ =	swait.ge [sflag:s20], $0x1000  }
0x3e: {  	[sflag:s20] =	ssyncset.done $0x0  }
0x3f: {  	[sflag:s20] =	ssyncadd.s32 $0xFFFFF000  }
0x40: {  	_ =	swait.ge [sflag:s21], $0x80  }
0x41: {  	p0 =	slt.u32 s1, $0x2;
	[sflag:s21] =	ssyncset.done $0x0  }
0x42: {  	s1 =	simm.s32 @!p0 $0x3;
	[sflag:s21] =	ssyncadd.s32 $0xFFFFFF80  }
0x43: {  	s3 =	sshll.u32 s28, $0x9;
	_ =	swait.ge @!p0 [sflag:s1], $0x5000  }
0x44: {  	s6 =	sshll.u32 s26, $0x7;
	s3 =	sand.u32 $0x200, s3;
	[sflag:s1] =	ssyncset.done @!p0 $0x0  }
0x45: {  	s6 =	sor.u32 s6, s3;
	[sflag:s1] =	ssyncadd.s32 @!p0 $0xFFFFB000  }
0x46: {  	v15 =	vld [tilespmem:s6+$0x10400];
	_ =	sdelay $0x3  }
0x47: {  	s10 =	simm.s32 $0x0  }
0x48: {  	s24 =	simm.s32 $0x200;
	v8 =	vadd.s32 s10, v15  }
0x49: {  	v14 =	vld [tilespmem:s6+$0x10410];
	v9 =	vadd.s32 s24, v15;
	_ =	sdelay $0x1  }
0x4a: {  	v13 =	vld [tilespmem:s6+$0x10420]  }
0x4b: {  	s16 =	smul.u32 $0x14000, s0;
	v12 =	vld [tilespmem:s6+$0x10430]  }
0x4c: {  	v16 =	vld.idx.msk [tilespmem:v8+s2+$0x0], $0xffff  }
0x4d: {  	s7 =	simm.s32 $0x1000;
	s3 =	sshrl.u32 s16, $0x2;
	v17 =	vadd.s32 s10, v14;
	v18 =	vld.idx.msk [tilespmem:v9+s2+$0x0], $0xffff  }
0x4e: {  	s11 =	simm.s32 $0x0;
	s7 =	sand.u32 $0x7C00, s7;
	s30 =	sadd.s32 $0x12900, s3;
	v11 =	vld [tilespmem:s6+$0x10440];
	v19 =	vadd.s32 s24, v14  }
0x4f: {  	s11 =	sand.u32 $0x300, s11;
	s7 =	sadd.s32 s7, s30;
	v10 =	vld [tilespmem:s6+$0x10450]  }
0x50: {  	s16 =	sadd.s32 s11, s7;
	v9 =	vld [tilespmem:s6+$0x10460]  }
0x51: {  	s19 =	sadd.s32 $0x139F0, s3;
	v8 =	vld [tilespmem:s6+$0x10470];
	[tilespmem:s16+$0x0] =	vst v16  }
0x52: {  	[tilespmem:s19+$0xFFFFFF90] =	vst v18;
	v16 =	vld.idx.msk [tilespmem:v17+s2+$0x0], $0xffff  }
0x53: {  	v17 =	vadd.s32 s10, v13;
	v18 =	vld.idx.msk [tilespmem:v19+s2+$0x0], $0xffff  }
0x54: {  	s22 =	simm.s32 $0x400;
	v19 =	vadd.s32 s24, v13  }
0x55: {  	s15 =	simm.s32 $0x600;
	v20 =	vadd.s32 s22, v15  }
0x56: {  	v21 =	vadd.s32 s15, v15  }
0x57: {  	[tilespmem:s16+$0x10] =	vst v16  }
0x58: {  	[tilespmem:s19+$0xFFFFFFA0] =	vst v18;
	v16 =	vld.idx.msk [tilespmem:v17+s2+$0x0], $0xffff  }
0x59: {  	v17 =	vadd.s32 s10, v12;
	v18 =	vld.idx.msk [tilespmem:v19+s2+$0x0], $0xffff  }
0x5a: {  	v19 =	vld.idx.msk [tilespmem:v20+s2+$0x0], $0xffff;
	v20 =	vadd.s32 s24, v12  }
0x5b: {  	s18 =	simm.s32 $0x1100;
	v22 =	vadd.s32 s22, v14;
	v21 =	vld.idx.msk [tilespmem:v21+s2+$0x0], $0xffff  }
0x5c: {  	s23 =	simm.s32 $0x100;
	v23 =	vadd.s32 s15, v14;
	s6 =	sand.u32 $0x7C00, s18  }
0x5d: {  	s7 =	sand.u32 $0x300, s23;
	s6 =	sadd.s32 s6, s30;
	[tilespmem:s16+$0x20] =	vst v16  }
0x5e: {  	s6 =	sadd.s32 s7, s6;
	[tilespmem:s19+$0xFFFFFFB0] =	vst v18;
	v16 =	vld.idx.msk [tilespmem:v17+s2+$0x0], $0xffff  }
0x5f: {  	s14 =	sadd.s32 $0x100, s19;
	[tilespmem:s6+$0x0] =	vst v19;
	v17 =	vadd.s32 s10, v11;
	v18 =	vld.idx.msk [tilespmem:v20+s2+$0x0], $0xffff  }
0x60: {  	[tilespmem:s14+$0xFFFFFF90] =	vst v21;
	v19 =	vld.idx.msk [tilespmem:v22+s2+$0x0], $0xffff;
	v20 =	vadd.s32 s24, v11  }
0x61: {  	v21 =	vadd.s32 s22, v13;
	v22 =	vld.idx.msk [tilespmem:v23+s2+$0x0], $0xffff  }
0x62: {  	s23 =	simm.s32 $0x800;
	v23 =	vadd.s32 s15, v13  }
0x63: {  	s11 =	simm.s32 $0xA00;
	v24 =	vadd.s32 s23, v15;
	[tilespmem:s16+$0x30] =	vst v16  }
0x64: {  	v16 =	vadd.s32 s11, v15;
	[tilespmem:s19+$0xFFFFFFC0] =	vst v18;
	v17 =	vld.idx.msk [tilespmem:v17+s2+$0x0], $0xffff  }
0x65: {  	v18 =	vadd.s32 s10, v10;
	[tilespmem:s6+$0x10] =	vst v19;
	v19 =	vld.idx.msk [tilespmem:v20+s2+$0x0], $0xffff  }
0x66: {  	[tilespmem:s14+$0xFFFFFFA0] =	vst v22;
	v20 =	vld.idx.msk [tilespmem:v21+s2+$0x0], $0xffff;
	v21 =	vadd.s32 s24, v10  }
0x67: {  	v22 =	vadd.s32 s22, v12;
	v23 =	vld.idx.msk [tilespmem:v23+s2+$0x0], $0xffff  }
0x68: {  	v25 =	vadd.s32 s15, v12;
	v24 =	vld.idx.msk [tilespmem:v24+s2+$0x0], $0xffff  }
0x69: {  	s25 =	simm.s32 $0x1200;
	v26 =	vadd.s32 s23, v14;
	v16 =	vld.idx.msk [tilespmem:v16+s2+$0x0], $0xffff;
	[tilespmem:s16+$0x40] =	vst v17  }
0x6a: {  	s12 =	simm.s32 $0x200;
	s7 =	sand.u32 $0x7C00, s25;
	[tilespmem:s19+$0xFFFFFFD0] =	vst v19;
	v18 =	vld.idx.msk [tilespmem:v18+s2+$0x0], $0xffff  }
0x6b: {  	s12 =	sand.u32 $0x300, s12;
	s7 =	sadd.s32 s7, s30;
	v17 =	vadd.s32 s11, v14;
	[tilespmem:s6+$0x20] =	vst v20;
	v20 =	vld.idx.msk [tilespmem:v21+s2+$0x0], $0xffff  }
0x6c: {  	s12 =	sadd.s32 s12, s7;
	v19 =	vadd.s32 s10, v9;
	[tilespmem:s14+$0xFFFFFFB0] =	vst v23;
	v21 =	vld.idx.msk [tilespmem:v22+s2+$0x0], $0xffff  }
0x6d: {  	[tilespmem:s12+$0x0] =	vst v24;
	v22 =	vadd.s32 s24, v9;
	v24 =	vld.idx.msk [tilespmem:v25+s2+$0x0], $0xffff  }
0x6e: {  	s13 =	sadd.s32 $0x100, s14;
	v23 =	vadd.s32 s22, v11;
	v25 =	vld.idx.msk [tilespmem:v26+s2+$0x0], $0xffff  }
0x6f: {  	v26 =	vadd.s32 s23, v13;
	[tilespmem:s13+$0xFFFFFF90] =	vst v16  }
0x70: {  	v16 =	vadd.s32 s15, v11;
	v17 =	vld.idx.msk [tilespmem:v17+s2+$0x0], $0xffff;
	[tilespmem:s16+$0x50] =	vst v18  }
0x71: {  	s9 =	simm.s32 $0xC00;
	v18 =	vadd.s32 s11, v13;
	[tilespmem:s19+$0xFFFFFFE0] =	vst v20;
	v19 =	vld.idx.msk [tilespmem:v19+s2+$0x0], $0xffff  }
0x72: {  	s18 =	simm.s32 $0xE00;
	v20 =	vadd.s32 s9, v15;
	[tilespmem:s6+$0x30] =	vst v21;
	v21 =	vld.idx.msk [tilespmem:v22+s2+$0x0], $0xffff  }
0x73: {  	[tilespmem:s12+$0x10] =	vst v25;
	v22 =	vadd.s32 s18, v15;
	v23 =	vld.idx.msk [tilespmem:v23+s2+$0x0], $0xffff  }
0x74: {  	[tilespmem:s14+$0xFFFFFFC0] =	vst v24;
	v24 =	vadd.s32 s24, v8;
	v26 =	vld.idx.msk [tilespmem:v26+s2+$0x0], $0xffff  }
0x75: {  	v25 =	vadd.s32 s22, v10;
	v16 =	vld.idx.msk [tilespmem:v16+s2+$0x0], $0xffff;
	[tilespmem:s13+$0xFFFFFFA0] =	vst v17  }
0x76: {  	v27 =	vadd.s32 s23, v12;
	v17 =	vld.idx.msk [tilespmem:v18+s2+$0x0], $0xffff  }
0x77: {  	v18 =	vadd.s32 s15, v10;
	v28 =	vld.idx.msk [tilespmem:v20+s2+$0x0], $0xffff;
	[tilespmem:s16+$0x60] =	vst v19  }
0x78: {  	v34 =	vadd.s32 s10, v8;
	v19 =	vld.idx.msk [tilespmem:v22+s2+$0x0], $0xffff;
	[tilespmem:s19+$0xFFFFFFF0] =	vst v21  }
0x79: {  	v29 =	vadd.s32 s11, v12;
	s25 =	simm.s32 $0x1300;
	[tilespmem:s6+$0x40] =	vst v23;
	v31 =	vld.idx.msk [tilespmem:v24+s2+$0x0], $0xffff  }
0x7a: {  	s25 =	sand.u32 $0x7C00, s25;
	s24 =	simm.s32 $0x300;
	v21 =	vadd.s32 s9, v14;
	[tilespmem:s12+$0x20] =	vst v26;
	v32 =	vld.idx.msk [tilespmem:v25+s2+$0x0], $0xffff  }
0x7b: {  	v30 =	vadd.s32 s18, v14;
	s25 =	sadd.s32 s25, s30;
	s10 =	sand.u32 $0x300, s24;
	v27 =	vld.idx.msk [tilespmem:v27+s2+$0x0], $0xffff;
	[tilespmem:s14+$0xFFFFFFD0] =	vst v16  }
0x7c: {  	v37 =	vadd.s32 s22, v9;
	s1 =	sadd.s32 s10, s25;
	v36 =	vld.idx.msk [tilespmem:v18+s2+$0x0], $0xffff;
	[tilespmem:s13+$0xFFFFFFB0] =	vst v17  }
0x7d: {  	v33 =	vadd.s32 s15, v9;
	v20 =	vadd.s32 s22, v8;
	s22 =	sadd.s32 $0x100, s13;
	v35 =	vld.idx.msk [tilespmem:v34+s2+$0x0], $0xffff;
	[tilespmem:s1+$0x0] =	vst v28  }
0x7e: {  	v22 =	vadd.s32 s23, v10;
	v26 =	vadd.s32 s9, v13;
	v24 =	vadd.s32 s23, v11;
	v28 =	vld.idx.msk [tilespmem:v29+s2+$0x0], $0xffff;
	[tilespmem:s22+$0xFFFFFF90] =	vst v19  }
0x7f: {  	s25 =	sshll.u32 s0, $0xC;
	v23 =	vadd.s32 s9, v11;
	v25 =	vadd.s32 s9, v12;
	v29 =	vld.idx.msk [tilespmem:v21+s2+$0x0], $0xffff;
	[tilespmem:s19+$0x0] =	vst v31;
	v31 =	vadd.s32 s11, v11  }
0x80: {  	s31 =	sor.u32 $0x10800, s25;
	v34 =	vadd.s32 s18, v13;
	v16 =	vadd.s32 s23, v8;
	v18 =	vadd.s32 s23, v9;
	v30 =	vld.idx.msk [tilespmem:v30+s2+$0x0], $0xffff;
	[tilespmem:s6+$0x50] =	vst v32  }
0x81: {  	s25 =	simm.s32 $0x1000;
	v17 =	vadd.s32 s9, v8;
	s23 =	simm.s32 $0xA;
	v21 =	vadd.s32 s9, v10;
	v19 =	vadd.s32 s9, v9;
	s19 =	smov.u32 s22;
	v32 =	vld.idx.msk [tilespmem:v37+s2+$0x0], $0xffff;
	[tilespmem:s14+$0xFFFFFFE0] =	vst v36  }
.LBB2_8:
0x82: {  	p0 =	slt.u32 s23, $0x7E;
	v36 =	vadd.s32 s25, v15;
	v37 =	vadd.s32 s25, v14;
	v38 =	vadd.s32 s25, v13;
	s7 =	sadd.s32 $0x200, s25;
	[tilespmem:s12+$0x30] =	vst v27;
	v27 =	vld.idx.msk [tilespmem:v33+s2+$0x0], $0xffff  }
0x83: {  	v33 =	vadd.s32 s25, v12;
	v39 =	vadd.s32 s7, v15;
	v40 =	vld.idx.msk [tilespmem:v24+s2+$0x0], $0xffff;
	[tilespmem:s13+$0xFFFFFFC0] =	vst v28;
	v24 =	vmovc v23;
	v23 =	vadd.s32 s25, v11  }
0x84: {  	v41 =	vadd.s32 s25, v9;
	v28 =	vadd.s32 s25, v10;
	[tilespmem:s1+$0x10] =	vst v29;
	v29 =	vld.idx.msk [tilespmem:v31+s2+$0x0], $0xffff;
	v31 =	vadd.s32 s15, v8;
	s15 =	smov.u32 s11;
	s11 =	smov.u32 s18;
	s18 =	smov.u32 s7  }
0x85: {  	v42 =	vadd.s32 s25, v8;
	v43 =	vld.idx.msk [tilespmem:v26+s2+$0x0], $0xffff;
	[tilespmem:s22+$0xFFFFFFA0] =	vst v30;
	v26 =	vmov v38  }
0x86: {  	v30 =	vld.idx.msk [tilespmem:v34+s2+$0x0], $0xffff;
	v34 =	vadd.s32 s15, v10;
	[tilespmem:s16+$0x70] =	vst v35;
	s16 =	smov.u32 s6;
	s6 =	smov.u32 s12;
	s12 =	smov.u32 s1  }
0x87: {  	v35 =	vld.idx.msk [tilespmem:v36+s2+$0x0], $0xffff;
	[tilespmem:s16+$0x60] =	vst v32  }
0x88: {  	s24 =	sadd.s32 $0x100, s24;
	v36 =	vadd.s32 s11, v12;
	v32 =	vld.idx.msk [tilespmem:v39+s2+$0x0], $0xffff;
	[tilespmem:s14+$0xFFFFFFF0] =	vst v27  }
0x89: {  	s1 =	sadd.s32 $0x1000, s24;
	[tilespmem:s6+$0x40] =	vst v40;
	v38 =	vld.idx.msk [tilespmem:v31+s2+$0x0], $0xffff  }
0x8a: {  	s1 =	sand.u32 $0x7C00, s1;
	v31 =	vadd.s32 s18, v14;
	v39 =	vld.idx.msk [tilespmem:v22+s2+$0x0], $0xffff;
	[tilespmem:s13+$0xFFFFFFD0] =	vst v29;
	v22 =	vmov v21;
	v21 =	vmov v28  }
0x8b: {  	s7 =	sand.u32 $0x300, s24;
	s1 =	sadd.s32 s1, s30;
	[tilespmem:s12+$0x20] =	vst v43;
	v40 =	vld.idx.msk [tilespmem:v34+s2+$0x0], $0xffff  }
0x8c: {  	s1 =	sadd.s32 s7, s1;
	v27 =	vld.idx.msk [tilespmem:v25+s2+$0x0], $0xffff;
	[tilespmem:s22+$0xFFFFFFB0] =	vst v30;
	v25 =	vmov v33  }
.Ltmp3:
0x8d: {  	s22 =	sadd.s32 $0x100, s22;
	v33 =	vadd.s32 s15, v9;
	[tilespmem:s1+$0x0] =	vst v35;
	v28 =	vld.idx.msk [tilespmem:v36+s2+$0x0], $0xffff;
	(pc) =	sbr.rel @p0 .LBB2_8-.Ltmp3, $4  }
0x8e: {  	v29 =	vld.idx.msk [tilespmem:v37+s2+$0x0], $0xffff;
	[tilespmem:s22+$0xFFFFFF90] =	vst v32  }
0x8f: {  	v30 =	vld.idx.msk [tilespmem:v31+s2+$0x0], $0xffff;
	v31 =	vadd.s32 s11, v11;
	[tilespmem:s14+$0x0] =	vst v38;
	s14 =	smov.u32 s13;
	s13 =	smov.u32 s19;
	s19 =	smov.u32 s22  }
0x90: {  	[tilespmem:s6+$0x50] =	vst v39;
	v35 =	vld.idx.msk [tilespmem:v20+s2+$0x0], $0xffff;
	v20 =	vmov v16;
	v16 =	vmov v17;
	v17 =	vmov v42  }
0x91: {  	s25 =	sshll.u32 s23, $0x9;
	s23 =	sadd.s32 $0x2, s23;
	v34 =	vadd.s32 s18, v13;
	v32 =	vld.idx.msk [tilespmem:v18+s2+$0x0], $0xffff;
	[tilespmem:s14+$0xFFFFFFE0] =	vst v40;
	v18 =	vmov v19;
	v19 =	vmov v41  }
0x92: {  	s23 =	sadd.s32 $0x200, s25  }
0x93: {  	v36 =	vadd.s32 s23, v15  }
0x94: {  	v15 =	vadd.s32 s25, v15;
	_ =	sdelay $0x3  }
0x95: {  	v36 =	vld.idx.msk [tilespmem:v36+s2+$0x0], $0xffff  }
0x96: {  	s7 =	sadd.s32 $0x100, s24;
	v37 =	vadd.s32 s23, v14;
	v15 =	vld.idx.msk [tilespmem:v15+s2+$0x0], $0xffff  }
0x97: {  	v14 =	vadd.s32 s25, v14;
	s24 =	sadd.s32 $0x1000, s7  }
0x98: {  	s24 =	sand.u32 $0x7C00, s24  }
0x99: {  	s10 =	sadd.s32 $0x100, s22;
	s7 =	sand.u32 $0x300, s7;
	[tilespmem:s16+$0x70] =	vst v35;
	s9 =	sadd.s32 s24, s30  }
0x9a: {  	s16 =	sadd.s32 s7, s9;
	[tilespmem:s10+$0xFFFFFF90] =	vst v36  }
0x9b: {  	[tilespmem:s16+$0x0] =	vst v15;
	v15 =	vld.idx.msk [tilespmem:v37+s2+$0x0], $0xffff  }
0x9c: {  	[tilespmem:s12+$0x30] =	vst v27;
	v27 =	vadd.s32 s23, v13;
	v14 =	vld.idx.msk [tilespmem:v14+s2+$0x0], $0xffff  }
0x9d: {  	v13 =	vadd.s32 s25, v13;
	[tilespmem:s22+$0xFFFFFFA0] =	vst v30  }
0x9e: {  	[tilespmem:s1+$0x10] =	vst v29;
	v29 =	vld.idx.msk [tilespmem:v34+s2+$0x0], $0xffff  }
0x9f: {  	[tilespmem:s13+$0xFFFFFFC0] =	vst v28;
	v26 =	vld.idx.msk [tilespmem:v26+s2+$0x0], $0xffff;
	v30 =	vadd.s32 s18, v12  }
0xa0: {  	v28 =	vld.idx.msk [tilespmem:v33+s2+$0x0], $0xffff;
	[tilespmem:s10+$0xFFFFFFA0] =	vst v15  }
0xa1: {  	[tilespmem:s16+$0x10] =	vst v14;
	v14 =	vld.idx.msk [tilespmem:v27+s2+$0x0], $0xffff  }
0xa2: {  	[tilespmem:s6+$0x60] =	vst v32;
	v15 =	vadd.s32 s23, v12;
	v13 =	vld.idx.msk [tilespmem:v13+s2+$0x0], $0xffff  }
0xa3: {  	v24 =	vld.idx.msk [tilespmem:v24+s2+$0x0], $0xffff;
	[tilespmem:s22+$0xFFFFFFB0] =	vst v29;
	v12 =	vadd.s32 s25, v12  }
0xa4: {  	[tilespmem:s1+$0x20] =	vst v26;
	v26 =	vld.idx.msk [tilespmem:v30+s2+$0x0], $0xffff  }
0xa5: {  	[tilespmem:s14+$0xFFFFFFF0] =	vst v28;
	v25 =	vld.idx.msk [tilespmem:v25+s2+$0x0], $0xffff;
	v29 =	vadd.s32 s18, v11  }
0xa6: {  	v27 =	vld.idx.msk [tilespmem:v31+s2+$0x0], $0xffff;
	[tilespmem:s10+$0xFFFFFFB0] =	vst v14  }
0xa7: {  	v28 =	vadd.s32 s15, v8;
	[tilespmem:s16+$0x20] =	vst v13;
	v13 =	vld.idx.msk [tilespmem:v15+s2+$0x0], $0xffff  }
0xa8: {  	[tilespmem:s12+$0x40] =	vst v24;
	v14 =	vadd.s32 s23, v11;
	v12 =	vld.idx.msk [tilespmem:v12+s2+$0x0], $0xffff  }
0xa9: {  	v24 =	vadd.s32 s11, v10;
	v22 =	vld.idx.msk [tilespmem:v22+s2+$0x0], $0xffff;
	[tilespmem:s19+$0xFFFFFFC0] =	vst v26  }
0xaa: {  	[tilespmem:s1+$0x30] =	vst v25;
	v25 =	vld.idx.msk [tilespmem:v29+s2+$0x0], $0xffff;
	v11 =	vadd.s32 s25, v11  }
0xab: {  	v23 =	vld.idx.msk [tilespmem:v23+s2+$0x0], $0xffff;
	v26 =	vadd.s32 s18, v10;
	[tilespmem:s13+$0xFFFFFFD0] =	vst v27  }
0xac: {  	v15 =	vld.idx.msk [tilespmem:v28+s2+$0x0], $0xffff;
	[tilespmem:s10+$0xFFFFFFC0] =	vst v13  }
0xad: {  	[tilespmem:s16+$0x30] =	vst v12;
	v12 =	vld.idx.msk [tilespmem:v14+s2+$0x0], $0xffff  }
0xae: {  	[tilespmem:s12+$0x50] =	vst v22;
	v14 =	vld.idx.msk [tilespmem:v24+s2+$0x0], $0xffff  }
0xaf: {  	[tilespmem:s19+$0xFFFFFFD0] =	vst v25;
	v13 =	vadd.s32 s23, v10;
	v11 =	vld.idx.msk [tilespmem:v11+s2+$0x0], $0xffff  }
0xb0: {  	[tilespmem:s1+$0x40] =	vst v23;
	v22 =	vld.idx.msk [tilespmem:v26+s2+$0x0], $0xffff;
	v10 =	vadd.s32 s25, v10  }
0xb1: {  	v20 =	vld.idx.msk [tilespmem:v20+s2+$0x0], $0xffff;
	v23 =	vadd.s32 s18, v9;
	[tilespmem:s14+$0x0] =	vst v15  }
0xb2: {  	v21 =	vld.idx.msk [tilespmem:v21+s2+$0x0], $0xffff;
	v15 =	vadd.s32 s11, v9;
	[tilespmem:s10+$0xFFFFFFD0] =	vst v12  }
0xb3: {  	[tilespmem:s13+$0xFFFFFFE0] =	vst v14;
	v14 =	vld.idx.msk [tilespmem:v18+s2+$0x0], $0xffff  }
0xb4: {  	[tilespmem:s16+$0x40] =	vst v11;
	v11 =	vld.idx.msk [tilespmem:v13+s2+$0x0], $0xffff  }
0xb5: {  	[tilespmem:s19+$0xFFFFFFE0] =	vst v22;
	v12 =	vadd.s32 s23, v9;
	v10 =	vld.idx.msk [tilespmem:v10+s2+$0x0], $0xffff  }
0xb6: {  	[tilespmem:s6+$0x70] =	vst v20;
	v9 =	vadd.s32 s25, v9;
	v18 =	vld.idx.msk [tilespmem:v23+s2+$0x0], $0xffff  }
0xb7: {  	[tilespmem:s1+$0x50] =	vst v21;
	v13 =	vld.idx.msk [tilespmem:v15+s2+$0x0], $0xffff  }
0xb8: {  	v20 =	vadd.s32 s18, v8;
	[tilespmem:s12+$0x60] =	vst v14  }
0xb9: {  	v19 =	vld.idx.msk [tilespmem:v19+s2+$0x0], $0xffff;
	v15 =	vadd.s32 s11, v8;
	[tilespmem:s10+$0xFFFFFFE0] =	vst v11  }
0xba: {  	[tilespmem:s16+$0x50] =	vst v10;
	v10 =	vld.idx.msk [tilespmem:v12+s2+$0x0], $0xffff  }
0xbb: {  	[tilespmem:s19+$0xFFFFFFF0] =	vst v18;
	v11 =	vadd.s32 s23, v8;
	v9 =	vld.idx.msk [tilespmem:v9+s2+$0x0], $0xffff  }
0xbc: {  	[tilespmem:s13+$0xFFFFFFF0] =	vst v13;
	v8 =	vadd.s32 s25, v8;
	v13 =	vld.idx.msk [tilespmem:v16+s2+$0x0], $0xffff  }
0xbd: {  	v14 =	vld.idx.msk [tilespmem:v20+s2+$0x0], $0xffff  }
0xbe: {  	[tilespmem:s1+$0x60] =	vst v19;
	v12 =	vld.idx.msk [tilespmem:v15+s2+$0x0], $0xffff  }
0xbf: {  	v15 =	vld.idx.msk [tilespmem:v17+s2+$0x0], $0xffff;
	[tilespmem:s10+$0xFFFFFFF0] =	vst v10  }
0xc0: {  	[tilespmem:s16+$0x60] =	vst v9;
	v9 =	vld.idx.msk [tilespmem:v11+s2+$0x0], $0xffff  }
0xc1: {  	s15 =	simm.s32 $0x2;
	[tilespmem:s12+$0x70] =	vst v13;
	v8 =	vld.idx.msk [tilespmem:v8+s2+$0x0], $0xffff  }
0xc2: {  	[tilespmem:s19+$0x0] =	vst v14;
	v10 =	vmov s15  }
0xc3: {  	s18 =	simm.s32 $0x1;
	[tilespmem:s13+$0x0] =	vst v12;
	v10 =	vand.u32 $0x1E, v10  }
0xc4: {  	[tilespmem:s1+$0x70] =	vst v15;
	v11 =	vmov s18;
	v30 =	vbroadcast v10, $0x0  }
0xc5: {  	v11 =	vand.u32 $0x1D, v11;
	[tilespmem:s10+$0x0] =	vst v9  }
0xc6: {  	s0 =	sshll.u32 s0, $0x7;
	v29 =	vbroadcast v11, $0x0;
	[tilespmem:s16+$0x70] =	vst v8;
	v8 =	vor.u32 v0, v30  }
0xc7: {  	s22 =	simm.s32 $0x3;
	v20 =	vld [tilespmem:s0+$0x12800]  }
0xc8: {  	s23 =	simm.s32 $0x0;
	v10 =	vmov s22;
	v9 =	vor.u32 v0, v29;
	v18 =	vld [tilespmem:s0+$0x12810]  }
0xc9: {  	v11 =	vmov s23;
	v10 =	vand.u32 $0x1F, v10;
	v17 =	vld [tilespmem:s0+$0x12820]  }
0xca: {  	v11 =	vand.u32 $0x1C, v11;
	v26 =	vbroadcast v10, $0x0;
	v13 =	vld [tilespmem:s0+$0x12830]  }
0xcb: {  	v33 =	vbroadcast v11, $0x0;
	v12 =	vld.idx.msk [tilespmem:v8+s31+$0x0], $0xffff  }
0xcc: {  	v14 =	vor.u32 v0, v26;
	v11 =	vld [tilespmem:s0+$0x12840]  }
0xcd: {  	v16 =	vor.u32 v0, v33;
	v15 =	vld.idx.msk [tilespmem:v9+s31+$0x0], $0xffff  }
0xce: {  	s24 =	simm.s32 $0x0;
	v19 =	vor.u32 v1, v30;
	v10 =	vld [tilespmem:s0+$0x12850]  }
0xcf: {  	s25 =	simm.s32 $0x100;
	s1 =	sand.u32 $0xC00, s24;
	v9 =	vld [tilespmem:s0+$0x12860]  }
0xd0: {  	s6 =	sand.u32 $0x300, s25;
	s1 =	sadd.s32 s1, s30;
	v21 =	vor.u32 v1, v29;
	v8 =	vld [tilespmem:s0+$0x12870];
	v12 =	vmul.f32 v12, v20  }
0xd1: {  	s7 =	simm.s32 $0x80;
	s16 =	sadd.s32 s6, s1;
	v14 =	vld.idx.msk [tilespmem:v14+s31+$0x0], $0xffff  }
0xd2: {  	s0 =	sand.u32 $0x280, s7;
	v16 =	vld.idx.msk [tilespmem:v16+s31+$0x0], $0xffff;
	v15 =	vmul.f32 v15, v20;
	[tilespmem:s16+$0x0] =	vst v12  }
0xd3: {  	s9 =	simm.s32 $0x5;
	s19 =	sadd.s32 s0, s1;
	v12 =	vld.idx.msk [tilespmem:v19+s31+$0x0], $0xffff  }
0xd4: {  	[tilespmem:s19+$0x0] =	vst v15;
	v15 =	vmov s9;
	v19 =	vor.u32 v1, v26  }
0xd5: {  	s10 =	simm.s32 $0x180;
	v22 =	vor.u32 v1, v33;
	v21 =	vld.idx.msk [tilespmem:v21+s31+$0x0], $0xffff;
	v15 =	vand.u32 $0x1D, v15  }
0xd6: {  	s11 =	simm.s32 $0x4;
	v23 =	vor.u32 v2, v30;
	s0 =	sand.u32 $0x380, s10;
	v14 =	vmul.f32 v14, v20;
	v15 =	vbroadcast v15, $0x0  }
0xd7: {  	v25 =	vmov s11;
	s12 =	sadd.s32 s0, s1;
	v16 =	vmul.f32 v16, v20  }
0xd8: {  	s3 =	sadd.s32 $0x12940, s3;
	v25 =	vand.u32 $0x1C, v25;
	[tilespmem:s12+$0x0] =	vst v14;
	v27 =	vor.u32 v0, v15;
	v14 =	vmul.f32 v12, v18  }
0xd9: {  	v24 =	vor.u32 v2, v29;
	[tilespmem:s3+$0xFFFFFFC0] =	vst v16;
	v12 =	vbroadcast v25, $0x0;
	v19 =	vld.idx.msk [tilespmem:v19+s31+$0x0], $0xffff  }
0xda: {  	s13 =	simm.s32 $0x6;
	v16 =	vmul.f32 v21, v18;
	v21 =	vld.idx.msk [tilespmem:v22+s31+$0x0], $0xffff;
	[tilespmem:s16+$0x10] =	vst v14  }
0xdb: {  	v14 =	vmov s13;
	v22 =	vor.u32 v0, v12;
	v23 =	vld.idx.msk [tilespmem:v23+s31+$0x0], $0xffff  }
0xdc: {  	v25 =	vor.u32 v2, v26;
	v14 =	vand.u32 $0x1E, v14  }
0xdd: {  	v49 =	vor.u32 v2, v33;
	[tilespmem:s19+$0x10] =	vst v16;
	v27 =	vld.idx.msk [tilespmem:v27+s31+$0x0], $0xffff;
	v14 =	vbroadcast v14, $0x0  }
0xde: {  	s14 =	simm.s32 $0x7;
	v46 =	vor.u32 v3, v30;
	v24 =	vld.idx.msk [tilespmem:v24+s31+$0x0], $0xffff;
	v19 =	vmul.f32 v19, v18  }
0xdf: {  	v16 =	vmov s14;
	v21 =	vmul.f32 v21, v18;
	v47 =	vor.u32 v0, v14  }
0xe0: {  	s15 =	simm.s32 $0x200;
	v48 =	vor.u32 v1, v15;
	v16 =	vand.u32 $0x1F, v16;
	v22 =	vld.idx.msk [tilespmem:v22+s31+$0x0], $0xffff;
	[tilespmem:s12+$0x10] =	vst v19;
	v19 =	vmul.f32 v23, v17  }
0xe1: {  	s18 =	simm.s32 $0x280;
	v42 =	vor.u32 v4, v30;
	v31 =	vor.u32 v3, v29;
	s0 =	sand.u32 $0xC00, s15;
	v16 =	vbroadcast v16, $0x0;
	[tilespmem:s3+$0xFFFFFFD0] =	vst v21;
	v21 =	vld.idx.msk [tilespmem:v25+s31+$0x0], $0xffff  }
0xe2: {  	v60 =	vor.u32 v5, v30;
	s1 =	sand.u32 $0x280, s18;
	s22 =	sadd.s32 s0, s30;
	v27 =	vmul.f32 v27, v20;
	v36 =	vld.idx.msk [tilespmem:v49+s31+$0x0], $0xffff;
	[tilespmem:s16+$0x20] =	vst v19  }
0xe3: {  	v38 =	vor.u32 v4, v29;
	s0 =	sadd.s32 s1, s22;
	v23 =	vor.u32 v0, v16;
	v24 =	vmul.f32 v24, v17;
	v19 =	vld.idx.msk [tilespmem:v46+s31+$0x0], $0xffff  }
0xe4: {  	v45 =	vor.u32 v5, v29;
	[tilespmem:s0+$0x0] =	vst v27;
	v27 =	vor.u32 v1, v12;
	v34 =	vld.idx.msk [tilespmem:v47+s31+$0x0], $0xffff  }
0xe5: {  	v28 =	vor.u32 v4, v26;
	v39 =	vor.u32 v3, v26;
	[tilespmem:s19+$0x20] =	vst v24;
	v35 =	vld.idx.msk [tilespmem:v48+s31+$0x0], $0xffff  }
0xe6: {  	v63 =	vor.u32 v3, v33;
	v40 =	vor.u32 v2, v15;
	v31 =	vld.idx.msk [tilespmem:v31+s31+$0x0], $0xffff;
	v22 =	vmul.f32 v22, v20  }
0xe7: {  	s18 =	sadd.s32 $0x200, s3;
	v50 =	vor.u32 v1, v16;
	v61 =	vor.u32 v1, v14;
	v21 =	vmul.f32 v21, v17  }
0xe8: {  	v41 =	vor.u32 v2, v14;
	v23 =	vld.idx.msk [tilespmem:v23+s31+$0x0], $0xffff;
	v56 =	vmul.f32 v36, v17;
	[tilespmem:s18+$0xFFFFFFC0] =	vst v22  }
0xe9: {  	s25 =	simm.s32 $0x9;
	s24 =	simm.s32 $0x300;
	s10 =	simm.s32 $0xB;
	v44 =	vor.u32 v2, v16;
	[tilespmem:s12+$0x20] =	vst v21;
	v62 =	vld.idx.msk [tilespmem:v27+s31+$0x0], $0xffff;
	v19 =	vmul.f32 v19, v13  }
0xea: {  	s6 =	sand.u32 $0x300, s24;
	v21 =	vmov s25;
	v27 =	vmov s10;
	[tilespmem:s3+$0xFFFFFFE0] =	vst v56;
	v22 =	vld.idx.msk [tilespmem:v39+s31+$0x0], $0xffff;
	v34 =	vmul.f32 v34, v20  }
0xeb: {  	s6 =	sadd.s32 s6, s22;
	s9 =	simm.s32 $0xA;
	v35 =	vmul.f32 v35, v18;
	v31 =	vmul.f32 v31, v13;
	[tilespmem:s16+$0x30] =	vst v19;
	v19 =	vand.u32 $0x1D, v21  }
0xec: {  	v27 =	vand.u32 $0x1F, v27;
	v21 =	vmov s9;
	[tilespmem:s6+$0x0] =	vst v34;
	v34 =	vld.idx.msk [tilespmem:v63+s31+$0x0], $0xffff;
	v19 =	vbroadcast v19, $0x0  }
0xed: {  	s11 =	simm.s32 $0x380;
	v53 =	vor.u32 v3, v14;
	[tilespmem:s0+$0x10] =	vst v35;
	v42 =	vld.idx.msk [tilespmem:v42+s31+$0x0], $0xffff;
	v57 =	vand.u32 $0x1E, v21;
	v21 =	vbroadcast v27, $0x0  }
0xee: {  	s1 =	sand.u32 $0x380, s11;
	[tilespmem:s19+$0x30] =	vst v31;
	v32 =	vld.idx.msk [tilespmem:v61+s31+$0x0], $0xffff;
	v27 =	vmul.f32 v23, v20;
	v31 =	vor.u32 v0, v19  }
0xef: {  	s23 =	simm.s32 $0x8;
	s11 =	sadd.s32 s1, s22;
	v25 =	vor.u32 v4, v16;
	v58 =	vld.idx.msk [tilespmem:v40+s31+$0x0], $0xffff;
	v59 =	vmul.f32 v22, v13;
	v52 =	vor.u32 v0, v21  }
0xf0: {  	v43 =	vmov s23;
	v24 =	vor.u32 v7, v29;
	v47 =	vor.u32 v3, v15;
	v38 =	vld.idx.msk [tilespmem:v38+s31+$0x0], $0xffff;
	[tilespmem:s11+$0x0] =	vst v27  }
0xf1: {  	v46 =	vor.u32 v6, v30;
	v48 =	vor.u32 v5, v26;
	v23 =	vbroadcast v57, $0x0;
	v37 =	vld.idx.msk [tilespmem:v50+s31+$0x0], $0xffff;
	[tilespmem:s12+$0x30] =	vst v59  }
0xf2: {  	v22 =	vand.u32 $0x1C, v43;
	v50 =	vor.u32 v2, v12;
	v61 =	vmul.f32 v42, v11;
	v28 =	vld.idx.msk [tilespmem:v28+s31+$0x0], $0xffff  }
0xf3: {  	v43 =	vor.u32 v0, v23;
	v22 =	vbroadcast v22, $0x0;
	v32 =	vmul.f32 v32, v18;
	v49 =	vld.idx.msk [tilespmem:v31+s31+$0x0], $0xffff  }
0xf4: {  	v39 =	vmul.f32 v62, v18;
	v27 =	vor.u32 v4, v21;
	[tilespmem:s16+$0x40] =	vst v61;
	v52 =	vld.idx.msk [tilespmem:v52+s31+$0x0], $0xffff  }
0xf5: {  	v55 =	vor.u32 v1, v19;
	v62 =	vor.u32 v0, v22;
	[tilespmem:s6+$0x10] =	vst v32;
	v51 =	vld.idx.msk [tilespmem:v60+s31+$0x0], $0xffff  }
0xf6: {  	v35 =	vor.u32 v1, v21;
	[tilespmem:s18+$0xFFFFFFD0] =	vst v39;
	v36 =	vmul.f32 v58, v17;
	v60 =	vld.idx.msk [tilespmem:v41+s31+$0x0], $0xffff  }
0xf7: {  	v39 =	vor.u32 v2, v23;
	v34 =	vmul.f32 v34, v13;
	v54 =	vmul.f32 v38, v11;
	v38 =	vld.idx.msk [tilespmem:v50+s31+$0x0], $0xffff  }
0xf8: {  	v61 =	vor.u32 v4, v33;
	[tilespmem:s0+$0x20] =	vst v36;
	v63 =	vmul.f32 v37, v18;
	v43 =	vld.idx.msk [tilespmem:v43+s31+$0x0], $0xffff  }
0xf9: {  	v40 =	vor.u32 v1, v22;
	[tilespmem:s3+$0xFFFFFFF0] =	vst v34;
	v50 =	vld.idx.msk [tilespmem:v47+s31+$0x0], $0xffff;
	v28 =	vmul.f32 v28, v11  }
0xfa: {  	v42 =	vor.u32 v6, v26;
	v34 =	vor.u32 v7, v30;
	v56 =	vld.idx.msk [tilespmem:v62+s31+$0x0], $0xffff;
	[tilespmem:s11+$0x10] =	vst v63  }
0xfb: {  	v31 =	vor.u32 v4, v15;
	v57 =	vld.idx.msk [tilespmem:v44+s31+$0x0], $0xffff;
	[tilespmem:s12+$0x40] =	vst v28;
	v37 =	vmul.f32 v60, v17  }
0xfc: {  	v36 =	vor.u32 v1, v23;
	v32 =	vor.u32 v7, v26;
	[tilespmem:s19+$0x40] =	vst v54;
	v58 =	vld.idx.msk [tilespmem:v48+s31+$0x0], $0xffff  }
0xfd: {  	s13 =	simm.s32 $0x400;
	v26 =	vor.u32 v7, v15;
	v59 =	vld.idx.msk [tilespmem:v61+s31+$0x0], $0xffff;
	v28 =	vmul.f32 v51, v10;
	[tilespmem:s6+$0x20] =	vst v37  }
0xfe: {  	s14 =	simm.s32 $0x480;
	s1 =	sand.u32 $0xC00, s13;
	v41 =	vor.u32 v6, v29;
	v29 =	vor.u32 v5, v15;
	v47 =	vor.u32 v4, v14;
	v60 =	vld.idx.msk [tilespmem:v53+s31+$0x0], $0xffff  }
0xff: {  	s7 =	sand.u32 $0x280, s14;
	s1 =	sadd.s32 s1, s30;
	v45 =	vld.idx.msk [tilespmem:v45+s31+$0x0], $0xffff;
	v44 =	vor.u32 v2, v19;
	v62 =	vmul.f32 v49, v20;
	[tilespmem:s16+$0x50] =	vst v28  }
0x100: {  	s13 =	sadd.s32 s7, s1;
	v49 =	vor.u32 v3, v16;
	v48 =	vor.u32 v5, v33;
	v51 =	vld.idx.msk [tilespmem:v46+s31+$0x0], $0xffff;
	v30 =	vmul.f32 v57, v17  }
0x101: {  	s15 =	simm.s32 $0x500;
	s24 =	sadd.s32 $0x200, s18;
	s25 =	simm.s32 $0x580;
	[tilespmem:s13+$0x0] =	vst v62;
	v28 =	vor.u32 v7, v33;
	v37 =	vor.u32 v6, v33;
	v63 =	vmul.f32 v58, v10  }
0x102: {  	s23 =	sand.u32 $0x300, s15;
	s7 =	simm.s32 $0xC;
	s22 =	sand.u32 $0x380, s25;
	v33 =	vor.u32 v3, v19;
	v53 =	vmul.f32 v56, v20;
	v46 =	vld.idx.msk [tilespmem:v55+s31+$0x0], $0xffff;
	[tilespmem:s11+$0x20] =	vst v30  }
0x103: {  	s15 =	sadd.s32 s23, s1;
	s14 =	sadd.s32 s22, s1;
	s1 =	smov.u32 s24;
	v54 =	vmul.f32 v59, v11;
	v30 =	vor.u32 v6, v14;
	[tilespmem:s12+$0x50] =	vst v63;
	v55 =	vmul.f32 v60, v13  }
.LBB2_10:
0x104: {  	s23 =	sadd.s32 $0x1, s7  }
0x105: {  	v56 =	vmov s7;
	s9 =	sadd.s32 $0x2, s7;
	[tilespmem:s24+$0xFFFFFFC0] =	vst v53;
	v53 =	vor.u32 v5, v14;
	v49 =	vld.idx.msk [tilespmem:v49+s31+$0x0], $0xffff;
	v51 =	vmul.f32 v51, v9;
	s10 =	smov.u32 s7;
	s22 =	sadd.s32 $0x4, s7  }
0x106: {  	p0 =	slt.u32 s7, $0x1C;
	v43 =	vmul.f32 v43, v20;
	v56 =	vand.u32 $0x1C, v56;
	v57 =	vmov s23;
	[tilespmem:s6+$0x30] =	vst v55;
	v42 =	vld.idx.msk [tilespmem:v42+s31+$0x0], $0xffff  }
0x107: {  	s7 =	sadd.s32 $0x3, s10;
	v58 =	vmul.f32 v46, v18;
	v55 =	vand.u32 $0x1D, v57;
	v57 =	vmov s9;
	v40 =	vld.idx.msk [tilespmem:v40+s31+$0x0], $0xffff;
	[tilespmem:s3+$0x0] =	vst v54  }
0x108: {  	v54 =	vmov s7;
	v46 =	vbroadcast v55, $0x0;
	v55 =	vor.u32 v3, v12;
	v59 =	vld.idx.msk [tilespmem:v48+s31+$0x0], $0xffff;
	[tilespmem:s16+$0x60] =	vst v51  }
0x109: {  	v48 =	vand.u32 $0x1E, v57;
	v51 =	vand.u32 $0x1F, v54;
	[tilespmem:s15+$0x0] =	vst v43;
	v43 =	vmul.f32 v50, v13;
	v50 =	vld.idx.msk [tilespmem:v47+s31+$0x0], $0xffff  }
0x10a: {  	v38 =	vmul.f32 v38, v17;
	v51 =	vbroadcast v51, $0x0;
	v54 =	vor.u32 v0, v46;
	[tilespmem:s13+$0x10] =	vst v58;
	v36 =	vld.idx.msk [tilespmem:v36+s31+$0x0], $0xffff  }
0x10b: {  	v57 =	vor.u32 v2, v21;
	v48 =	vbroadcast v48, $0x0;
	v44 =	vld.idx.msk [tilespmem:v44+s31+$0x0], $0xffff;
	[tilespmem:s0+$0x30] =	vst v43;
	v43 =	vmul.f32 v45, v10  }
0x10c: {  	v52 =	vmul.f32 v52, v20;
	v45 =	vor.u32 v0, v51;
	[tilespmem:s18+$0xFFFFFFE0] =	vst v38;
	v31 =	vld.idx.msk [tilespmem:v31+s31+$0x0], $0xffff  }
0x10d: {  	v49 =	vmul.f32 v49, v13;
	v58 =	vor.u32 v0, v48;
	v38 =	vld.idx.msk [tilespmem:v55+s31+$0x0], $0xffff;
	[tilespmem:s19+$0x50] =	vst v43  }
0x10e: {  	v47 =	vbroadcast v56, $0x0;
	v43 =	vor.u32 v4, v51;
	[tilespmem:s14+$0x0] =	vst v52;
	v52 =	vmul.f32 v59, v10;
	v41 =	vld.idx.msk [tilespmem:v41+s31+$0x0], $0xffff  }
0x10f: {  	v56 =	vor.u32 v5, v16;
	v55 =	vld.idx.msk [tilespmem:v35+s31+$0x0], $0xffff;
	[tilespmem:s11+$0x30] =	vst v49;
	v35 =	vmul.f32 v42, v9  }
0x110: {  	v40 =	vmul.f32 v40, v18;
	v42 =	vmul.f32 v50, v11;
	v49 =	vld.idx.msk [tilespmem:v25+s31+$0x0], $0xffff;
	[tilespmem:s3+$0x10] =	vst v52;
	v25 =	vmov v27  }
0x111: {  	v50 =	vor.u32 v0, v47;
	v44 =	vmul.f32 v44, v17;
	v27 =	vmov v43;
	v37 =	vld.idx.msk [tilespmem:v37+s31+$0x0], $0xffff;
	[tilespmem:s12+$0x60] =	vst v35  }
0x112: {  	s25 =	sadd.s32 $0x200, s25;
	v35 =	vmul.f32 v36, v18;
	v52 =	vld.idx.msk [tilespmem:v54+s31+$0x0], $0xffff;
	v54 =	vmul.f32 v31, v11;
	[tilespmem:s6+$0x40] =	vst v42  }
0x113: {  	v60 =	vor.u32 v3, v23;
	v61 =	vor.u32 v4, v12;
	s7 =	sadd.s32 $0xFFFFFE80, s25;
	v59 =	vor.u32 v1, v46;
	v42 =	vld.idx.msk [tilespmem:v32+s31+$0x0], $0xffff  }
0x114: {  	s9 =	sadd.s32 $0xFFFFFF00, s25;
	s7 =	sand.u32 $0xC00, s7;
	v43 =	vor.u32 v2, v22;
	v32 =	vmul.f32 v41, v9;
	[tilespmem:s15+$0x10] =	vst v35;
	v53 =	vld.idx.msk [tilespmem:v53+s31+$0x0], $0xffff  }
0x115: {  	s24 =	sadd.s32 $0x200, s24;
	s9 =	sand.u32 $0x280, s9;
	s7 =	sadd.s32 s7, s30;
	v35 =	vor.u32 v1, v51;
	[tilespmem:s1+$0xFFFFFFD0] =	vst v40;
	v40 =	vmul.f32 v55, v18;
	v55 =	vld.idx.msk [tilespmem:v34+s31+$0x0], $0xffff  }
0x116: {  	s23 =	sadd.s32 s9, s7;
	v31 =	vor.u32 v4, v19;
	v34 =	vld.idx.msk [tilespmem:v39+s31+$0x0], $0xffff;
	v39 =	vmul.f32 v49, v11;
	[tilespmem:s19+$0x60] =	vst v32  }
0x117: {  	v36 =	vor.u32 v1, v48;
	v37 =	vmul.f32 v37, v9;
	[tilespmem:s13+$0x20] =	vst v44;
	v44 =	vld.idx.msk [tilespmem:v24+s31+$0x0], $0xffff;
	v24 =	vmov v26  }
0x118: {  	v32 =	vor.u32 v7, v16;
	v26 =	vmul.f32 v38, v13;
	v50 =	vld.idx.msk [tilespmem:v50+s31+$0x0], $0xffff;
	[tilespmem:s14+$0x10] =	vst v40  }
0x119: {  	v40 =	vor.u32 v1, v47;
	v38 =	vld.idx.msk [tilespmem:v43+s31+$0x0], $0xffff;
	[tilespmem:s11+$0x40] =	vst v39;
	v39 =	vmul.f32 v42, v8  }
0x11a: {  	s9 =	sand.u32 $0x380, s25;
	v41 =	vmul.f32 v53, v10;
	v42 =	vor.u32 v6, v16;
	v16 =	vmov v21;
	v43 =	vld.idx.msk [tilespmem:v58+s31+$0x0], $0xffff;
	[tilespmem:s18+$0xFFFFFFF0] =	vst v26  }
0x11b: {  	v52 =	vmul.f32 v52, v20;
	v21 =	vmov v51;
	v26 =	vor.u32 v7, v19;
	v57 =	vld.idx.msk [tilespmem:v57+s31+$0x0], $0xffff;
	[tilespmem:s12+$0x70] =	vst v39;
	s12 =	smov.u32 s11;
	s11 =	smov.u32 s14;
	s14 =	sadd.s32 s9, s7  }
0x11c: {  	v49 =	vor.u32 v3, v16;
	v39 =	vmul.f32 v34, v17;
	v56 =	vld.idx.msk [tilespmem:v56+s31+$0x0], $0xffff;
	[tilespmem:s3+$0x20] =	vst v37  }
0x11d: {  	s9 =	sadd.s32 $0xFFFFFF80, s25;
	v34 =	vor.u32 v7, v14;
	v14 =	vmov v23;
	[tilespmem:s6+$0x50] =	vst v41;
	v58 =	vld.idx.msk [tilespmem:v28+s31+$0x0], $0xffff;
	v28 =	vor.u32 v7, v12  }
0x11e: {  	s9 =	sand.u32 $0x300, s9;
	v41 =	vor.u32 v6, v15;
	v15 =	vmov v19;
	[tilespmem:s15+$0x20] =	vst v39;
	v61 =	vld.idx.msk [tilespmem:v61+s31+$0x0], $0xffff;
	v39 =	vmul.f32 v44, v8  }
0x11f: {  	v37 =	vor.u32 v6, v12;
	s7 =	sadd.s32 s9, s7;
	v19 =	vmov v46;
	v44 =	vor.u32 v2, v46;
	[tilespmem:s23+$0x0] =	vst v52;
	v60 =	vld.idx.msk [tilespmem:v60+s31+$0x0], $0xffff  }
0x120: {  	v23 =	vmov v48;
	v62 =	vor.u32 v5, v15;
	v51 =	vld.idx.msk [tilespmem:v30+s31+$0x0], $0xffff;
	[tilespmem:s19+$0x70] =	vst v39;
	v30 =	vmul.f32 v55, v8;
	s19 =	smov.u32 s0;
	s0 =	smov.u32 s13;
	s13 =	smov.u32 s23  }
.Ltmp4:
0x121: {  	v48 =	vor.u32 v5, v12;
	v53 =	vmul.f32 v50, v20;
	v52 =	vmul.f32 v57, v17;
	[tilespmem:s19+$0x40] =	vst v54;
	(pc) =	sbr.rel @p0 .LBB2_10-.Ltmp4, $4  }
0x122: {  	v12 =	vmov v22;
	v54 =	vor.u32 v3, v19;
	v55 =	vmul.f32 v56, v10;
	v46 =	vld.idx.msk [tilespmem:v59+s31+$0x0], $0xffff;
	[tilespmem:s16+$0x70] =	vst v30;
	s16 =	smov.u32 s6;
	s6 =	smov.u32 s15;
	s15 =	smov.u32 s7  }
0x123: {  	v22 =	vmov v47;
	v39 =	vor.u32 v2, v23;
	v56 =	vmul.f32 v58, v8;
	v50 =	vld.idx.msk [tilespmem:v33+s31+$0x0], $0xffff;
	[tilespmem:s11+$0x20] =	vst v52  }
0x124: {  	v47 =	vor.u32 v4, v14;
	v30 =	vor.u32 v6, v14;
	s7 =	smov.u32 s22;
	v33 =	vmov v54;
	v52 =	vld.idx.msk [tilespmem:v45+s31+$0x0], $0xffff;
	[tilespmem:s12+$0x50] =	vst v55  }
0x125: {  	v54 =	vmul.f32 v61, v11;
	v55 =	vmul.f32 v60, v13;
	v45 =	vld.idx.msk [tilespmem:v29+s31+$0x0], $0xffff;
	[tilespmem:s3+$0x30] =	vst v56;
	v29 =	vmov v62;
	s3 =	smov.u32 s18;
	s18 =	smov.u32 s1;
	s1 =	smov.u32 s24  }
0x126: {  	_ =	sdelay $0x1  }
0x127: {  	[tilespmem:s24+$0xFFFFFFC0] =	vst v53  }
0x128: {  	v51 =	vmul.f32 v51, v9;
	[tilespmem:s6+$0x30] =	vst v55  }
0x129: {  	v49 =	vld.idx.msk [tilespmem:v49+s31+$0x0], $0xffff;
	v61 =	vmul.f32 v43, v20;
	[tilespmem:s3+$0x0] =	vst v54  }
0x12a: {  	v42 =	vld.idx.msk [tilespmem:v42+s31+$0x0], $0xffff;
	[tilespmem:s16+$0x60] =	vst v51;
	v52 =	vmul.f32 v52, v20  }
0x12b: {  	v38 =	vmul.f32 v38, v17;
	v63 =	vld.idx.msk [tilespmem:v48+s31+$0x0], $0xffff;
	[tilespmem:s15+$0x0] =	vst v61  }
0x12c: {  	v57 =	vor.u32 v3, v12;
	v62 =	vmul.f32 v46, v18;
	v36 =	vld.idx.msk [tilespmem:v36+s31+$0x0], $0xffff;
	[tilespmem:s14+$0x0] =	vst v52  }
0x12d: {  	v48 =	vmul.f32 v50, v13;
	[tilespmem:s18+$0xFFFFFFE0] =	vst v38;
	v35 =	vld.idx.msk [tilespmem:v35+s31+$0x0], $0xffff  }
0x12e: {  	v40 =	vld.idx.msk [tilespmem:v40+s31+$0x0], $0xffff;
	[tilespmem:s13+$0x10] =	vst v62;
	v51 =	vmul.f32 v45, v10  }
0x12f: {  	v53 =	vld.idx.msk [tilespmem:v47+s31+$0x0], $0xffff;
	[tilespmem:s0+$0x30] =	vst v48;
	v52 =	vmul.f32 v49, v13  }
0x130: {  	v50 =	vor.u32 v2, v21;
	v44 =	vld.idx.msk [tilespmem:v44+s31+$0x0], $0xffff;
	v59 =	vmul.f32 v42, v9;
	[tilespmem:s19+$0x50] =	vst v51  }
0x131: {  	v56 =	vor.u32 v2, v22;
	v47 =	vld.idx.msk [tilespmem:v57+s31+$0x0], $0xffff;
	[tilespmem:s11+$0x30] =	vst v52;
	v36 =	vmul.f32 v36, v18  }
0x132: {  	v31 =	vld.idx.msk [tilespmem:v31+s31+$0x0], $0xffff;
	[tilespmem:s12+$0x60] =	vst v59;
	v54 =	vmul.f32 v35, v18  }
0x133: {  	v58 =	vmul.f32 v40, v18;
	v41 =	vld.idx.msk [tilespmem:v41+s31+$0x0], $0xffff;
	[tilespmem:s15+$0x10] =	vst v36  }
0x134: {  	v55 =	vmul.f32 v63, v10;
	v62 =	vld.idx.msk [tilespmem:v39+s31+$0x0], $0xffff;
	[tilespmem:s14+$0x10] =	vst v54  }
0x135: {  	v61 =	vmul.f32 v53, v11;
	[tilespmem:s1+$0xFFFFFFD0] =	vst v58;
	v20 =	vld.idx.msk [tilespmem:v50+s31+$0x0], $0xffff  }
0x136: {  	v60 =	vor.u32 v5, v14;
	[tilespmem:s3+$0x10] =	vst v55;
	v38 =	vld.idx.msk [tilespmem:v56+s31+$0x0], $0xffff;
	v48 =	vmul.f32 v44, v17  }
0x137: {  	v49 =	vor.u32 v3, v23;
	v25 =	vld.idx.msk [tilespmem:v25+s31+$0x0], $0xffff;
	[tilespmem:s6+$0x40] =	vst v61;
	v53 =	vmul.f32 v47, v13  }
0x138: {  	v45 =	vor.u32 v3, v21;
	v32 =	vld.idx.msk [tilespmem:v32+s31+$0x0], $0xffff;
	[tilespmem:s13+$0x20] =	vst v48;
	v63 =	vmul.f32 v41, v9  }
0x139: {  	v51 =	vor.u32 v3, v22;
	v61 =	vld.idx.msk [tilespmem:v34+s31+$0x0], $0xffff;
	[tilespmem:s18+$0xFFFFFFF0] =	vst v53;
	v18 =	vmul.f32 v62, v17  }
0x13a: {  	v54 =	vld.idx.msk [tilespmem:v33+s31+$0x0], $0xffff;
	[tilespmem:s19+$0x60] =	vst v63;
	v20 =	vmul.f32 v20, v17  }
0x13b: {  	v55 =	vor.u32 v4, v12;
	v36 =	vld.idx.msk [tilespmem:v60+s31+$0x0], $0xffff;
	v52 =	vmul.f32 v38, v17;
	[tilespmem:s15+$0x20] =	vst v18  }
0x13c: {  	v25 =	vmul.f32 v25, v11;
	v56 =	vld.idx.msk [tilespmem:v49+s31+$0x0], $0xffff;
	[tilespmem:s14+$0x20] =	vst v20  }
0x13d: {  	v59 =	vor.u32 v4, v19;
	v32 =	vmul.f32 v32, v8;
	[tilespmem:s1+$0xFFFFFFE0] =	vst v52;
	v20 =	vld.idx.msk [tilespmem:v45+s31+$0x0], $0xffff  }
0x13e: {  	v47 =	vmul.f32 v61, v8;
	[tilespmem:s11+$0x40] =	vst v25;
	v58 =	vld.idx.msk [tilespmem:v51+s31+$0x0], $0xffff  }
0x13f: {  	v60 =	vor.u32 v4, v23;
	v50 =	vld.idx.msk [tilespmem:v37+s31+$0x0], $0xffff;
	[tilespmem:s12+$0x70] =	vst v32;
	v18 =	vmul.f32 v54, v13  }
0x140: {  	v33 =	vld.idx.msk [tilespmem:v55+s31+$0x0], $0xffff;
	v36 =	vmul.f32 v36, v10;
	[tilespmem:s16+$0x70] =	vst v47  }
0x141: {  	v24 =	vld.idx.msk [tilespmem:v24+s31+$0x0], $0xffff;
	v62 =	vor.u32 v4, v22;
	[tilespmem:s13+$0x30] =	vst v18;
	v40 =	vmul.f32 v56, v13  }
0x142: {  	[tilespmem:s6+$0x50] =	vst v36;
	v44 =	vld.idx.msk [tilespmem:v59+s31+$0x0], $0xffff;
	v20 =	vmul.f32 v20, v13  }
0x143: {  	v63 =	vor.u32 v5, v16;
	v42 =	vmul.f32 v58, v13;
	[tilespmem:s15+$0x30] =	vst v40  }
0x144: {  	v46 =	vor.u32 v5, v12;
	v57 =	vmul.f32 v50, v9;
	v17 =	vld.idx.msk [tilespmem:v60+s31+$0x0], $0xffff;
	[tilespmem:s14+$0x30] =	vst v20  }
0x145: {  	v51 =	vor.u32 v5, v19;
	v52 =	vmul.f32 v33, v11;
	[tilespmem:s1+$0xFFFFFFF0] =	vst v42;
	v41 =	vld.idx.msk [tilespmem:v27+s31+$0x0], $0xffff  }
0x146: {  	v54 =	vor.u32 v5, v23;
	[tilespmem:s3+$0x20] =	vst v57;
	v45 =	vmul.f32 v31, v11;
	v49 =	vld.idx.msk [tilespmem:v62+s31+$0x0], $0xffff  }
0x147: {  	v38 =	vld.idx.msk [tilespmem:v30+s31+$0x0], $0xffff;
	v43 =	vmul.f32 v24, v8;
	[tilespmem:s18+$0x0] =	vst v52;
	v24 =	vmul.f32 v44, v11  }
0x148: {  	v48 =	vor.u32 v5, v21;
	v50 =	vld.idx.msk [tilespmem:v63+s31+$0x0], $0xffff;
	[tilespmem:s0+$0x40] =	vst v45  }
0x149: {  	v55 =	vor.u32 v5, v22;
	v53 =	vld.idx.msk [tilespmem:v29+s31+$0x0], $0xffff;
	[tilespmem:s13+$0x40] =	vst v24;
	v17 =	vmul.f32 v17, v11  }
0x14a: {  	[tilespmem:s19+$0x70] =	vst v43;
	v59 =	vld.idx.msk [tilespmem:v51+s31+$0x0], $0xffff;
	v18 =	vmul.f32 v41, v11  }
0x14b: {  	v56 =	vor.u32 v6, v16;
	v27 =	vld.idx.msk [tilespmem:v46+s31+$0x0], $0xffff;
	v57 =	vmul.f32 v49, v11;
	[tilespmem:s15+$0x40] =	vst v17  }
0x14c: {  	v15 =	vor.u32 v6, v15;
	v47 =	vmul.f32 v38, v9;
	v29 =	vld.idx.msk [tilespmem:v54+s31+$0x0], $0xffff;
	[tilespmem:s14+$0x40] =	vst v18  }
0x14d: {  	v34 =	vor.u32 v6, v19;
	v58 =	vmul.f32 v50, v10;
	[tilespmem:s1+$0x0] =	vst v57;
	v18 =	vld.idx.msk [tilespmem:v48+s31+$0x0], $0xffff  }
0x14e: {  	[tilespmem:s6+$0x60] =	vst v47;
	v60 =	vor.u32 v6, v12;
	v13 =	vmul.f32 v53, v10;
	v25 =	vld.idx.msk [tilespmem:v55+s31+$0x0], $0xffff  }
0x14f: {  	v35 =	vor.u32 v6, v23;
	v28 =	vld.idx.msk [tilespmem:v28+s31+$0x0], $0xffff;
	[tilespmem:s11+$0x50] =	vst v58;
	v17 =	vmul.f32 v59, v10  }
0x150: {  	v62 =	vor.u32 v6, v21;
	v63 =	vld.idx.msk [tilespmem:v56+s31+$0x0], $0xffff;
	[tilespmem:s0+$0x50] =	vst v13;
	v33 =	vmul.f32 v27, v10  }
0x151: {  	v39 =	vor.u32 v6, v22;
	v36 =	vld.idx.msk [tilespmem:v15+s31+$0x0], $0xffff;
	[tilespmem:s13+$0x50] =	vst v17;
	v29 =	vmul.f32 v29, v10  }
0x152: {  	v42 =	vor.u32 v7, v14;
	[tilespmem:s18+$0x10] =	vst v33;
	v44 =	vld.idx.msk [tilespmem:v34+s31+$0x0], $0xffff;
	v37 =	vmul.f32 v18, v10  }
0x153: {  	v40 =	vor.u32 v7, v16;
	v24 =	vld.idx.msk [tilespmem:v60+s31+$0x0], $0xffff;
	v41 =	vmul.f32 v25, v10;
	[tilespmem:s15+$0x50] =	vst v29  }
0x154: {  	v61 =	vmul.f32 v28, v8;
	v46 =	vld.idx.msk [tilespmem:v35+s31+$0x0], $0xffff;
	[tilespmem:s14+$0x50] =	vst v37  }
0x155: {  	v49 =	vor.u32 v7, v19;
	v43 =	vmul.f32 v63, v9;
	[tilespmem:s1+$0x10] =	vst v41;
	v15 =	vld.idx.msk [tilespmem:v62+s31+$0x0], $0xffff  }
0x156: {  	v45 =	vor.u32 v7, v12;
	[tilespmem:s3+$0x30] =	vst v61;
	v11 =	vmul.f32 v36, v9;
	v13 =	vld.idx.msk [tilespmem:v39+s31+$0x0], $0xffff  }
0x157: {  	v52 =	vor.u32 v7, v23;
	v14 =	vld.idx.msk [tilespmem:v42+s31+$0x0], $0xffff;
	[tilespmem:s11+$0x60] =	vst v43;
	v20 =	vmul.f32 v44, v9  }
0x158: {  	v16 =	vld.idx.msk [tilespmem:v40+s31+$0x0], $0xffff;
	v48 =	vor.u32 v7, v21;
	[tilespmem:s0+$0x60] =	vst v11;
	v50 =	vmul.f32 v24, v9  }
0x159: {  	v53 =	vor.u32 v7, v22;
	v51 =	vld.idx.msk [tilespmem:v26+s31+$0x0], $0xffff;
	[tilespmem:s13+$0x60] =	vst v20;
	v54 =	vmul.f32 v46, v9  }
0x15a: {  	[tilespmem:s18+$0x20] =	vst v50;
	v57 =	vld.idx.msk [tilespmem:v49+s31+$0x0], $0xffff;
	v15 =	vmul.f32 v15, v9  }
0x15b: {  	v12 =	vld.idx.msk [tilespmem:v45+s31+$0x0], $0xffff;
	v55 =	vmul.f32 v13, v9;
	[tilespmem:s15+$0x60] =	vst v54  }
0x15c: {  	v59 =	vmul.f32 v14, v8;
	v58 =	vld.idx.msk [tilespmem:v52+s31+$0x0], $0xffff;
	[tilespmem:s14+$0x60] =	vst v15  }
0x15d: {  	v56 =	vmul.f32 v16, v8;
	[tilespmem:s1+$0x20] =	vst v55;
	v15 =	vld.idx.msk [tilespmem:v48+s31+$0x0], $0xffff  }
0x15e: {  	[tilespmem:s6+$0x70] =	vst v59;
	v10 =	vmul.f32 v51, v8;
	v11 =	vld.idx.msk [tilespmem:v53+s31+$0x0], $0xffff  }
0x15f: {  	[tilespmem:s11+$0x70] =	vst v56;
	v62 =	vmul.f32 v57, v8  }
0x160: {  	[tilespmem:s0+$0x70] =	vst v10;
	v60 =	vmul.f32 v12, v8  }
0x161: {  	s24 =	smul.u32 $0x280000, s28;
	s25 =	sor.u32 s8, s26;
	p0 =	slt.u32 s29, $0x50;
	[tilespmem:s13+$0x70] =	vst v62;
	v63 =	vmul.f32 v58, v8  }
.Ltmp5:
0x162: {  	s3 =	sshll.u32 s25, $0xA;
	[tilespmem:s18+$0x30] =	vst v60;
	v61 =	vmul.f32 v15, v8;
	(pc) =	sbr.rel @p0 .LBB2_2-.Ltmp5, $4  }
.Ltmp6:
0x163: {  	s0 =	sor.u32 s24, s3;
	[tilespmem:s15+$0x70] =	vst v63;
	v8 =	vmul.f32 v11, v8;
	(pc) =	sbr.rel @!p0 .LBB2_12-.Ltmp6, $4  }
0x164: {  	s26 =	rddreg [dreg:$0x1];
	s28 =	simm.s32 $0x400;
	s0 =	sshrl.u32 s0, $0x3;
	[tilespmem:s14+$0x70] =	vst v61  }
0x165: {  	s0 =	sadd.s32 s26, s0;
	s31 =	simm.s32 $0x20000;
	[tilespmem:s1+$0x30] =	vst v8;
	s1 =	smov.u32 s29  }
0x166: {  	[hbm4b:s0+s28] =	stream.strided.scatter [tilespmem:s30], [sflag:$0x3], $0x5000, s31, s28, $0x38;
	[tilespmem:$0x1C900] =	vst v63  }
0x167: {  	_ = 	snop  }
.LBB2_4:
0x168: {  	p0 =	seq.s32 s1, $0x4F  }
.Ltmp7:
0x169: {  	_ = 	snop;
	(pc) =	sbr.rel @p0 .LBB2_7-.Ltmp7, $2  }
0x16a: {  	_ =	sdelay $0x2  }
0x16b: {  	s29 =	simm.s32 $0x50  }
0x16c: {  	p0 =	sne.s32 s26, $0x3  }
0x16d: {  	s3 =	simm.s32 @!p0 $0x4  }
0x16e: {  	_ =	swait.ge @!p0 [sflag:s3], $0x200  }
.Ltmp8:
0x16f: {  	[sflag:s3] =	ssyncset.done @!p0 $0x0;
	(pc) =	sbr.rel .LBB2_6-.Ltmp8, $4  }
0x170: {  	[sflag:s3] =	ssyncadd.s32 @!p0 $0xFFFFFE00  }
0x171: {  	_ =	swait.ge @!p0 [sflag:s3], $0x200  }
0x172: {  	[sflag:s3] =	ssyncset.done @!p0 $0x0  }
0x173: {  	s29 =	sadd.s32 $0x1, s1;
	[sflag:s3] =	ssyncadd.s32 @!p0 $0xFFFFFE00  }
.LBB2_13:
0x174: {  	_ =	sfence.sel $0x180000  }
0x175: {  	[bflag:$0x0] =	sbarrier.arrive $0xFFFF  }
0x176: {  	_ =	strace $0x90000047  }
0x177: {  	s0 =	stileid.u32;
	[bflag:$0x2] =	sbarrier.arrive $0xFFFF  }
0x178: {  	p0 =	sne.s32 s0, $0x0;
	s0 =	rddreg [dreg:$0x2]  }
0x179: {  	s0 =	sadd.s32 @!p0 $0x100000, s0  }
0x17a: {  	[sflag:s0] =	ssyncadd.tile.s32 @!p0 $0x1;
	_ =	shalt  }
.Lfunc_end2:
_tile_overlayer_lowered:
.L_overlay_start_2:
0x17b: {  	(tag) =	ssettag $0x2  }
0x17c: {  	s0 =	rddreg [dreg:$0x0];
	s2 =	stileid.u32  }
0x17d: {  	s1 =	rddreg [dreg:$0x1];
	p0 =	sne.s32 s2, $0x0  }
0x17e: {  	s3 =	rddreg [dreg:$0x2];
	[bflag:$0x3] =	sbarrier.arrive $0xFFFF;
	s2 =	simm.s32 @!p0 $0x1C05  }
0x17f: {  	[timem:s3], [sflag:s2] =	dma.local @!p0 [hbm:s0], s1  }
0x180: {  	s0 =	simm.s32 @!p0 $0x5  }
0x181: {  	_ =	swait.ge @!p0 [sflag:s0], s1  }
0x182: {  	s1 =	ssub.s32 @!p0 $0x0, s1;
	[sflag:s0] =	ssyncset.done @!p0 $0x0  }
0x183: {  	[sflag:s0] =	ssyncadd.s32 @!p0 s1  }
0x184: {  	[bflag:$0x3] =	sbarrier.arrive $0xFFFF  }
0x185: {  	_ =	shalt  }

</sc_bundles>
